<compile_context>
chip_gen: v7x
topology: tpu7x:2x2x1
jax: 0.10.2.dev20260603
libtpu: 0.0.44.dev20260713+nightly
codegen_flags: <defaults>
</compile_context>

<pallas_src>
import functools

import jax
import jax.numpy as jnp
from jax import lax
from jax.experimental import pallas as pl
from jax.experimental.pallas import tpu as pltpu
from jax.experimental.pallas import tpu_sc as plsc

_NC = 2
_NS = 16
_NW = _NC * _NS
_L = 16


def _make_sc_rowdma(B, D):
    b_per_w = B // _NW
    mesh = plsc.VectorSubcoreMesh(core_axis_name="c", subcore_axis_name="s")

    @functools.partial(
        pl.kernel,
        mesh=mesh,
        out_type=jax.ShapeDtypeStruct((B, D), jnp.float32),
        scratch_types=[
            pltpu.VMEM((2, D), jnp.float32),
            pltpu.VMEM((b_per_w,), jnp.int32),
            pltpu.SemaphoreType.DMA,
        ],
    )
    def k(table_hbm, idx_hbm, out_hbm, table_v, ids_v, sem):
        wid = lax.axis_index("s") * _NC + lax.axis_index("c")
        base = wid * b_per_w
        pltpu.sync_copy(table_hbm, table_v)
        pltpu.sync_copy(idx_hbm.at[pl.ds(base, b_per_w)], ids_v)

        def body(g, carry):
            p0 = g * 2 * _L
            idsv0 = ids_v[pl.ds(p0, _L)]
            idsv1 = ids_v[pl.ds(p0 + _L, _L)]
            for h, idsv in ((0, idsv0), (1, idsv1)):
                for j in range(_L):
                    row = idsv[j]
                    pltpu.async_copy(
                        table_v.at[pl.ds(row, 1)],
                        out_hbm.at[pl.ds(base + p0 + h * _L + j, 1)],
                        sem,
                    )
            for j in range(2 * _L):
                pltpu.make_async_copy(
                    table_v.at[pl.ds(0, 1)],
                    out_hbm.at[pl.ds(base + p0 + j, 1)],
                    sem,
                ).wait()
            return carry

        lax.fori_loop(0, b_per_w // (2 * _L), body, 0)

    return k


def kernel(speaker_id, emb_table):
    b, t = speaker_id.shape
    _, d = emb_table.shape
    flat_ids = speaker_id.reshape(b * t)
    fn = _make_sc_rowdma(b * t, d)
    out = fn(emb_table, flat_ids)
    return out.reshape(b, t, d)

# --- scband reference (transcript-rebuilt; emitter-appended) ---
"""Pipeline reference for scband-speaker-bios-embedding-37529424232795 (READ-ONLY COPY).

The authoritative reference and input builder live on the scoring server;
editing this copy changes nothing except your own understanding.
"""

import jax, jax.numpy as jnp
import numpy as np

BATCH = 4
SEQ = 8192
MODEL_DIM = 2048


def setup_inputs(seed: int = 0) -> dict:
    key = jax.random.key(seed)
    k1, k2 = jax.random.split(key)
    speaker_id = jax.random.randint(k1, (BATCH, SEQ), 0, 2, dtype=jnp.int32)
    emb_table = jax.random.normal(k2, (2, MODEL_DIM), dtype=jnp.float32) * 0.02
    return {"speaker_id": speaker_id, "emb_table": emb_table}


def reference(speaker_id, emb_table):
    # SpeakerBiosEmbedding.forward with bios_embedding=None:
    # pure embedding gather: (B, T) int -> (B, T, model_dim)
    speaker_vec = jnp.take(emb_table, speaker_id, axis=0)
    return speaker_vec

if __name__ == "__main__":
    import jax
    _d = setup_inputs()
    print(jax.jit(kernel)(*tuple(_d.values())))

</pallas_src>

<mosaic_0001>
#map = affine_map<(d0, d1) -> (0, 0)>
#map1 = affine_map<(d0, d1) -> (0)>
module attributes {stable_mosaic.version = 14 : i64} {
  func.func @k(%arg0: i32, %arg1: i32, %arg2: memref<2x2048xf32, #tpu.memory_space<hbm>>, %arg3: memref<32768xi32, #tpu.memory_space<hbm>>, %arg4: memref<32768x2048xf32, #tpu.memory_space<hbm>>, %arg5: memref<2x2048xf32, #tpu.memory_space<vmem>>, %arg6: memref<1024xi32, #tpu.memory_space<vmem>>, %arg7: memref<!tpu.dma_semaphore, #tpu.memory_space<semaphore_mem>>) attributes {dimension_semantics = [#tpu.dimension_semantics<core_parallel>, #tpu.dimension_semantics<subcore_parallel>], iteration_bounds = array<i64: 2, 16>, scalar_prefetch = 0 : i64, scratch_operands = 3 : i64, tpu.core_type = #tpu.core_type<sc_vector_subcore>, window_params = [{transform_indices = #map}, {transform_indices = #map1}, {transform_indices = #map}]} {
    %mul3A = arith.constant 2 : i32
    %mul3A_0 = arith.muli %arg1, %mul3A : i32
    %add3A = arith.addi %mul3A_0, %arg0 : i32
    %mul3A_1 = arith.constant 1024 : i32
    %mul3A_2 = arith.muli %add3A, %mul3A_1 : i32
    "tpu.region"() ({
      %run_scoped3A = tpu.sem_alloc : memref<!tpu.dma_semaphore, #tpu.memory_space<semaphore_mem>>
      tpu.enqueue_dma source(%arg2 : memref<2x2048xf32, #tpu.memory_space<hbm>>) target(%arg5 : memref<2x2048xf32, #tpu.memory_space<vmem>>) target_semaphore(%run_scoped3A : memref<!tpu.dma_semaphore, #tpu.memory_space<semaphore_mem>>)
      tpu.wait_dma2 semaphore(%run_scoped3A : memref<!tpu.dma_semaphore, #tpu.memory_space<semaphore_mem>>) src(%arg2 : memref<2x2048xf32, #tpu.memory_space<hbm>>) dst(%arg5 : memref<2x2048xf32, #tpu.memory_space<vmem>>)
      tpu.yield
    }) : () -> ()
    "tpu.region"() ({
      %run_scoped3A = tpu.sem_alloc : memref<!tpu.dma_semaphore, #tpu.memory_space<semaphore_mem>>
      %dma_start3A = tpu.memref_slice %arg3[%mul3A_2] : memref<32768xi32, #tpu.memory_space<hbm>> -> memref<1024xi32, #tpu.memory_space<hbm>>
      %dma_start3A_8 = tpu.memref_slice %arg3[%mul3A_2] : memref<32768xi32, #tpu.memory_space<hbm>> -> memref<1024xi32, #tpu.memory_space<hbm>>
      tpu.enqueue_dma source(%dma_start3A_8 : memref<1024xi32, #tpu.memory_space<hbm>>) target(%arg6 : memref<1024xi32, #tpu.memory_space<vmem>>) target_semaphore(%run_scoped3A : memref<!tpu.dma_semaphore, #tpu.memory_space<semaphore_mem>>)
      %dma_wait3A = tpu.memref_slice %arg3[%mul3A_2] : memref<32768xi32, #tpu.memory_space<hbm>> -> memref<1024xi32, #tpu.memory_space<hbm>>
      %dma_wait3A_9 = tpu.memref_slice %arg3[%mul3A_2] : memref<32768xi32, #tpu.memory_space<hbm>> -> memref<1024xi32, #tpu.memory_space<hbm>>
      tpu.wait_dma2 semaphore(%run_scoped3A : memref<!tpu.dma_semaphore, #tpu.memory_space<semaphore_mem>>) src(%dma_wait3A_9 : memref<1024xi32, #tpu.memory_space<hbm>>) dst(%arg6 : memref<1024xi32, #tpu.memory_space<vmem>>)
      tpu.yield
    }) : () -> ()
    %scan3A = arith.constant 0 : i32
    %scan3A_3 = arith.constant 0 : i32
    %scan3A_4 = arith.constant 32 : i32
    %scan3A_5 = arith.addi %scan3A_3, %scan3A_4 : i32
    %scan3A_6 = arith.constant 1 : i32
    scf.for %scan3A_8 = %scan3A_3 to %scan3A_5 step %scan3A_6  : i32 {
      %mul3A_9 = arith.constant 2 : i32
      %mul3A_10 = arith.muli %scan3A_8, %mul3A_9 : i32
      %mul3A_11 = arith.constant 16 : i32
      %mul3A_12 = arith.muli %mul3A_10, %mul3A_11 : i32
      %get3A = arith.index_cast %mul3A_12 : i32 to index
      %get3A_13 = tpu.vector_load %arg6[%get3A] {strides = array<i32>} : memref<1024xi32, #tpu.memory_space<vmem>>, vector<16xi32>,
      %get3A_14 = vector.shape_cast %get3A_13 : vector<16xi32> to vector<16xi32>
      %add3A_15 = arith.constant 16 : i32
      %add3A_16 = arith.addi %mul3A_12, %add3A_15 : i32
      %get3A_17 = arith.index_cast %add3A_16 : i32 to index
      %get3A_18 = tpu.vector_load %arg6[%get3A_17] {strides = array<i32>} : memref<1024xi32, #tpu.memory_space<vmem>>, vector<16xi32>,
      %get3A_19 = vector.shape_cast %get3A_18 : vector<16xi32> to vector<16xi32>
      %slice3A = vector.extract_strided_slice %get3A_14 {offsets = [0], sizes = [1], strides = [1]} : vector<16xi32> to vector<1xi32>
      %squeeze3A = vector.extract %slice3A[0] : i32 from vector<1xi32>
      %add3A_20 = arith.addi %mul3A_2, %mul3A_12 : i32
      %add3A_21 = arith.constant 0 : i32
      %add3A_22 = arith.addi %add3A_20, %add3A_21 : i32
      %add3A_23 = arith.constant 0 : i32
      %add3A_24 = arith.addi %add3A_22, %add3A_23 : i32
      %dma_start3A = arith.constant 0 : i32
      %dma_start3A_25 = tpu.memref_slice %arg5[%squeeze3A, %dma_start3A] : memref<2x2048xf32, #tpu.memory_space<vmem>> -> memref<1x2048xf32, #tpu.memory_space<vmem>>
      %dma_start3A_26 = arith.constant 0 : i32
      %dma_start3A_27 = tpu.memref_slice %arg4[%add3A_24, %dma_start3A_26] : memref<32768x2048xf32, #tpu.memory_space<hbm>> -> memref<1x2048xf32, #tpu.memory_space<hbm>>
      %dma_start3A_28 = arith.constant 0 : i32
      %dma_start3A_29 = tpu.memref_slice %arg4[%add3A_24, %dma_start3A_28] : memref<32768x2048xf32, #tpu.memory_space<hbm>> -> memref<1x2048xf32, #tpu.memory_space<hbm>>
      %dma_start3A_30 = arith.constant 0 : i32
      %dma_start3A_31 = tpu.memref_slice %arg5[%squeeze3A, %dma_start3A_30] : memref<2x2048xf32, #tpu.memory_space<vmem>> -> memref<1x2048xf32, #tpu.memory_space<vmem>>
      tpu.enqueue_dma source(%dma_start3A_31 : memref<1x2048xf32, #tpu.memory_space<vmem>>) target(%dma_start3A_29 : memref<1x2048xf32, #tpu.memory_space<hbm>>) target_semaphore(%arg7 : memref<!tpu.dma_semaphore, #tpu.memory_space<semaphore_mem>>)
      %slice3A_32 = vector.extract_strided_slice %get3A_14 {offsets = [1], sizes = [1], strides = [1]} : vector<16xi32> to vector<1xi32>
      %squeeze3A_33 = vector.extract %slice3A_32[0] : i32 from vector<1xi32>
      %add3A_34 = arith.addi %mul3A_2, %mul3A_12 : i32
      %add3A_35 = arith.constant 0 : i32
      %add3A_36 = arith.addi %add3A_34, %add3A_35 : i32
      %add3A_37 = arith.constant 1 : i32
      %add3A_38 = arith.addi %add3A_36, %add3A_37 : i32
      %dma_start3A_39 = arith.constant 0 : i32
      %dma_start3A_40 = tpu.memref_slice %arg5[%squeeze3A_33, %dma_start3A_39] : memref<2x2048xf32, #tpu.memory_space<vmem>> -> memref<1x2048xf32, #tpu.memory_space<vmem>>
      %dma_start3A_41 = arith.constant 0 : i32
      %dma_start3A_42 = tpu.memref_slice %arg4[%add3A_38, %dma_start3A_41] : memref<32768x2048xf32, #tpu.memory_space<hbm>> -> memref<1x2048xf32, #tpu.memory_space<hbm>>
      %dma_start3A_43 = arith.constant 0 : i32
      %dma_start3A_44 = tpu.memref_slice %arg4[%add3A_38, %dma_start3A_43] : memref<32768x2048xf32, #tpu.memory_space<hbm>> -> memref<1x2048xf32, #tpu.memory_space<hbm>>
      %dma_start3A_45 = arith.constant 0 : i32
      %dma_start3A_46 = tpu.memref_slice %arg5[%squeeze3A_33, %dma_start3A_45] : memref<2x2048xf32, #tpu.memory_space<vmem>> -> memref<1x2048xf32, #tpu.memory_space<vmem>>
      tpu.enqueue_dma source(%dma_start3A_46 : memref<1x2048xf32, #tpu.memory_space<vmem>>) target(%dma_start3A_44 : memref<1x2048xf32, #tpu.memory_space<hbm>>) target_semaphore(%arg7 : memref<!tpu.dma_semaphore, #tpu.memory_space<semaphore_mem>>)
      %slice3A_47 = vector.extract_strided_slice %get3A_14 {offsets = [2], sizes = [1], strides = [1]} : vector<16xi32> to vector<1xi32>
      %squeeze3A_48 = vector.extract %slice3A_47[0] : i32 from vector<1xi32>
      %add3A_49 = arith.addi %mul3A_2, %mul3A_12 : i32
      %add3A_50 = arith.constant 0 : i32
      %add3A_51 = arith.addi %add3A_49, %add3A_50 : i32
      %add3A_52 = arith.constant 2 : i32
      %add3A_53 = arith.addi %add3A_51, %add3A_52 : i32
      %dma_start3A_54 = arith.constant 0 : i32
      %dma_start3A_55 = tpu.memref_slice %arg5[%squeeze3A_48, %dma_start3A_54] : memref<2x2048xf32, #tpu.memory_space<vmem>> -> memref<1x2048xf32, #tpu.memory_space<vmem>>
      %dma_start3A_56 = arith.constant 0 : i32
      %dma_start3A_57 = tpu.memref_slice %arg4[%add3A_53, %dma_start3A_56] : memref<32768x2048xf32, #tpu.memory_space<hbm>> -> memref<1x2048xf32, #tpu.memory_space<hbm>>
      %dma_start3A_58 = arith.constant 0 : i32
      %dma_start3A_59 = tpu.memref_slice %arg4[%add3A_53, %dma_start3A_58] : memref<32768x2048xf32, #tpu.memory_space<hbm>> -> memref<1x2048xf32, #tpu.memory_space<hbm>>
      %dma_start3A_60 = arith.constant 0 : i32
      %dma_start3A_61 = tpu.memref_slice %arg5[%squeeze3A_48, %dma_start3A_60] : memref<2x2048xf32, #tpu.memory_space<vmem>> -> memref<1x2048xf32, #tpu.memory_space<vmem>>
      tpu.enqueue_dma source(%dma_start3A_61 : memref<1x2048xf32, #tpu.memory_space<vmem>>) target(%dma_start3A_59 : memref<1x2048xf32, #tpu.memory_space<hbm>>) target_semaphore(%arg7 : memref<!tpu.dma_semaphore, #tpu.memory_space<semaphore_mem>>)
      %slice3A_62 = vector.extract_strided_slice %get3A_14 {offsets = [3], sizes = [1], strides = [1]} : vector<16xi32> to vector<1xi32>
      %squeeze3A_63 = vector.extract %slice3A_62[0] : i32 from vector<1xi32>
      %add3A_64 = arith.addi %mul3A_2, %mul3A_12 : i32
      %add3A_65 = arith.constant 0 : i32
      %add3A_66 = arith.addi %add3A_64, %add3A_65 : i32
      %add3A_67 = arith.constant 3 : i32
      %add3A_68 = arith.addi %add3A_66, %add3A_67 : i32
      %dma_start3A_69 = arith.constant 0 : i32
      %dma_start3A_70 = tpu.memref_slice %arg5[%squeeze3A_63, %dma_start3A_69] : memref<2x2048xf32, #tpu.memory_space<vmem>> -> memref<1x2048xf32, #tpu.memory_space<vmem>>
      %dma_start3A_71 = arith.constant 0 : i32
      %dma_start3A_72 = tpu.memref_slice %arg4[%add3A_68, %dma_start3A_71] : memref<32768x2048xf32, #tpu.memory_space<hbm>> -> memref<1x2048xf32, #tpu.memory_space<hbm>>
      %dma_start3A_73 = arith.constant 0 : i32
      %dma_start3A_74 = tpu.memref_slice %arg4[%add3A_68, %dma_start3A_73] : memref<32768x2048xf32, #tpu.memory_space<hbm>> -> memref<1x2048xf32, #tpu.memory_space<hbm>>
      %dma_start3A_75 = arith.constant 0 : i32
      %dma_start3A_76 = tpu.memref_slice %arg5[%squeeze3A_63, %dma_start3A_75] : memref<2x2048xf32, #tpu.memory_space<vmem>> -> memref<1x2048xf32, #tpu.memory_space<vmem>>
      tpu.enqueue_dma source(%dma_start3A_76 : memref<1x2048xf32, #tpu.memory_space<vmem>>) target(%dma_start3A_74 : memref<1x2048xf32, #tpu.memory_space<hbm>>) target_semaphore(%arg7 : memref<!tpu.dma_semaphore, #tpu.memory_space<semaphore_mem>>)
      %slice3A_77 = vector.extract_strided_slice %get3A_14 {offsets = [4], sizes = [1], strides = [1]} : vector<16xi32> to vector<1xi32>
      %squeeze3A_78 = vector.extract %slice3A_77[0] : i32 from vector<1xi32>
      %add3A_79 = arith.addi %mul3A_2, %mul3A_12 : i32
      %add3A_80 = arith.constant 0 : i32
      %add3A_81 = arith.addi %add3A_79, %add3A_80 : i32
      %add3A_82 = arith.constant 4 : i32
      %add3A_83 = arith.addi %add3A_81, %add3A_82 : i32
      %dma_start3A_84 = arith.constant 0 : i32
      %dma_start3A_85 = tpu.memref_slice %arg5[%squeeze3A_78, %dma_start3A_84] : memref<2x2048xf32, #tpu.memory_space<vmem>> -> memref<1x2048xf32, #tpu.memory_space<vmem>>
      %dma_start3A_86 = arith.constant 0 : i32
      %dma_start3A_87 = tpu.memref_slice %arg4[%add3A_83, %dma_start3A_86] : memref<32768x2048xf32, #tpu.memory_space<hbm>> -> memref<1x2048xf32, #tpu.memory_space<hbm>>
      %dma_start3A_88 = arith.constant 0 : i32
      %dma_start3A_89 = tpu.memref_slice %arg4[%add3A_83, %dma_start3A_88] : memref<32768x2048xf32, #tpu.memory_space<hbm>> -> memref<1x2048xf32, #tpu.memory_space<hbm>>
      %dma_start3A_90 = arith.constant 0 : i32
      %dma_start3A_91 = tpu.memref_slice %arg5[%squeeze3A_78, %dma_start3A_90] : memref<2x2048xf32, #tpu.memory_space<vmem>> -> memref<1x2048xf32, #tpu.memory_space<vmem>>
      tpu.enqueue_dma source(%dma_start3A_91 : memref<1x2048xf32, #tpu.memory_space<vmem>>) target(%dma_start3A_89 : memref<1x2048xf32, #tpu.memory_space<hbm>>) target_semaphore(%arg7 : memref<!tpu.dma_semaphore, #tpu.memory_space<semaphore_mem>>)
      %slice3A_92 = vector.extract_strided_slice %get3A_14 {offsets = [5], sizes = [1], strides = [1]} : vector<16xi32> to vector<1xi32>
      %squeeze3A_93 = vector.extract %slice3A_92[0] : i32 from vector<1xi32>
      %add3A_94 = arith.addi %mul3A_2, %mul3A_12 : i32
      %add3A_95 = arith.constant 0 : i32
      %add3A_96 = arith.addi %add3A_94, %add3A_95 : i32
      %add3A_97 = arith.constant 5 : i32
      %add3A_98 = arith.addi %add3A_96, %add3A_97 : i32
      %dma_start3A_99 = arith.constant 0 : i32
      %dma_start3A_100 = tpu.memref_slice %arg5[%squeeze3A_93, %dma_start3A_99] : memref<2x2048xf32, #tpu.memory_space<vmem>> -> memref<1x2048xf32, #tpu.memory_space<vmem>>
      %dma_start3A_101 = arith.constant 0 : i32
      %dma_start3A_102 = tpu.memref_slice %arg4[%add3A_98, %dma_start3A_101] : memref<32768x2048xf32, #tpu.memory_space<hbm>> -> memref<1x2048xf32, #tpu.memory_space<hbm>>
      %dma_start3A_103 = arith.constant 0 : i32
      %dma_start3A_104 = tpu.memref_slice %arg4[%add3A_98, %dma_start3A_103] : memref<32768x2048xf32, #tpu.memory_space<hbm>> -> memref<1x2048xf32, #tpu.memory_space<hbm>>
      %dma_start3A_105 = arith.constant 0 : i32
      %dma_start3A_106 = tpu.memref_slice %arg5[%squeeze3A_93, %dma_start3A_105] : memref<2x2048xf32, #tpu.memory_space<vmem>> -> memref<1x2048xf32, #tpu.memory_space<vmem>>
      tpu.enqueue_dma source(%dma_start3A_106 : memref<1x2048xf32, #tpu.memory_space<vmem>>) target(%dma_start3A_104 : memref<1x2048xf32, #tpu.memory_space<hbm>>) target_semaphore(%arg7 : memref<!tpu.dma_semaphore, #tpu.memory_space<semaphore_mem>>)
      %slice3A_107 = vector.extract_strided_slice %get3A_14 {offsets = [6], sizes = [1], strides = [1]} : vector<16xi32> to vector<1xi32>
      %squeeze3A_108 = vector.extract %slice3A_107[0] : i32 from vector<1xi32>
      %add3A_109 = arith.addi %mul3A_2, %mul3A_12 : i32
      %add3A_110 = arith.constant 0 : i32
      %add3A_111 = arith.addi %add3A_109, %add3A_110 : i32
      %add3A_112 = arith.constant 6 : i32
      %add3A_113 = arith.addi %add3A_111, %add3A_112 : i32
      %dma_start3A_114 = arith.constant 0 : i32
      %dma_start3A_115 = tpu.memref_slice %arg5[%squeeze3A_108, %dma_start3A_114] : memref<2x2048xf32, #tpu.memory_space<vmem>> -> memref<1x2048xf32, #tpu.memory_space<vmem>>
      %dma_start3A_116 = arith.constant 0 : i32
      %dma_start3A_117 = tpu.memref_slice %arg4[%add3A_113, %dma_start3A_116] : memref<32768x2048xf32, #tpu.memory_space<hbm>> -> memref<1x2048xf32, #tpu.memory_space<hbm>>
      %dma_start3A_118 = arith.constant 0 : i32
      %dma_start3A_119 = tpu.memref_slice %arg4[%add3A_113, %dma_start3A_118] : memref<32768x2048xf32, #tpu.memory_space<hbm>> -> memref<1x2048xf32, #tpu.memory_space<hbm>>
      %dma_start3A_120 = arith.constant 0 : i32
      %dma_start3A_121 = tpu.memref_slice %arg5[%squeeze3A_108, %dma_start3A_120] : memref<2x2048xf32, #tpu.memory_space<vmem>> -> memref<1x2048xf32, #tpu.memory_space<vmem>>
      tpu.enqueue_dma source(%dma_start3A_121 : memref<1x2048xf32, #tpu.memory_space<vmem>>) target(%dma_start3A_119 : memref<1x2048xf32, #tpu.memory_space<hbm>>) target_semaphore(%arg7 : memref<!tpu.dma_semaphore, #tpu.memory_space<semaphore_mem>>)
      %slice3A_122 = vector.extract_strided_slice %get3A_14 {offsets = [7], sizes = [1], strides = [1]} : vector<16xi32> to vector<1xi32>
      %squeeze3A_123 = vector.extract %slice3A_122[0] : i32 from vector<1xi32>
      %add3A_124 = arith.addi %mul3A_2, %mul3A_12 : i32
      %add3A_125 = arith.constant 0 : i32
      %add3A_126 = arith.addi %add3A_124, %add3A_125 : i32
      %add3A_127 = arith.constant 7 : i32
      %add3A_128 = arith.addi %add3A_126, %add3A_127 : i32
      %dma_start3A_129 = arith.constant 0 : i32
      %dma_start3A_130 = tpu.memref_slice %arg5[%squeeze3A_123, %dma_start3A_129] : memref<2x2048xf32, #tpu.memory_space<vmem>> -> memref<1x2048xf32, #tpu.memory_space<vmem>>
      %dma_start3A_131 = arith.constant 0 : i32
      %dma_start3A_132 = tpu.memref_slice %arg4[%add3A_128, %dma_start3A_131] : memref<32768x2048xf32, #tpu.memory_space<hbm>> -> memref<1x2048xf32, #tpu.memory_space<hbm>>
      %dma_start3A_133 = arith.constant 0 : i32
      %dma_start3A_134 = tpu.memref_slice %arg4[%add3A_128, %dma_start3A_133] : memref<32768x2048xf32, #tpu.memory_space<hbm>> -> memref<1x2048xf32, #tpu.memory_space<hbm>>
      %dma_start3A_135 = arith.constant 0 : i32
      %dma_start3A_136 = tpu.memref_slice %arg5[%squeeze3A_123, %dma_start3A_135] : memref<2x2048xf32, #tpu.memory_space<vmem>> -> memref<1x2048xf32, #tpu.memory_space<vmem>>
      tpu.enqueue_dma source(%dma_start3A_136 : memref<1x2048xf32, #tpu.memory_space<vmem>>) target(%dma_start3A_134 : memref<1x2048xf32, #tpu.memory_space<hbm>>) target_semaphore(%arg7 : memref<!tpu.dma_semaphore, #tpu.memory_space<semaphore_mem>>)
      %slice3A_137 = vector.extract_strided_slice %get3A_14 {offsets = [8], sizes = [1], strides = [1]} : vector<16xi32> to vector<1xi32>
      %squeeze3A_138 = vector.extract %slice3A_137[0] : i32 from vector<1xi32>
      %add3A_139 = arith.addi %mul3A_2, %mul3A_12 : i32
      %add3A_140 = arith.constant 0 : i32
      %add3A_141 = arith.addi %add3A_139, %add3A_140 : i32
      %add3A_142 = arith.constant 8 : i32
      %add3A_143 = arith.addi %add3A_141, %add3A_142 : i32
      %dma_start3A_144 = arith.constant 0 : i32
      %dma_start3A_145 = tpu.memref_slice %arg5[%squeeze3A_138, %dma_start3A_144] : memref<2x2048xf32, #tpu.memory_space<vmem>> -> memref<1x2048xf32, #tpu.memory_space<vmem>>
      %dma_start3A_146 = arith.constant 0 : i32
      %dma_start3A_147 = tpu.memref_slice %arg4[%add3A_143, %dma_start3A_146] : memref<32768x2048xf32, #tpu.memory_space<hbm>> -> memref<1x2048xf32, #tpu.memory_space<hbm>>
      %dma_start3A_148 = arith.constant 0 : i32
      %dma_start3A_149 = tpu.memref_slice %arg4[%add3A_143, %dma_start3A_148] : memref<32768x2048xf32, #tpu.memory_space<hbm>> -> memref<1x2048xf32, #tpu.memory_space<hbm>>
      %dma_start3A_150 = arith.constant 0 : i32
      %dma_start3A_151 = tpu.memref_slice %arg5[%squeeze3A_138, %dma_start3A_150] : memref<2x2048xf32, #tpu.memory_space<vmem>> -> memref<1x2048xf32, #tpu.memory_space<vmem>>
      tpu.enqueue_dma source(%dma_start3A_151 : memref<1x2048xf32, #tpu.memory_space<vmem>>) target(%dma_start3A_149 : memref<1x2048xf32, #tpu.memory_space<hbm>>) target_semaphore(%arg7 : memref<!tpu.dma_semaphore, #tpu.memory_space<semaphore_mem>>)
      %slice3A_152 = vector.extract_strided_slice %get3A_14 {offsets = [9], sizes = [1], strides = [1]} : vector<16xi32> to vector<1xi32>
      %squeeze3A_153 = vector.extract %slice3A_152[0] : i32 from vector<1xi32>
      %add3A_154 = arith.addi %mul3A_2, %mul3A_12 : i32
      %add3A_155 = arith.constant 0 : i32
      %add3A_156 = arith.addi %add3A_154, %add3A_155 : i32
      %add3A_157 = arith.constant 9 : i32
      %add3A_158 = arith.addi %add3A_156, %add3A_157 : i32
      %dma_start3A_159 = arith.constant 0 : i32
      %dma_start3A_160 = tpu.memref_slice %arg5[%squeeze3A_153, %dma_start3A_159] : memref<2x2048xf32, #tpu.memory_space<vmem>> -> memref<1x2048xf32, #tpu.memory_space<vmem>>
      %dma_start3A_161 = arith.constant 0 : i32
      %dma_start3A_162 = tpu.memref_slice %arg4[%add3A_158, %dma_start3A_161] : memref<32768x2048xf32, #tpu.memory_space<hbm>> -> memref<1x2048xf32, #tpu.memory_space<hbm>>
      %dma_start3A_163 = arith.constant 0 : i32
      %dma_start3A_164 = tpu.memref_slice %arg4[%add3A_158, %dma_start3A_163] : memref<32768x2048xf32, #tpu.memory_space<hbm>> -> memref<1x2048xf32, #tpu.memory_space<hbm>>
      %dma_start3A_165 = arith.constant 0 : i32
      %dma_start3A_166 = tpu.memref_slice %arg5[%squeeze3A_153, %dma_start3A_165] : memref<2x2048xf32, #tpu.memory_space<vmem>> -> memref<1x2048xf32, #tpu.memory_space<vmem>>
      tpu.enqueue_dma source(%dma_start3A_166 : memref<1x2048xf32, #tpu.memory_space<vmem>>) target(%dma_start3A_164 : memref<1x2048xf32, #tpu.memory_space<hbm>>) target_semaphore(%arg7 : memref<!tpu.dma_semaphore, #tpu.memory_space<semaphore_mem>>)
      %slice3A_167 = vector.extract_strided_slice %get3A_14 {offsets = [10], sizes = [1], strides = [1]} : vector<16xi32> to vector<1xi32>
      %squeeze3A_168 = vector.extract %slice3A_167[0] : i32 from vector<1xi32>
      %add3A_169 = arith.addi %mul3A_2, %mul3A_12 : i32
      %add3A_170 = arith.constant 0 : i32
      %add3A_171 = arith.addi %add3A_169, %add3A_170 : i32
      %add3A_172 = arith.constant 10 : i32
      %add3A_173 = arith.addi %add3A_171, %add3A_172 : i32
      %dma_start3A_174 = arith.constant 0 : i32
      %dma_start3A_175 = tpu.memref_slice %arg5[%squeeze3A_168, %dma_start3A_174] : memref<2x2048xf32, #tpu.memory_space<vmem>> -> memref<1x2048xf32, #tpu.memory_space<vmem>>
      %dma_start3A_176 = arith.constant 0 : i32
      %dma_start3A_177 = tpu.memref_slice %arg4[%add3A_173, %dma_start3A_176] : memref<32768x2048xf32, #tpu.memory_space<hbm>> -> memref<1x2048xf32, #tpu.memory_space<hbm>>
      %dma_start3A_178 = arith.constant 0 : i32
      %dma_start3A_179 = tpu.memref_slice %arg4[%add3A_173, %dma_start3A_178] : memref<32768x2048xf32, #tpu.memory_space<hbm>> -> memref<1x2048xf32, #tpu.memory_space<hbm>>
      %dma_start3A_180 = arith.constant 0 : i32
      %dma_start3A_181 = tpu.memref_slice %arg5[%squeeze3A_168, %dma_start3A_180] : memref<2x2048xf32, #tpu.memory_space<vmem>> -> memref<1x2048xf32, #tpu.memory_space<vmem>>
      tpu.enqueue_dma source(%dma_start3A_181 : memref<1x2048xf32, #tpu.memory_space<vmem>>) target(%dma_start3A_179 : memref<1x2048xf32, #tpu.memory_space<hbm>>) target_semaphore(%arg7 : memref<!tpu.dma_semaphore, #tpu.memory_space<semaphore_mem>>)
      %slice3A_182 = vector.extract_strided_slice %get3A_14 {offsets = [11], sizes = [1], strides = [1]} : vector<16xi32> to vector<1xi32>
      %squeeze3A_183 = vector.extract %slice3A_182[0] : i32 from vector<1xi32>
      %add3A_184 = arith.addi %mul3A_2, %mul3A_12 : i32
      %add3A_185 = arith.constant 0 : i32
      %add3A_186 = arith.addi %add3A_184, %add3A_185 : i32
      %add3A_187 = arith.constant 11 : i32
      %add3A_188 = arith.addi %add3A_186, %add3A_187 : i32
      %dma_start3A_189 = arith.constant 0 : i32
      %dma_start3A_190 = tpu.memref_slice %arg5[%squeeze3A_183, %dma_start3A_189] : memref<2x2048xf32, #tpu.memory_space<vmem>> -> memref<1x2048xf32, #tpu.memory_space<vmem>>
      %dma_start3A_191 = arith.constant 0 : i32
      %dma_start3A_192 = tpu.memref_slice %arg4[%add3A_188, %dma_start3A_191] : memref<32768x2048xf32, #tpu.memory_space<hbm>> -> memref<1x2048xf32, #tpu.memory_space<hbm>>
      %dma_start3A_193 = arith.constant 0 : i32
      %dma_start3A_194 = tpu.memref_slice %arg4[%add3A_188, %dma_start3A_193] : memref<32768x2048xf32, #tpu.memory_space<hbm>> -> memref<1x2048xf32, #tpu.memory_space<hbm>>
      %dma_start3A_195 = arith.constant 0 : i32
      %dma_start3A_196 = tpu.memref_slice %arg5[%squeeze3A_183, %dma_start3A_195] : memref<2x2048xf32, #tpu.memory_space<vmem>> -> memref<1x2048xf32, #tpu.memory_space<vmem>>
      tpu.enqueue_dma source(%dma_start3A_196 : memref<1x2048xf32, #tpu.memory_space<vmem>>) target(%dma_start3A_194 : memref<1x2048xf32, #tpu.memory_space<hbm>>) target_semaphore(%arg7 : memref<!tpu.dma_semaphore, #tpu.memory_space<semaphore_mem>>)
      %slice3A_197 = vector.extract_strided_slice %get3A_14 {offsets = [12], sizes = [1], strides = [1]} : vector<16xi32> to vector<1xi32>
      %squeeze3A_198 = vector.extract %slice3A_197[0] : i32 from vector<1xi32>
      %add3A_199 = arith.addi %mul3A_2, %mul3A_12 : i32
      %add3A_200 = arith.constant 0 : i32
      %add3A_201 = arith.addi %add3A_199, %add3A_200 : i32
      %add3A_202 = arith.constant 12 : i32
      %add3A_203 = arith.addi %add3A_201, %add3A_202 : i32
      %dma_start3A_204 = arith.constant 0 : i32
      %dma_start3A_205 = tpu.memref_slice %arg5[%squeeze3A_198, %dma_start3A_204] : memref<2x2048xf32, #tpu.memory_space<vmem>> -> memref<1x2048xf32, #tpu.memory_space<vmem>>
      %dma_start3A_206 = arith.constant 0 : i32
      %dma_start3A_207 = tpu.memref_slice %arg4[%add3A_203, %dma_start3A_206] : memref<32768x2048xf32, #tpu.memory_space<hbm>> -> memref<1x2048xf32, #tpu.memory_space<hbm>>
      %dma_start3A_208 = arith.constant 0 : i32
      %dma_start3A_209 = tpu.memref_slice %arg4[%add3A_203, %dma_start3A_208] : memref<32768x2048xf32, #tpu.memory_space<hbm>> -> memref<1x2048xf32, #tpu.memory_space<hbm>>
      %dma_start3A_210 = arith.constant 0 : i32
      %dma_start3A_211 = tpu.memref_slice %arg5[%squeeze3A_198, %dma_start3A_210] : memref<2x2048xf32, #tpu.memory_space<vmem>> -> memref<1x2048xf32, #tpu.memory_space<vmem>>
      tpu.enqueue_dma source(%dma_start3A_211 : memref<1x2048xf32, #tpu.memory_space<vmem>>) target(%dma_start3A_209 : memref<1x2048xf32, #tpu.memory_space<hbm>>) target_semaphore(%arg7 : memref<!tpu.dma_semaphore, #tpu.memory_space<semaphore_mem>>)
      %slice3A_212 = vector.extract_strided_slice %get3A_14 {offsets = [13], sizes = [1], strides = [1]} : vector<16xi32> to vector<1xi32>
      %squeeze3A_213 = vector.extract %slice3A_212[0] : i32 from vector<1xi32>
      %add3A_214 = arith.addi %mul3A_2, %mul3A_12 : i32
      %add3A_215 = arith.constant 0 : i32
      %add3A_216 = arith.addi %add3A_214, %add3A_215 : i32
      %add3A_217 = arith.constant 13 : i32
      %add3A_218 = arith.addi %add3A_216, %add3A_217 : i32
      %dma_start3A_219 = arith.constant 0 : i32
      %dma_start3A_220 = tpu.memref_slice %arg5[%squeeze3A_213, %dma_start3A_219] : memref<2x2048xf32, #tpu.memory_space<vmem>> -> memref<1x2048xf32, #tpu.memory_space<vmem>>
      %dma_start3A_221 = arith.constant 0 : i32
      %dma_start3A_222 = tpu.memref_slice %arg4[%add3A_218, %dma_start3A_221] : memref<32768x2048xf32, #tpu.memory_space<hbm>> -> memref<1x2048xf32, #tpu.memory_space<hbm>>
      %dma_start3A_223 = arith.constant 0 : i32
      %dma_start3A_224 = tpu.memref_slice %arg4[%add3A_218, %dma_start3A_223] : memref<32768x2048xf32, #tpu.memory_space<hbm>> -> memref<1x2048xf32, #tpu.memory_space<hbm>>
      %dma_start3A_225 = arith.constant 0 : i32
      %dma_start3A_226 = tpu.memref_slice %arg5[%squeeze3A_213, %dma_start3A_225] : memref<2x2048xf32, #tpu.memory_space<vmem>> -> memref<1x2048xf32, #tpu.memory_space<vmem>>
      tpu.enqueue_dma source(%dma_start3A_226 : memref<1x2048xf32, #tpu.memory_space<vmem>>) target(%dma_start3A_224 : memref<1x2048xf32, #tpu.memory_space<hbm>>) target_semaphore(%arg7 : memref<!tpu.dma_semaphore, #tpu.memory_space<semaphore_mem>>)
      %slice3A_227 = vector.extract_strided_slice %get3A_14 {offsets = [14], sizes = [1], strides = [1]} : vector<16xi32> to vector<1xi32>
      %squeeze3A_228 = vector.extract %slice3A_227[0] : i32 from vector<1xi32>
      %add3A_229 = arith.addi %mul3A_2, %mul3A_12 : i32
      %add3A_230 = arith.constant 0 : i32
      %add3A_231 = arith.addi %add3A_229, %add3A_230 : i32
      %add3A_232 = arith.constant 14 : i32
      %add3A_233 = arith.addi %add3A_231, %add3A_232 : i32
      %dma_start3A_234 = arith.constant 0 : i32
      %dma_start3A_235 = tpu.memref_slice %arg5[%squeeze3A_228, %dma_start3A_234] : memref<2x2048xf32, #tpu.memory_space<vmem>> -> memref<1x2048xf32, #tpu.memory_space<vmem>>
      %dma_start3A_236 = arith.constant 0 : i32
      %dma_start3A_237 = tpu.memref_slice %arg4[%add3A_233, %dma_start3A_236] : memref<32768x2048xf32, #tpu.memory_space<hbm>> -> memref<1x2048xf32, #tpu.memory_space<hbm>>
      %dma_start3A_238 = arith.constant 0 : i32
      %dma_start3A_239 = tpu.memref_slice %arg4[%add3A_233, %dma_start3A_238] : memref<32768x2048xf32, #tpu.memory_space<hbm>> -> memref<1x2048xf32, #tpu.memory_space<hbm>>
      %dma_start3A_240 = arith.constant 0 : i32
      %dma_start3A_241 = tpu.memref_slice %arg5[%squeeze3A_228, %dma_start3A_240] : memref<2x2048xf32, #tpu.memory_space<vmem>> -> memref<1x2048xf32, #tpu.memory_space<vmem>>
      tpu.enqueue_dma source(%dma_start3A_241 : memref<1x2048xf32, #tpu.memory_space<vmem>>) target(%dma_start3A_239 : memref<1x2048xf32, #tpu.memory_space<hbm>>) target_semaphore(%arg7 : memref<!tpu.dma_semaphore, #tpu.memory_space<semaphore_mem>>)
      %slice3A_242 = vector.extract_strided_slice %get3A_14 {offsets = [15], sizes = [1], strides = [1]} : vector<16xi32> to vector<1xi32>
      %squeeze3A_243 = vector.extract %slice3A_242[0] : i32 from vector<1xi32>
      %add3A_244 = arith.addi %mul3A_2, %mul3A_12 : i32
      %add3A_245 = arith.constant 0 : i32
      %add3A_246 = arith.addi %add3A_244, %add3A_245 : i32
      %add3A_247 = arith.constant 15 : i32
      %add3A_248 = arith.addi %add3A_246, %add3A_247 : i32
      %dma_start3A_249 = arith.constant 0 : i32
      %dma_start3A_250 = tpu.memref_slice %arg5[%squeeze3A_243, %dma_start3A_249] : memref<2x2048xf32, #tpu.memory_space<vmem>> -> memref<1x2048xf32, #tpu.memory_space<vmem>>
      %dma_start3A_251 = arith.constant 0 : i32
      %dma_start3A_252 = tpu.memref_slice %arg4[%add3A_248, %dma_start3A_251] : memref<32768x2048xf32, #tpu.memory_space<hbm>> -> memref<1x2048xf32, #tpu.memory_space<hbm>>
      %dma_start3A_253 = arith.constant 0 : i32
      %dma_start3A_254 = tpu.memref_slice %arg4[%add3A_248, %dma_start3A_253] : memref<32768x2048xf32, #tpu.memory_space<hbm>> -> memref<1x2048xf32, #tpu.memory_space<hbm>>
      %dma_start3A_255 = arith.constant 0 : i32
      %dma_start3A_256 = tpu.memref_slice %arg5[%squeeze3A_243, %dma_start3A_255] : memref<2x2048xf32, #tpu.memory_space<vmem>> -> memref<1x2048xf32, #tpu.memory_space<vmem>>
      tpu.enqueue_dma source(%dma_start3A_256 : memref<1x2048xf32, #tpu.memory_space<vmem>>) target(%dma_start3A_254 : memref<1x2048xf32, #tpu.memory_space<hbm>>) target_semaphore(%arg7 : memref<!tpu.dma_semaphore, #tpu.memory_space<semaphore_mem>>)
      %slice3A_257 = vector.extract_strided_slice %get3A_19 {offsets = [0], sizes = [1], strides = [1]} : vector<16xi32> to vector<1xi32>
      %squeeze3A_258 = vector.extract %slice3A_257[0] : i32 from vector<1xi32>
      %add3A_259 = arith.addi %mul3A_2, %mul3A_12 : i32
      %add3A_260 = arith.constant 16 : i32
      %add3A_261 = arith.addi %add3A_259, %add3A_260 : i32
      %add3A_262 = arith.constant 0 : i32
      %add3A_263 = arith.addi %add3A_261, %add3A_262 : i32
      %dma_start3A_264 = arith.constant 0 : i32
      %dma_start3A_265 = tpu.memref_slice %arg5[%squeeze3A_258, %dma_start3A_264] : memref<2x2048xf32, #tpu.memory_space<vmem>> -> memref<1x2048xf32, #tpu.memory_space<vmem>>
      %dma_start3A_266 = arith.constant 0 : i32
      %dma_start3A_267 = tpu.memref_slice %arg4[%add3A_263, %dma_start3A_266] : memref<32768x2048xf32, #tpu.memory_space<hbm>> -> memref<1x2048xf32, #tpu.memory_space<hbm>>
      %dma_start3A_268 = arith.constant 0 : i32
      %dma_start3A_269 = tpu.memref_slice %arg4[%add3A_263, %dma_start3A_268] : memref<32768x2048xf32, #tpu.memory_space<hbm>> -> memref<1x2048xf32, #tpu.memory_space<hbm>>
      %dma_start3A_270 = arith.constant 0 : i32
      %dma_start3A_271 = tpu.memref_slice %arg5[%squeeze3A_258, %dma_start3A_270] : memref<2x2048xf32, #tpu.memory_space<vmem>> -> memref<1x2048xf32, #tpu.memory_space<vmem>>
      tpu.enqueue_dma source(%dma_start3A_271 : memref<1x2048xf32, #tpu.memory_space<vmem>>) target(%dma_start3A_269 : memref<1x2048xf32, #tpu.memory_space<hbm>>) target_semaphore(%arg7 : memref<!tpu.dma_semaphore, #tpu.memory_space<semaphore_mem>>)
      %slice3A_272 = vector.extract_strided_slice %get3A_19 {offsets = [1], sizes = [1], strides = [1]} : vector<16xi32> to vector<1xi32>
      %squeeze3A_273 = vector.extract %slice3A_272[0] : i32 from vector<1xi32>
      %add3A_274 = arith.addi %mul3A_2, %mul3A_12 : i32
      %add3A_275 = arith.constant 16 : i32
      %add3A_276 = arith.addi %add3A_274, %add3A_275 : i32
      %add3A_277 = arith.constant 1 : i32
      %add3A_278 = arith.addi %add3A_276, %add3A_277 : i32
      %dma_start3A_279 = arith.constant 0 : i32
      %dma_start3A_280 = tpu.memref_slice %arg5[%squeeze3A_273, %dma_start3A_279] : memref<2x2048xf32, #tpu.memory_space<vmem>> -> memref<1x2048xf32, #tpu.memory_space<vmem>>
      %dma_start3A_281 = arith.constant 0 : i32
      %dma_start3A_282 = tpu.memref_slice %arg4[%add3A_278, %dma_start3A_281] : memref<32768x2048xf32, #tpu.memory_space<hbm>> -> memref<1x2048xf32, #tpu.memory_space<hbm>>
      %dma_start3A_283 = arith.constant 0 : i32
      %dma_start3A_284 = tpu.memref_slice %arg4[%add3A_278, %dma_start3A_283] : memref<32768x2048xf32, #tpu.memory_space<hbm>> -> memref<1x2048xf32, #tpu.memory_space<hbm>>
      %dma_start3A_285 = arith.constant 0 : i32
      %dma_start3A_286 = tpu.memref_slice %arg5[%squeeze3A_273, %dma_start3A_285] : memref<2x2048xf32, #tpu.memory_space<vmem>> -> memref<1x2048xf32, #tpu.memory_space<vmem>>
      tpu.enqueue_dma source(%dma_start3A_286 : memref<1x2048xf32, #tpu.memory_space<vmem>>) target(%dma_start3A_284 : memref<1x2048xf32, #tpu.memory_space<hbm>>) target_semaphore(%arg7 : memref<!tpu.dma_semaphore, #tpu.memory_space<semaphore_mem>>)
      %slice3A_287 = vector.extract_strided_slice %get3A_19 {offsets = [2], sizes = [1], strides = [1]} : vector<16xi32> to vector<1xi32>
      %squeeze3A_288 = vector.extract %slice3A_287[0] : i32 from vector<1xi32>
      %add3A_289 = arith.addi %mul3A_2, %mul3A_12 : i32
      %add3A_290 = arith.constant 16 : i32
      %add3A_291 = arith.addi %add3A_289, %add3A_290 : i32
      %add3A_292 = arith.constant 2 : i32
      %add3A_293 = arith.addi %add3A_291, %add3A_292 : i32
      %dma_start3A_294 = arith.constant 0 : i32
      %dma_start3A_295 = tpu.memref_slice %arg5[%squeeze3A_288, %dma_start3A_294] : memref<2x2048xf32, #tpu.memory_space<vmem>> -> memref<1x2048xf32, #tpu.memory_space<vmem>>
      %dma_start3A_296 = arith.constant 0 : i32
      %dma_start3A_297 = tpu.memref_slice %arg4[%add3A_293, %dma_start3A_296] : memref<32768x2048xf32, #tpu.memory_space<hbm>> -> memref<1x2048xf32, #tpu.memory_space<hbm>>
      %dma_start3A_298 = arith.constant 0 : i32
      %dma_start3A_299 = tpu.memref_slice %arg4[%add3A_293, %dma_start3A_298] : memref<32768x2048xf32, #tpu.memory_space<hbm>> -> memref<1x2048xf32, #tpu.memory_space<hbm>>
      %dma_start3A_300 = arith.constant 0 : i32
      %dma_start3A_301 = tpu.memref_slice %arg5[%squeeze3A_288, %dma_start3A_300] : memref<2x2048xf32, #tpu.memory_space<vmem>> -> memref<1x2048xf32, #tpu.memory_space<vmem>>
      tpu.enqueue_dma source(%dma_start3A_301 : memref<1x2048xf32, #tpu.memory_space<vmem>>) target(%dma_start3A_299 : memref<1x2048xf32, #tpu.memory_space<hbm>>) target_semaphore(%arg7 : memref<!tpu.dma_semaphore, #tpu.memory_space<semaphore_mem>>)
      %slice3A_302 = vector.extract_strided_slice %get3A_19 {offsets = [3], sizes = [1], strides = [1]} : vector<16xi32> to vector<1xi32>
      %squeeze3A_303 = vector.extract %slice3A_302[0] : i32 from vector<1xi32>
      %add3A_304 = arith.addi %mul3A_2, %mul3A_12 : i32
      %add3A_305 = arith.constant 16 : i32
      %add3A_306 = arith.addi %add3A_304, %add3A_305 : i32
      %add3A_307 = arith.constant 3 : i32
      %add3A_308 = arith.addi %add3A_306, %add3A_307 : i32
      %dma_start3A_309 = arith.constant 0 : i32
      %dma_start3A_310 = tpu.memref_slice %arg5[%squeeze3A_303, %dma_start3A_309] : memref<2x2048xf32, #tpu.memory_space<vmem>> -> memref<1x2048xf32, #tpu.memory_space<vmem>>
      %dma_start3A_311 = arith.constant 0 : i32
      %dma_start3A_312 = tpu.memref_slice %arg4[%add3A_308, %dma_start3A_311] : memref<32768x2048xf32, #tpu.memory_space<hbm>> -> memref<1x2048xf32, #tpu.memory_space<hbm>>
      %dma_start3A_313 = arith.constant 0 : i32
      %dma_start3A_314 = tpu.memref_slice %arg4[%add3A_308, %dma_start3A_313] : memref<32768x2048xf32, #tpu.memory_space<hbm>> -> memref<1x2048xf32, #tpu.memory_space<hbm>>
      %dma_start3A_315 = arith.constant 0 : i32
      %dma_start3A_316 = tpu.memref_slice %arg5[%squeeze3A_303, %dma_start3A_315] : memref<2x2048xf32, #tpu.memory_space<vmem>> -> memref<1x2048xf32, #tpu.memory_space<vmem>>
      tpu.enqueue_dma source(%dma_start3A_316 : memref<1x2048xf32, #tpu.memory_space<vmem>>) target(%dma_start3A_314 : memref<1x2048xf32, #tpu.memory_space<hbm>>) target_semaphore(%arg7 : memref<!tpu.dma_semaphore, #tpu.memory_space<semaphore_mem>>)
      %slice3A_317 = vector.extract_strided_slice %get3A_19 {offsets = [4], sizes = [1], strides = [1]} : vector<16xi32> to vector<1xi32>
      %squeeze3A_318 = vector.extract %slice3A_317[0] : i32 from vector<1xi32>
      %add3A_319 = arith.addi %mul3A_2, %mul3A_12 : i32
      %add3A_320 = arith.constant 16 : i32
      %add3A_321 = arith.addi %add3A_319, %add3A_320 : i32
      %add3A_322 = arith.constant 4 : i32
      %add3A_323 = arith.addi %add3A_321, %add3A_322 : i32
      %dma_start3A_324 = arith.constant 0 : i32
      %dma_start3A_325 = tpu.memref_slice %arg5[%squeeze3A_318, %dma_start3A_324] : memref<2x2048xf32, #tpu.memory_space<vmem>> -> memref<1x2048xf32, #tpu.memory_space<vmem>>
      %dma_start3A_326 = arith.constant 0 : i32
      %dma_start3A_327 = tpu.memref_slice %arg4[%add3A_323, %dma_start3A_326] : memref<32768x2048xf32, #tpu.memory_space<hbm>> -> memref<1x2048xf32, #tpu.memory_space<hbm>>
      %dma_start3A_328 = arith.constant 0 : i32
      %dma_start3A_329 = tpu.memref_slice %arg4[%add3A_323, %dma_start3A_328] : memref<32768x2048xf32, #tpu.memory_space<hbm>> -> memref<1x2048xf32, #tpu.memory_space<hbm>>
      %dma_start3A_330 = arith.constant 0 : i32
      %dma_start3A_331 = tpu.memref_slice %arg5[%squeeze3A_318, %dma_start3A_330] : memref<2x2048xf32, #tpu.memory_space<vmem>> -> memref<1x2048xf32, #tpu.memory_space<vmem>>
      tpu.enqueue_dma source(%dma_start3A_331 : memref<1x2048xf32, #tpu.memory_space<vmem>>) target(%dma_start3A_329 : memref<1x2048xf32, #tpu.memory_space<hbm>>) target_semaphore(%arg7 : memref<!tpu.dma_semaphore, #tpu.memory_space<semaphore_mem>>)
      %slice3A_332 = vector.extract_strided_slice %get3A_19 {offsets = [5], sizes = [1], strides = [1]} : vector<16xi32> to vector<1xi32>
      %squeeze3A_333 = vector.extract %slice3A_332[0] : i32 from vector<1xi32>
      %add3A_334 = arith.addi %mul3A_2, %mul3A_12 : i32
      %add3A_335 = arith.constant 16 : i32
      %add3A_336 = arith.addi %add3A_334, %add3A_335 : i32
      %add3A_337 = arith.constant 5 : i32
      %add3A_338 = arith.addi %add3A_336, %add3A_337 : i32
      %dma_start3A_339 = arith.constant 0 : i32
      %dma_start3A_340 = tpu.memref_slice %arg5[%squeeze3A_333, %dma_start3A_339] : memref<2x2048xf32, #tpu.memory_space<vmem>> -> memref<1x2048xf32, #tpu.memory_space<vmem>>
      %dma_start3A_341 = arith.constant 0 : i32
      %dma_start3A_342 = tpu.memref_slice %arg4[%add3A_338, %dma_start3A_341] : memref<32768x2048xf32, #tpu.memory_space<hbm>> -> memref<1x2048xf32, #tpu.memory_space<hbm>>
      %dma_start3A_343 = arith.constant 0 : i32
      %dma_start3A_344 = tpu.memref_slice %arg4[%add3A_338, %dma_start3A_343] : memref<32768x2048xf32, #tpu.memory_space<hbm>> -> memref<1x2048xf32, #tpu.memory_space<hbm>>
      %dma_start3A_345 = arith.constant 0 : i32
      %dma_start3A_346 = tpu.memref_slice %arg5[%squeeze3A_333, %dma_start3A_345] : memref<2x2048xf32, #tpu.memory_space<vmem>> -> memref<1x2048xf32, #tpu.memory_space<vmem>>
      tpu.enqueue_dma source(%dma_start3A_346 : memref<1x2048xf32, #tpu.memory_space<vmem>>) target(%dma_start3A_344 : memref<1x2048xf32, #tpu.memory_space<hbm>>) target_semaphore(%arg7 : memref<!tpu.dma_semaphore, #tpu.memory_space<semaphore_mem>>)
      %slice3A_347 = vector.extract_strided_slice %get3A_19 {offsets = [6], sizes = [1], strides = [1]} : vector<16xi32> to vector<1xi32>
      %squeeze3A_348 = vector.extract %slice3A_347[0] : i32 from vector<1xi32>
      %add3A_349 = arith.addi %mul3A_2, %mul3A_12 : i32
      %add3A_350 = arith.constant 16 : i32
      %add3A_351 = arith.addi %add3A_349, %add3A_350 : i32
      %add3A_352 = arith.constant 6 : i32
      %add3A_353 = arith.addi %add3A_351, %add3A_352 : i32
      %dma_start3A_354 = arith.constant 0 : i32
      %dma_start3A_355 = tpu.memref_slice %arg5[%squeeze3A_348, %dma_start3A_354] : memref<2x2048xf32, #tpu.memory_space<vmem>> -> memref<1x2048xf32, #tpu.memory_space<vmem>>
      %dma_start3A_356 = arith.constant 0 : i32
      %dma_start3A_357 = tpu.memref_slice %arg4[%add3A_353, %dma_start3A_356] : memref<32768x2048xf32, #tpu.memory_space<hbm>> -> memref<1x2048xf32, #tpu.memory_space<hbm>>
      %dma_start3A_358 = arith.constant 0 : i32
      %dma_start3A_359 = tpu.memref_slice %arg4[%add3A_353, %dma_start3A_358] : memref<32768x2048xf32, #tpu.memory_space<hbm>> -> memref<1x2048xf32, #tpu.memory_space<hbm>>
      %dma_start3A_360 = arith.constant 0 : i32
      %dma_start3A_361 = tpu.memref_slice %arg5[%squeeze3A_348, %dma_start3A_360] : memref<2x2048xf32, #tpu.memory_space<vmem>> -> memref<1x2048xf32, #tpu.memory_space<vmem>>
      tpu.enqueue_dma source(%dma_start3A_361 : memref<1x2048xf32, #tpu.memory_space<vmem>>) target(%dma_start3A_359 : memref<1x2048xf32, #tpu.memory_space<hbm>>) target_semaphore(%arg7 : memref<!tpu.dma_semaphore, #tpu.memory_space<semaphore_mem>>)
      %slice3A_362 = vector.extract_strided_slice %get3A_19 {offsets = [7], sizes = [1], strides = [1]} : vector<16xi32> to vector<1xi32>
      %squeeze3A_363 = vector.extract %slice3A_362[0] : i32 from vector<1xi32>
      %add3A_364 = arith.addi %mul3A_2, %mul3A_12 : i32
      %add3A_365 = arith.constant 16 : i32
      %add3A_366 = arith.addi %add3A_364, %add3A_365 : i32
      %add3A_367 = arith.constant 7 : i32
      %add3A_368 = arith.addi %add3A_366, %add3A_367 : i32
      %dma_start3A_369 = arith.constant 0 : i32
      %dma_start3A_370 = tpu.memref_slice %arg5[%squeeze3A_363, %dma_start3A_369] : memref<2x2048xf32, #tpu.memory_space<vmem>> -> memref<1x2048xf32, #tpu.memory_space<vmem>>
      %dma_start3A_371 = arith.constant 0 : i32
      %dma_start3A_372 = tpu.memref_slice %arg4[%add3A_368, %dma_start3A_371] : memref<32768x2048xf32, #tpu.memory_space<hbm>> -> memref<1x2048xf32, #tpu.memory_space<hbm>>
      %dma_start3A_373 = arith.constant 0 : i32
      %dma_start3A_374 = tpu.memref_slice %arg4[%add3A_368, %dma_start3A_373] : memref<32768x2048xf32, #tpu.memory_space<hbm>> -> memref<1x2048xf32, #tpu.memory_space<hbm>>
      %dma_start3A_375 = arith.constant 0 : i32
      %dma_start3A_376 = tpu.memref_slice %arg5[%squeeze3A_363, %dma_start3A_375] : memref<2x2048xf32, #tpu.memory_space<vmem>> -> memref<1x2048xf32, #tpu.memory_space<vmem>>
      tpu.enqueue_dma source(%dma_start3A_376 : memref<1x2048xf32, #tpu.memory_space<vmem>>) target(%dma_start3A_374 : memref<1x2048xf32, #tpu.memory_space<hbm>>) target_semaphore(%arg7 : memref<!tpu.dma_semaphore, #tpu.memory_space<semaphore_mem>>)
      %slice3A_377 = vector.extract_strided_slice %get3A_19 {offsets = [8], sizes = [1], strides = [1]} : vector<16xi32> to vector<1xi32>
      %squeeze3A_378 = vector.extract %slice3A_377[0] : i32 from vector<1xi32>
      %add3A_379 = arith.addi %mul3A_2, %mul3A_12 : i32
      %add3A_380 = arith.constant 16 : i32
      %add3A_381 = arith.addi %add3A_379, %add3A_380 : i32
      %add3A_382 = arith.constant 8 : i32
      %add3A_383 = arith.addi %add3A_381, %add3A_382 : i32
      %dma_start3A_384 = arith.constant 0 : i32
      %dma_start3A_385 = tpu.memref_slice %arg5[%squeeze3A_378, %dma_start3A_384] : memref<2x2048xf32, #tpu.memory_space<vmem>> -> memref<1x2048xf32, #tpu.memory_space<vmem>>
      %dma_start3A_386 = arith.constant 0 : i32
      %dma_start3A_387 = tpu.memref_slice %arg4[%add3A_383, %dma_start3A_386] : memref<32768x2048xf32, #tpu.memory_space<hbm>> -> memref<1x2048xf32, #tpu.memory_space<hbm>>
      %dma_start3A_388 = arith.constant 0 : i32
      %dma_start3A_389 = tpu.memref_slice %arg4[%add3A_383, %dma_start3A_388] : memref<32768x2048xf32, #tpu.memory_space<hbm>> -> memref<1x2048xf32, #tpu.memory_space<hbm>>
      %dma_start3A_390 = arith.constant 0 : i32
      %dma_start3A_391 = tpu.memref_slice %arg5[%squeeze3A_378, %dma_start3A_390] : memref<2x2048xf32, #tpu.memory_space<vmem>> -> memref<1x2048xf32, #tpu.memory_space<vmem>>
      tpu.enqueue_dma source(%dma_start3A_391 : memref<1x2048xf32, #tpu.memory_space<vmem>>) target(%dma_start3A_389 : memref<1x2048xf32, #tpu.memory_space<hbm>>) target_semaphore(%arg7 : memref<!tpu.dma_semaphore, #tpu.memory_space<semaphore_mem>>)
      %slice3A_392 = vector.extract_strided_slice %get3A_19 {offsets = [9], sizes = [1], strides = [1]} : vector<16xi32> to vector<1xi32>
      %squeeze3A_393 = vector.extract %slice3A_392[0] : i32 from vector<1xi32>
      %add3A_394 = arith.addi %mul3A_2, %mul3A_12 : i32
      %add3A_395 = arith.constant 16 : i32
      %add3A_396 = arith.addi %add3A_394, %add3A_395 : i32
      %add3A_397 = arith.constant 9 : i32
      %add3A_398 = arith.addi %add3A_396, %add3A_397 : i32
      %dma_start3A_399 = arith.constant 0 : i32
      %dma_start3A_400 = tpu.memref_slice %arg5[%squeeze3A_393, %dma_start3A_399] : memref<2x2048xf32, #tpu.memory_space<vmem>> -> memref<1x2048xf32, #tpu.memory_space<vmem>>
      %dma_start3A_401 = arith.constant 0 : i32
      %dma_start3A_402 = tpu.memref_slice %arg4[%add3A_398, %dma_start3A_401] : memref<32768x2048xf32, #tpu.memory_space<hbm>> -> memref<1x2048xf32, #tpu.memory_space<hbm>>
      %dma_start3A_403 = arith.constant 0 : i32
      %dma_start3A_404 = tpu.memref_slice %arg4[%add3A_398, %dma_start3A_403] : memref<32768x2048xf32, #tpu.memory_space<hbm>> -> memref<1x2048xf32, #tpu.memory_space<hbm>>
      %dma_start3A_405 = arith.constant 0 : i32
      %dma_start3A_406 = tpu.memref_slice %arg5[%squeeze3A_393, %dma_start3A_405] : memref<2x2048xf32, #tpu.memory_space<vmem>> -> memref<1x2048xf32, #tpu.memory_space<vmem>>
      tpu.enqueue_dma source(%dma_start3A_406 : memref<1x2048xf32, #tpu.memory_space<vmem>>) target(%dma_start3A_404 : memref<1x2048xf32, #tpu.memory_space<hbm>>) target_semaphore(%arg7 : memref<!tpu.dma_semaphore, #tpu.memory_space<semaphore_mem>>)
      %slice3A_407 = vector.extract_strided_slice %get3A_19 {offsets = [10], sizes = [1], strides = [1]} : vector<16xi32> to vector<1xi32>
      %squeeze3A_408 = vector.extract %slice3A_407[0] : i32 from vector<1xi32>
      %add3A_409 = arith.addi %mul3A_2, %mul3A_12 : i32
      %add3A_410 = arith.constant 16 : i32
      %add3A_411 = arith.addi %add3A_409, %add3A_410 : i32
      %add3A_412 = arith.constant 10 : i32
      %add3A_413 = arith.addi %add3A_411, %add3A_412 : i32
      %dma_start3A_414 = arith.constant 0 : i32
      %dma_start3A_415 = tpu.memref_slice %arg5[%squeeze3A_408, %dma_start3A_414] : memref<2x2048xf32, #tpu.memory_space<vmem>> -> memref<1x2048xf32, #tpu.memory_space<vmem>>
      %dma_start3A_416 = arith.constant 0 : i32
      %dma_start3A_417 = tpu.memref_slice %arg4[%add3A_413, %dma_start3A_416] : memref<32768x2048xf32, #tpu.memory_space<hbm>> -> memref<1x2048xf32, #tpu.memory_space<hbm>>
      %dma_start3A_418 = arith.constant 0 : i32
      %dma_start3A_419 = tpu.memref_slice %arg4[%add3A_413, %dma_start3A_418] : memref<32768x2048xf32, #tpu.memory_space<hbm>> -> memref<1x2048xf32, #tpu.memory_space<hbm>>
      %dma_start3A_420 = arith.constant 0 : i32
      %dma_start3A_421 = tpu.memref_slice %arg5[%squeeze3A_408, %dma_start3A_420] : memref<2x2048xf32, #tpu.memory_space<vmem>> -> memref<1x2048xf32, #tpu.memory_space<vmem>>
      tpu.enqueue_dma source(%dma_start3A_421 : memref<1x2048xf32, #tpu.memory_space<vmem>>) target(%dma_start3A_419 : memref<1x2048xf32, #tpu.memory_space<hbm>>) target_semaphore(%arg7 : memref<!tpu.dma_semaphore, #tpu.memory_space<semaphore_mem>>)
      %slice3A_422 = vector.extract_strided_slice %get3A_19 {offsets = [11], sizes = [1], strides = [1]} : vector<16xi32> to vector<1xi32>
      %squeeze3A_423 = vector.extract %slice3A_422[0] : i32 from vector<1xi32>
      %add3A_424 = arith.addi %mul3A_2, %mul3A_12 : i32
      %add3A_425 = arith.constant 16 : i32
      %add3A_426 = arith.addi %add3A_424, %add3A_425 : i32
      %add3A_427 = arith.constant 11 : i32
      %add3A_428 = arith.addi %add3A_426, %add3A_427 : i32
      %dma_start3A_429 = arith.constant 0 : i32
      %dma_start3A_430 = tpu.memref_slice %arg5[%squeeze3A_423, %dma_start3A_429] : memref<2x2048xf32, #tpu.memory_space<vmem>> -> memref<1x2048xf32, #tpu.memory_space<vmem>>
      %dma_start3A_431 = arith.constant 0 : i32
      %dma_start3A_432 = tpu.memref_slice %arg4[%add3A_428, %dma_start3A_431] : memref<32768x2048xf32, #tpu.memory_space<hbm>> -> memref<1x2048xf32, #tpu.memory_space<hbm>>
      %dma_start3A_433 = arith.constant 0 : i32
      %dma_start3A_434 = tpu.memref_slice %arg4[%add3A_428, %dma_start3A_433] : memref<32768x2048xf32, #tpu.memory_space<hbm>> -> memref<1x2048xf32, #tpu.memory_space<hbm>>
      %dma_start3A_435 = arith.constant 0 : i32
      %dma_start3A_436 = tpu.memref_slice %arg5[%squeeze3A_423, %dma_start3A_435] : memref<2x2048xf32, #tpu.memory_space<vmem>> -> memref<1x2048xf32, #tpu.memory_space<vmem>>
      tpu.enqueue_dma source(%dma_start3A_436 : memref<1x2048xf32, #tpu.memory_space<vmem>>) target(%dma_start3A_434 : memref<1x2048xf32, #tpu.memory_space<hbm>>) target_semaphore(%arg7 : memref<!tpu.dma_semaphore, #tpu.memory_space<semaphore_mem>>)
      %slice3A_437 = vector.extract_strided_slice %get3A_19 {offsets = [12], sizes = [1], strides = [1]} : vector<16xi32> to vector<1xi32>
      %squeeze3A_438 = vector.extract %slice3A_437[0] : i32 from vector<1xi32>
      %add3A_439 = arith.addi %mul3A_2, %mul3A_12 : i32
      %add3A_440 = arith.constant 16 : i32
      %add3A_441 = arith.addi %add3A_439, %add3A_440 : i32
      %add3A_442 = arith.constant 12 : i32
      %add3A_443 = arith.addi %add3A_441, %add3A_442 : i32
      %dma_start3A_444 = arith.constant 0 : i32
      %dma_start3A_445 = tpu.memref_slice %arg5[%squeeze3A_438, %dma_start3A_444] : memref<2x2048xf32, #tpu.memory_space<vmem>> -> memref<1x2048xf32, #tpu.memory_space<vmem>>
      %dma_start3A_446 = arith.constant 0 : i32
      %dma_start3A_447 = tpu.memref_slice %arg4[%add3A_443, %dma_start3A_446] : memref<32768x2048xf32, #tpu.memory_space<hbm>> -> memref<1x2048xf32, #tpu.memory_space<hbm>>
      %dma_start3A_448 = arith.constant 0 : i32
      %dma_start3A_449 = tpu.memref_slice %arg4[%add3A_443, %dma_start3A_448] : memref<32768x2048xf32, #tpu.memory_space<hbm>> -> memref<1x2048xf32, #tpu.memory_space<hbm>>
      %dma_start3A_450 = arith.constant 0 : i32
      %dma_start3A_451 = tpu.memref_slice %arg5[%squeeze3A_438, %dma_start3A_450] : memref<2x2048xf32, #tpu.memory_space<vmem>> -> memref<1x2048xf32, #tpu.memory_space<vmem>>
      tpu.enqueue_dma source(%dma_start3A_451 : memref<1x2048xf32, #tpu.memory_space<vmem>>) target(%dma_start3A_449 : memref<1x2048xf32, #tpu.memory_space<hbm>>) target_semaphore(%arg7 : memref<!tpu.dma_semaphore, #tpu.memory_space<semaphore_mem>>)
      %slice3A_452 = vector.extract_strided_slice %get3A_19 {offsets = [13], sizes = [1], strides = [1]} : vector<16xi32> to vector<1xi32>
      %squeeze3A_453 = vector.extract %slice3A_452[0] : i32 from vector<1xi32>
      %add3A_454 = arith.addi %mul3A_2, %mul3A_12 : i32
      %add3A_455 = arith.constant 16 : i32
      %add3A_456 = arith.addi %add3A_454, %add3A_455 : i32
      %add3A_457 = arith.constant 13 : i32
      %add3A_458 = arith.addi %add3A_456, %add3A_457 : i32
      %dma_start3A_459 = arith.constant 0 : i32
      %dma_start3A_460 = tpu.memref_slice %arg5[%squeeze3A_453, %dma_start3A_459] : memref<2x2048xf32, #tpu.memory_space<vmem>> -> memref<1x2048xf32, #tpu.memory_space<vmem>>
      %dma_start3A_461 = arith.constant 0 : i32
      %dma_start3A_462 = tpu.memref_slice %arg4[%add3A_458, %dma_start3A_461] : memref<32768x2048xf32, #tpu.memory_space<hbm>> -> memref<1x2048xf32, #tpu.memory_space<hbm>>
      %dma_start3A_463 = arith.constant 0 : i32
      %dma_start3A_464 = tpu.memref_slice %arg4[%add3A_458, %dma_start3A_463] : memref<32768x2048xf32, #tpu.memory_space<hbm>> -> memref<1x2048xf32, #tpu.memory_space<hbm>>
      %dma_start3A_465 = arith.constant 0 : i32
      %dma_start3A_466 = tpu.memref_slice %arg5[%squeeze3A_453, %dma_start3A_465] : memref<2x2048xf32, #tpu.memory_space<vmem>> -> memref<1x2048xf32, #tpu.memory_space<vmem>>
      tpu.enqueue_dma source(%dma_start3A_466 : memref<1x2048xf32, #tpu.memory_space<vmem>>) target(%dma_start3A_464 : memref<1x2048xf32, #tpu.memory_space<hbm>>) target_semaphore(%arg7 : memref<!tpu.dma_semaphore, #tpu.memory_space<semaphore_mem>>)
      %slice3A_467 = vector.extract_strided_slice %get3A_19 {offsets = [14], sizes = [1], strides = [1]} : vector<16xi32> to vector<1xi32>
      %squeeze3A_468 = vector.extract %slice3A_467[0] : i32 from vector<1xi32>
      %add3A_469 = arith.addi %mul3A_2, %mul3A_12 : i32
      %add3A_470 = arith.constant 16 : i32
      %add3A_471 = arith.addi %add3A_469, %add3A_470 : i32
      %add3A_472 = arith.constant 14 : i32
      %add3A_473 = arith.addi %add3A_471, %add3A_472 : i32
      %dma_start3A_474 = arith.constant 0 : i32
      %dma_start3A_475 = tpu.memref_slice %arg5[%squeeze3A_468, %dma_start3A_474] : memref<2x2048xf32, #tpu.memory_space<vmem>> -> memref<1x2048xf32, #tpu.memory_space<vmem>>
      %dma_start3A_476 = arith.constant 0 : i32
      %dma_start3A_477 = tpu.memref_slice %arg4[%add3A_473, %dma_start3A_476] : memref<32768x2048xf32, #tpu.memory_space<hbm>> -> memref<1x2048xf32, #tpu.memory_space<hbm>>
      %dma_start3A_478 = arith.constant 0 : i32
      %dma_start3A_479 = tpu.memref_slice %arg4[%add3A_473, %dma_start3A_478] : memref<32768x2048xf32, #tpu.memory_space<hbm>> -> memref<1x2048xf32, #tpu.memory_space<hbm>>
      %dma_start3A_480 = arith.constant 0 : i32
      %dma_start3A_481 = tpu.memref_slice %arg5[%squeeze3A_468, %dma_start3A_480] : memref<2x2048xf32, #tpu.memory_space<vmem>> -> memref<1x2048xf32, #tpu.memory_space<vmem>>
      tpu.enqueue_dma source(%dma_start3A_481 : memref<1x2048xf32, #tpu.memory_space<vmem>>) target(%dma_start3A_479 : memref<1x2048xf32, #tpu.memory_space<hbm>>) target_semaphore(%arg7 : memref<!tpu.dma_semaphore, #tpu.memory_space<semaphore_mem>>)
      %slice3A_482 = vector.extract_strided_slice %get3A_19 {offsets = [15], sizes = [1], strides = [1]} : vector<16xi32> to vector<1xi32>
      %squeeze3A_483 = vector.extract %slice3A_482[0] : i32 from vector<1xi32>
      %add3A_484 = arith.addi %mul3A_2, %mul3A_12 : i32
      %add3A_485 = arith.constant 16 : i32
      %add3A_486 = arith.addi %add3A_484, %add3A_485 : i32
      %add3A_487 = arith.constant 15 : i32
      %add3A_488 = arith.addi %add3A_486, %add3A_487 : i32
      %dma_start3A_489 = arith.constant 0 : i32
      %dma_start3A_490 = tpu.memref_slice %arg5[%squeeze3A_483, %dma_start3A_489] : memref<2x2048xf32, #tpu.memory_space<vmem>> -> memref<1x2048xf32, #tpu.memory_space<vmem>>
      %dma_start3A_491 = arith.constant 0 : i32
      %dma_start3A_492 = tpu.memref_slice %arg4[%add3A_488, %dma_start3A_491] : memref<32768x2048xf32, #tpu.memory_space<hbm>> -> memref<1x2048xf32, #tpu.memory_space<hbm>>
      %dma_start3A_493 = arith.constant 0 : i32
      %dma_start3A_494 = tpu.memref_slice %arg4[%add3A_488, %dma_start3A_493] : memref<32768x2048xf32, #tpu.memory_space<hbm>> -> memref<1x2048xf32, #tpu.memory_space<hbm>>
      %dma_start3A_495 = arith.constant 0 : i32
      %dma_start3A_496 = tpu.memref_slice %arg5[%squeeze3A_483, %dma_start3A_495] : memref<2x2048xf32, #tpu.memory_space<vmem>> -> memref<1x2048xf32, #tpu.memory_space<vmem>>
      tpu.enqueue_dma source(%dma_start3A_496 : memref<1x2048xf32, #tpu.memory_space<vmem>>) target(%dma_start3A_494 : memref<1x2048xf32, #tpu.memory_space<hbm>>) target_semaphore(%arg7 : memref<!tpu.dma_semaphore, #tpu.memory_space<semaphore_mem>>)
      %add3A_497 = arith.addi %mul3A_2, %mul3A_12 : i32
      %add3A_498 = arith.constant 0 : i32
      %add3A_499 = arith.addi %add3A_497, %add3A_498 : i32
      %dma_wait3A = arith.constant 0 : i32
      %dma_wait3A_500 = arith.constant 0 : i32
      %dma_wait3A_501 = tpu.memref_slice %arg5[%dma_wait3A, %dma_wait3A_500] : memref<2x2048xf32, #tpu.memory_space<vmem>> -> memref<1x2048xf32, #tpu.memory_space<vmem>>
      %dma_wait3A_502 = arith.constant 0 : i32
      %dma_wait3A_503 = tpu.memref_slice %arg4[%add3A_499, %dma_wait3A_502] : memref<32768x2048xf32, #tpu.memory_space<hbm>> -> memref<1x2048xf32, #tpu.memory_space<hbm>>
      %dma_wait3A_504 = arith.constant 0 : i32
      %dma_wait3A_505 = tpu.memref_slice %arg4[%add3A_499, %dma_wait3A_504] : memref<32768x2048xf32, #tpu.memory_space<hbm>> -> memref<1x2048xf32, #tpu.memory_space<hbm>>
      %dma_wait3A_506 = arith.constant 0 : i32
      %dma_wait3A_507 = arith.constant 0 : i32
      %dma_wait3A_508 = tpu.memref_slice %arg5[%dma_wait3A_506, %dma_wait3A_507] : memref<2x2048xf32, #tpu.memory_space<vmem>> -> memref<1x2048xf32, #tpu.memory_space<vmem>>
      tpu.wait_dma2 semaphore(%arg7 : memref<!tpu.dma_semaphore, #tpu.memory_space<semaphore_mem>>) src(%dma_wait3A_508 : memref<1x2048xf32, #tpu.memory_space<vmem>>) dst(%dma_wait3A_505 : memref<1x2048xf32, #tpu.memory_space<hbm>>)
      %add3A_509 = arith.addi %mul3A_2, %mul3A_12 : i32
      %add3A_510 = arith.constant 1 : i32
      %add3A_511 = arith.addi %add3A_509, %add3A_510 : i32
      %dma_wait3A_512 = arith.constant 0 : i32
      %dma_wait3A_513 = arith.constant 0 : i32
      %dma_wait3A_514 = tpu.memref_slice %arg5[%dma_wait3A_512, %dma_wait3A_513] : memref<2x2048xf32, #tpu.memory_space<vmem>> -> memref<1x2048xf32, #tpu.memory_space<vmem>>
      %dma_wait3A_515 = arith.constant 0 : i32
      %dma_wait3A_516 = tpu.memref_slice %arg4[%add3A_511, %dma_wait3A_515] : memref<32768x2048xf32, #tpu.memory_space<hbm>> -> memref<1x2048xf32, #tpu.memory_space<hbm>>
      %dma_wait3A_517 = arith.constant 0 : i32
      %dma_wait3A_518 = tpu.memref_slice %arg4[%add3A_511, %dma_wait3A_517] : memref<32768x2048xf32, #tpu.memory_space<hbm>> -> memref<1x2048xf32, #tpu.memory_space<hbm>>
      %dma_wait3A_519 = arith.constant 0 : i32
      %dma_wait3A_520 = arith.constant 0 : i32
      %dma_wait3A_521 = tpu.memref_slice %arg5[%dma_wait3A_519, %dma_wait3A_520] : memref<2x2048xf32, #tpu.memory_space<vmem>> -> memref<1x2048xf32, #tpu.memory_space<vmem>>
      tpu.wait_dma2 semaphore(%arg7 : memref<!tpu.dma_semaphore, #tpu.memory_space<semaphore_mem>>) src(%dma_wait3A_521 : memref<1x2048xf32, #tpu.memory_space<vmem>>) dst(%dma_wait3A_518 : memref<1x2048xf32, #tpu.memory_space<hbm>>)
      %add3A_522 = arith.addi %mul3A_2, %mul3A_12 : i32
      %add3A_523 = arith.constant 2 : i32
      %add3A_524 = arith.addi %add3A_522, %add3A_523 : i32
      %dma_wait3A_525 = arith.constant 0 : i32
      %dma_wait3A_526 = arith.constant 0 : i32
      %dma_wait3A_527 = tpu.memref_slice %arg5[%dma_wait3A_525, %dma_wait3A_526] : memref<2x2048xf32, #tpu.memory_space<vmem>> -> memref<1x2048xf32, #tpu.memory_space<vmem>>
      %dma_wait3A_528 = arith.constant 0 : i32
      %dma_wait3A_529 = tpu.memref_slice %arg4[%add3A_524, %dma_wait3A_528] : memref<32768x2048xf32, #tpu.memory_space<hbm>> -> memref<1x2048xf32, #tpu.memory_space<hbm>>
      %dma_wait3A_530 = arith.constant 0 : i32
      %dma_wait3A_531 = tpu.memref_slice %arg4[%add3A_524, %dma_wait3A_530] : memref<32768x2048xf32, #tpu.memory_space<hbm>> -> memref<1x2048xf32, #tpu.memory_space<hbm>>
      %dma_wait3A_532 = arith.constant 0 : i32
      %dma_wait3A_533 = arith.constant 0 : i32
      %dma_wait3A_534 = tpu.memref_slice %arg5[%dma_wait3A_532, %dma_wait3A_533] : memref<2x2048xf32, #tpu.memory_space<vmem>> -> memref<1x2048xf32, #tpu.memory_space<vmem>>
      tpu.wait_dma2 semaphore(%arg7 : memref<!tpu.dma_semaphore, #tpu.memory_space<semaphore_mem>>) src(%dma_wait3A_534 : memref<1x2048xf32, #tpu.memory_space<vmem>>) dst(%dma_wait3A_531 : memref<1x2048xf32, #tpu.memory_space<hbm>>)
      %add3A_535 = arith.addi %mul3A_2, %mul3A_12 : i32
      %add3A_536 = arith.constant 3 : i32
      %add3A_537 = arith.addi %add3A_535, %add3A_536 : i32
      %dma_wait3A_538 = arith.constant 0 : i32
      %dma_wait3A_539 = arith.constant 0 : i32
      %dma_wait3A_540 = tpu.memref_slice %arg5[%dma_wait3A_538, %dma_wait3A_539] : memref<2x2048xf32, #tpu.memory_space<vmem>> -> memref<1x2048xf32, #tpu.memory_space<vmem>>
      %dma_wait3A_541 = arith.constant 0 : i32
      %dma_wait3A_542 = tpu.memref_slice %arg4[%add3A_537, %dma_wait3A_541] : memref<32768x2048xf32, #tpu.memory_space<hbm>> -> memref<1x2048xf32, #tpu.memory_space<hbm>>
      %dma_wait3A_543 = arith.constant 0 : i32
      %dma_wait3A_544 = tpu.memref_slice %arg4[%add3A_537, %dma_wait3A_543] : memref<32768x2048xf32, #tpu.memory_space<hbm>> -> memref<1x2048xf32, #tpu.memory_space<hbm>>
      %dma_wait3A_545 = arith.constant 0 : i32
      %dma_wait3A_546 = arith.constant 0 : i32
      %dma_wait3A_547 = tpu.memref_slice %arg5[%dma_wait3A_545, %dma_wait3A_546] : memref<2x2048xf32, #tpu.memory_space<vmem>> -> memref<1x2048xf32, #tpu.memory_space<vmem>>
      tpu.wait_dma2 semaphore(%arg7 : memref<!tpu.dma_semaphore, #tpu.memory_space<semaphore_mem>>) src(%dma_wait3A_547 : memref<1x2048xf32, #tpu.memory_space<vmem>>) dst(%dma_wait3A_544 : memref<1x2048xf32, #tpu.memory_space<hbm>>)
      %add3A_548 = arith.addi %mul3A_2, %mul3A_12 : i32
      %add3A_549 = arith.constant 4 : i32
      %add3A_550 = arith.addi %add3A_548, %add3A_549 : i32
      %dma_wait3A_551 = arith.constant 0 : i32
      %dma_wait3A_552 = arith.constant 0 : i32
      %dma_wait3A_553 = tpu.memref_slice %arg5[%dma_wait3A_551, %dma_wait3A_552] : memref<2x2048xf32, #tpu.memory_space<vmem>> -> memref<1x2048xf32, #tpu.memory_space<vmem>>
      %dma_wait3A_554 = arith.constant 0 : i32
      %dma_wait3A_555 = tpu.memref_slice %arg4[%add3A_550, %dma_wait3A_554] : memref<32768x2048xf32, #tpu.memory_space<hbm>> -> memref<1x2048xf32, #tpu.memory_space<hbm>>
      %dma_wait3A_556 = arith.constant 0 : i32
      %dma_wait3A_557 = tpu.memref_slice %arg4[%add3A_550, %dma_wait3A_556] : memref<32768x2048xf32, #tpu.memory_space<hbm>> -> memref<1x2048xf32, #tpu.memory_space<hbm>>
      %dma_wait3A_558 = arith.constant 0 : i32
      %dma_wait3A_559 = arith.constant 0 : i32
      %dma_wait3A_560 = tpu.memref_slice %arg5[%dma_wait3A_558, %dma_wait3A_559] : memref<2x2048xf32, #tpu.memory_space<vmem>> -> memref<1x2048xf32, #tpu.memory_space<vmem>>
      tpu.wait_dma2 semaphore(%arg7 : memref<!tpu.dma_semaphore, #tpu.memory_space<semaphore_mem>>) src(%dma_wait3A_560 : memref<1x2048xf32, #tpu.memory_space<vmem>>) dst(%dma_wait3A_557 : memref<1x2048xf32, #tpu.memory_space<hbm>>)
      %add3A_561 = arith.addi %mul3A_2, %mul3A_12 : i32
      %add3A_562 = arith.constant 5 : i32
      %add3A_563 = arith.addi %add3A_561, %add3A_562 : i32
      %dma_wait3A_564 = arith.constant 0 : i32
      %dma_wait3A_565 = arith.constant 0 : i32
      %dma_wait3A_566 = tpu.memref_slice %arg5[%dma_wait3A_564, %dma_wait3A_565] : memref<2x2048xf32, #tpu.memory_space<vmem>> -> memref<1x2048xf32, #tpu.memory_space<vmem>>
      %dma_wait3A_567 = arith.constant 0 : i32
      %dma_wait3A_568 = tpu.memref_slice %arg4[%add3A_563, %dma_wait3A_567] : memref<32768x2048xf32, #tpu.memory_space<hbm>> -> memref<1x2048xf32, #tpu.memory_space<hbm>>
      %dma_wait3A_569 = arith.constant 0 : i32
      %dma_wait3A_570 = tpu.memref_slice %arg4[%add3A_563, %dma_wait3A_569] : memref<32768x2048xf32, #tpu.memory_space<hbm>> -> memref<1x2048xf32, #tpu.memory_space<hbm>>
      %dma_wait3A_571 = arith.constant 0 : i32
      %dma_wait3A_572 = arith.constant 0 : i32
      %dma_wait3A_573 = tpu.memref_slice %arg5[%dma_wait3A_571, %dma_wait3A_572] : memref<2x2048xf32, #tpu.memory_space<vmem>> -> memref<1x2048xf32, #tpu.memory_space<vmem>>
      tpu.wait_dma2 semaphore(%arg7 : memref<!tpu.dma_semaphore, #tpu.memory_space<semaphore_mem>>) src(%dma_wait3A_573 : memref<1x2048xf32, #tpu.memory_space<vmem>>) dst(%dma_wait3A_570 : memref<1x2048xf32, #tpu.memory_space<hbm>>)
      %add3A_574 = arith.addi %mul3A_2, %mul3A_12 : i32
      %add3A_575 = arith.constant 6 : i32
      %add3A_576 = arith.addi %add3A_574, %add3A_575 : i32
      %dma_wait3A_577 = arith.constant 0 : i32
      %dma_wait3A_578 = arith.constant 0 : i32
      %dma_wait3A_579 = tpu.memref_slice %arg5[%dma_wait3A_577, %dma_wait3A_578] : memref<2x2048xf32, #tpu.memory_space<vmem>> -> memref<1x2048xf32, #tpu.memory_space<vmem>>
      %dma_wait3A_580 = arith.constant 0 : i32
      %dma_wait3A_581 = tpu.memref_slice %arg4[%add3A_576, %dma_wait3A_580] : memref<32768x2048xf32, #tpu.memory_space<hbm>> -> memref<1x2048xf32, #tpu.memory_space<hbm>>
      %dma_wait3A_582 = arith.constant 0 : i32
      %dma_wait3A_583 = tpu.memref_slice %arg4[%add3A_576, %dma_wait3A_582] : memref<32768x2048xf32, #tpu.memory_space<hbm>> -> memref<1x2048xf32, #tpu.memory_space<hbm>>
      %dma_wait3A_584 = arith.constant 0 : i32
      %dma_wait3A_585 = arith.constant 0 : i32
      %dma_wait3A_586 = tpu.memref_slice %arg5[%dma_wait3A_584, %dma_wait3A_585] : memref<2x2048xf32, #tpu.memory_space<vmem>> -> memref<1x2048xf32, #tpu.memory_space<vmem>>
      tpu.wait_dma2 semaphore(%arg7 : memref<!tpu.dma_semaphore, #tpu.memory_space<semaphore_mem>>) src(%dma_wait3A_586 : memref<1x2048xf32, #tpu.memory_space<vmem>>) dst(%dma_wait3A_583 : memref<1x2048xf32, #tpu.memory_space<hbm>>)
      %add3A_587 = arith.addi %mul3A_2, %mul3A_12 : i32
      %add3A_588 = arith.constant 7 : i32
      %add3A_589 = arith.addi %add3A_587, %add3A_588 : i32
      %dma_wait3A_590 = arith.constant 0 : i32
      %dma_wait3A_591 = arith.constant 0 : i32
      %dma_wait3A_592 = tpu.memref_slice %arg5[%dma_wait3A_590, %dma_wait3A_591] : memref<2x2048xf32, #tpu.memory_space<vmem>> -> memref<1x2048xf32, #tpu.memory_space<vmem>>
      %dma_wait3A_593 = arith.constant 0 : i32
      %dma_wait3A_594 = tpu.memref_slice %arg4[%add3A_589, %dma_wait3A_593] : memref<32768x2048xf32, #tpu.memory_space<hbm>> -> memref<1x2048xf32, #tpu.memory_space<hbm>>
      %dma_wait3A_595 = arith.constant 0 : i32
      %dma_wait3A_596 = tpu.memref_slice %arg4[%add3A_589, %dma_wait3A_595] : memref<32768x2048xf32, #tpu.memory_space<hbm>> -> memref<1x2048xf32, #tpu.memory_space<hbm>>
      %dma_wait3A_597 = arith.constant 0 : i32
      %dma_wait3A_598 = arith.constant 0 : i32
      %dma_wait3A_599 = tpu.memref_slice %arg5[%dma_wait3A_597, %dma_wait3A_598] : memref<2x2048xf32, #tpu.memory_space<vmem>> -> memref<1x2048xf32, #tpu.memory_space<vmem>>
      tpu.wait_dma2 semaphore(%arg7 : memref<!tpu.dma_semaphore, #tpu.memory_space<semaphore_mem>>) src(%dma_wait3A_599 : memref<1x2048xf32, #tpu.memory_space<vmem>>) dst(%dma_wait3A_596 : memref<1x2048xf32, #tpu.memory_space<hbm>>)
      %add3A_600 = arith.addi %mul3A_2, %mul3A_12 : i32
      %add3A_601 = arith.constant 8 : i32
      %add3A_602 = arith.addi %add3A_600, %add3A_601 : i32
      %dma_wait3A_603 = arith.constant 0 : i32
      %dma_wait3A_604 = arith.constant 0 : i32
      %dma_wait3A_605 = tpu.memref_slice %arg5[%dma_wait3A_603, %dma_wait3A_604] : memref<2x2048xf32, #tpu.memory_space<vmem>> -> memref<1x2048xf32, #tpu.memory_space<vmem>>
      %dma_wait3A_606 = arith.constant 0 : i32
      %dma_wait3A_607 = tpu.memref_slice %arg4[%add3A_602, %dma_wait3A_606] : memref<32768x2048xf32, #tpu.memory_space<hbm>> -> memref<1x2048xf32, #tpu.memory_space<hbm>>
      %dma_wait3A_608 = arith.constant 0 : i32
      %dma_wait3A_609 = tpu.memref_slice %arg4[%add3A_602, %dma_wait3A_608] : memref<32768x2048xf32, #tpu.memory_space<hbm>> -> memref<1x2048xf32, #tpu.memory_space<hbm>>
      %dma_wait3A_610 = arith.constant 0 : i32
      %dma_wait3A_611 = arith.constant 0 : i32
      %dma_wait3A_612 = tpu.memref_slice %arg5[%dma_wait3A_610, %dma_wait3A_611] : memref<2x2048xf32, #tpu.memory_space<vmem>> -> memref<1x2048xf32, #tpu.memory_space<vmem>>
      tpu.wait_dma2 semaphore(%arg7 : memref<!tpu.dma_semaphore, #tpu.memory_space<semaphore_mem>>) src(%dma_wait3A_612 : memref<1x2048xf32, #tpu.memory_space<vmem>>) dst(%dma_wait3A_609 : memref<1x2048xf32, #tpu.memory_space<hbm>>)
      %add3A_613 = arith.addi %mul3A_2, %mul3A_12 : i32
      %add3A_614 = arith.constant 9 : i32
      %add3A_615 = arith.addi %add3A_613, %add3A_614 : i32
      %dma_wait3A_616 = arith.constant 0 : i32
      %dma_wait3A_617 = arith.constant 0 : i32
      %dma_wait3A_618 = tpu.memref_slice %arg5[%dma_wait3A_616, %dma_wait3A_617] : memref<2x2048xf32, #tpu.memory_space<vmem>> -> memref<1x2048xf32, #tpu.memory_space<vmem>>
      %dma_wait3A_619 = arith.constant 0 : i32
      %dma_wait3A_620 = tpu.memref_slice %arg4[%add3A_615, %dma_wait3A_619] : memref<32768x2048xf32, #tpu.memory_space<hbm>> -> memref<1x2048xf32, #tpu.memory_space<hbm>>
      %dma_wait3A_621 = arith.constant 0 : i32
      %dma_wait3A_622 = tpu.memref_slice %arg4[%add3A_615, %dma_wait3A_621] : memref<32768x2048xf32, #tpu.memory_space<hbm>> -> memref<1x2048xf32, #tpu.memory_space<hbm>>
      %dma_wait3A_623 = arith.constant 0 : i32
      %dma_wait3A_624 = arith.constant 0 : i32
      %dma_wait3A_625 = tpu.memref_slice %arg5[%dma_wait3A_623, %dma_wait3A_624] : memref<2x2048xf32, #tpu.memory_space<vmem>> -> memref<1x2048xf32, #tpu.memory_space<vmem>>
      tpu.wait_dma2 semaphore(%arg7 : memref<!tpu.dma_semaphore, #tpu.memory_space<semaphore_mem>>) src(%dma_wait3A_625 : memref<1x2048xf32, #tpu.memory_space<vmem>>) dst(%dma_wait3A_622 : memref<1x2048xf32, #tpu.memory_space<hbm>>)
      %add3A_626 = arith.addi %mul3A_2, %mul3A_12 : i32
      %add3A_627 = arith.constant 10 : i32
      %add3A_628 = arith.addi %add3A_626, %add3A_627 : i32
      %dma_wait3A_629 = arith.constant 0 : i32
      %dma_wait3A_630 = arith.constant 0 : i32
      %dma_wait3A_631 = tpu.memref_slice %arg5[%dma_wait3A_629, %dma_wait3A_630] : memref<2x2048xf32, #tpu.memory_space<vmem>> -> memref<1x2048xf32, #tpu.memory_space<vmem>>
      %dma_wait3A_632 = arith.constant 0 : i32
      %dma_wait3A_633 = tpu.memref_slice %arg4[%add3A_628, %dma_wait3A_632] : memref<32768x2048xf32, #tpu.memory_space<hbm>> -> memref<1x2048xf32, #tpu.memory_space<hbm>>
      %dma_wait3A_634 = arith.constant 0 : i32
      %dma_wait3A_635 = tpu.memref_slice %arg4[%add3A_628, %dma_wait3A_634] : memref<32768x2048xf32, #tpu.memory_space<hbm>> -> memref<1x2048xf32, #tpu.memory_space<hbm>>
      %dma_wait3A_636 = arith.constant 0 : i32
      %dma_wait3A_637 = arith.constant 0 : i32
      %dma_wait3A_638 = tpu.memref_slice %arg5[%dma_wait3A_636, %dma_wait3A_637] : memref<2x2048xf32, #tpu.memory_space<vmem>> -> memref<1x2048xf32, #tpu.memory_space<vmem>>
      tpu.wait_dma2 semaphore(%arg7 : memref<!tpu.dma_semaphore, #tpu.memory_space<semaphore_mem>>) src(%dma_wait3A_638 : memref<1x2048xf32, #tpu.memory_space<vmem>>) dst(%dma_wait3A_635 : memref<1x2048xf32, #tpu.memory_space<hbm>>)
      %add3A_639 = arith.addi %mul3A_2, %mul3A_12 : i32
      %add3A_640 = arith.constant 11 : i32
      %add3A_641 = arith.addi %add3A_639, %add3A_640 : i32
      %dma_wait3A_642 = arith.constant 0 : i32
      %dma_wait3A_643 = arith.constant 0 : i32
      %dma_wait3A_644 = tpu.memref_slice %arg5[%dma_wait3A_642, %dma_wait3A_643] : memref<2x2048xf32, #tpu.memory_space<vmem>> -> memref<1x2048xf32, #tpu.memory_space<vmem>>
      %dma_wait3A_645 = arith.constant 0 : i32
      %dma_wait3A_646 = tpu.memref_slice %arg4[%add3A_641, %dma_wait3A_645] : memref<32768x2048xf32, #tpu.memory_space<hbm>> -> memref<1x2048xf32, #tpu.memory_space<hbm>>
      %dma_wait3A_647 = arith.constant 0 : i32
      %dma_wait3A_648 = tpu.memref_slice %arg4[%add3A_641, %dma_wait3A_647] : memref<32768x2048xf32, #tpu.memory_space<hbm>> -> memref<1x2048xf32, #tpu.memory_space<hbm>>
      %dma_wait3A_649 = arith.constant 0 : i32
      %dma_wait3A_650 = arith.constant 0 : i32
      %dma_wait3A_651 = tpu.memref_slice %arg5[%dma_wait3A_649, %dma_wait3A_650] : memref<2x2048xf32, #tpu.memory_space<vmem>> -> memref<1x2048xf32, #tpu.memory_space<vmem>>
      tpu.wait_dma2 semaphore(%arg7 : memref<!tpu.dma_semaphore, #tpu.memory_space<semaphore_mem>>) src(%dma_wait3A_651 : memref<1x2048xf32, #tpu.memory_space<vmem>>) dst(%dma_wait3A_648 : memref<1x2048xf32, #tpu.memory_space<hbm>>)
      %add3A_652 = arith.addi %mul3A_2, %mul3A_12 : i32
      %add3A_653 = arith.constant 12 : i32
      %add3A_654 = arith.addi %add3A_652, %add3A_653 : i32
      %dma_wait3A_655 = arith.constant 0 : i32
      %dma_wait3A_656 = arith.constant 0 : i32
      %dma_wait3A_657 = tpu.memref_slice %arg5[%dma_wait3A_655, %dma_wait3A_656] : memref<2x2048xf32, #tpu.memory_space<vmem>> -> memref<1x2048xf32, #tpu.memory_space<vmem>>
      %dma_wait3A_658 = arith.constant 0 : i32
      %dma_wait3A_659 = tpu.memref_slice %arg4[%add3A_654, %dma_wait3A_658] : memref<32768x2048xf32, #tpu.memory_space<hbm>> -> memref<1x2048xf32, #tpu.memory_space<hbm>>
      %dma_wait3A_660 = arith.constant 0 : i32
      %dma_wait3A_661 = tpu.memref_slice %arg4[%add3A_654, %dma_wait3A_660] : memref<32768x2048xf32, #tpu.memory_space<hbm>> -> memref<1x2048xf32, #tpu.memory_space<hbm>>
      %dma_wait3A_662 = arith.constant 0 : i32
      %dma_wait3A_663 = arith.constant 0 : i32
      %dma_wait3A_664 = tpu.memref_slice %arg5[%dma_wait3A_662, %dma_wait3A_663] : memref<2x2048xf32, #tpu.memory_space<vmem>> -> memref<1x2048xf32, #tpu.memory_space<vmem>>
      tpu.wait_dma2 semaphore(%arg7 : memref<!tpu.dma_semaphore, #tpu.memory_space<semaphore_mem>>) src(%dma_wait3A_664 : memref<1x2048xf32, #tpu.memory_space<vmem>>) dst(%dma_wait3A_661 : memref<1x2048xf32, #tpu.memory_space<hbm>>)
      %add3A_665 = arith.addi %mul3A_2, %mul3A_12 : i32
      %add3A_666 = arith.constant 13 : i32
      %add3A_667 = arith.addi %add3A_665, %add3A_666 : i32
      %dma_wait3A_668 = arith.constant 0 : i32
      %dma_wait3A_669 = arith.constant 0 : i32
      %dma_wait3A_670 = tpu.memref_slice %arg5[%dma_wait3A_668, %dma_wait3A_669] : memref<2x2048xf32, #tpu.memory_space<vmem>> -> memref<1x2048xf32, #tpu.memory_space<vmem>>
      %dma_wait3A_671 = arith.constant 0 : i32
      %dma_wait3A_672 = tpu.memref_slice %arg4[%add3A_667, %dma_wait3A_671] : memref<32768x2048xf32, #tpu.memory_space<hbm>> -> memref<1x2048xf32, #tpu.memory_space<hbm>>
      %dma_wait3A_673 = arith.constant 0 : i32
      %dma_wait3A_674 = tpu.memref_slice %arg4[%add3A_667, %dma_wait3A_673] : memref<32768x2048xf32, #tpu.memory_space<hbm>> -> memref<1x2048xf32, #tpu.memory_space<hbm>>
      %dma_wait3A_675 = arith.constant 0 : i32
      %dma_wait3A_676 = arith.constant 0 : i32
      %dma_wait3A_677 = tpu.memref_slice %arg5[%dma_wait3A_675, %dma_wait3A_676] : memref<2x2048xf32, #tpu.memory_space<vmem>> -> memref<1x2048xf32, #tpu.memory_space<vmem>>
      tpu.wait_dma2 semaphore(%arg7 : memref<!tpu.dma_semaphore, #tpu.memory_space<semaphore_mem>>) src(%dma_wait3A_677 : memref<1x2048xf32, #tpu.memory_space<vmem>>) dst(%dma_wait3A_674 : memref<1x2048xf32, #tpu.memory_space<hbm>>)
      %add3A_678 = arith.addi %mul3A_2, %mul3A_12 : i32
      %add3A_679 = arith.constant 14 : i32
      %add3A_680 = arith.addi %add3A_678, %add3A_679 : i32
      %dma_wait3A_681 = arith.constant 0 : i32
      %dma_wait3A_682 = arith.constant 0 : i32
      %dma_wait3A_683 = tpu.memref_slice %arg5[%dma_wait3A_681, %dma_wait3A_682] : memref<2x2048xf32, #tpu.memory_space<vmem>> -> memref<1x2048xf32, #tpu.memory_space<vmem>>
      %dma_wait3A_684 = arith.constant 0 : i32
      %dma_wait3A_685 = tpu.memref_slice %arg4[%add3A_680, %dma_wait3A_684] : memref<32768x2048xf32, #tpu.memory_space<hbm>> -> memref<1x2048xf32, #tpu.memory_space<hbm>>
      %dma_wait3A_686 = arith.constant 0 : i32
      %dma_wait3A_687 = tpu.memref_slice %arg4[%add3A_680, %dma_wait3A_686] : memref<32768x2048xf32, #tpu.memory_space<hbm>> -> memref<1x2048xf32, #tpu.memory_space<hbm>>
      %dma_wait3A_688 = arith.constant 0 : i32
      %dma_wait3A_689 = arith.constant 0 : i32
      %dma_wait3A_690 = tpu.memref_slice %arg5[%dma_wait3A_688, %dma_wait3A_689] : memref<2x2048xf32, #tpu.memory_space<vmem>> -> memref<1x2048xf32, #tpu.memory_space<vmem>>
      tpu.wait_dma2 semaphore(%arg7 : memref<!tpu.dma_semaphore, #tpu.memory_space<semaphore_mem>>) src(%dma_wait3A_690 : memref<1x2048xf32, #tpu.memory_space<vmem>>) dst(%dma_wait3A_687 : memref<1x2048xf32, #tpu.memory_space<hbm>>)
      %add3A_691 = arith.addi %mul3A_2, %mul3A_12 : i32
      %add3A_692 = arith.constant 15 : i32
      %add3A_693 = arith.addi %add3A_691, %add3A_692 : i32
      %dma_wait3A_694 = arith.constant 0 : i32
      %dma_wait3A_695 = arith.constant 0 : i32
      %dma_wait3A_696 = tpu.memref_slice %arg5[%dma_wait3A_694, %dma_wait3A_695] : memref<2x2048xf32, #tpu.memory_space<vmem>> -> memref<1x2048xf32, #tpu.memory_space<vmem>>
      %dma_wait3A_697 = arith.constant 0 : i32
      %dma_wait3A_698 = tpu.memref_slice %arg4[%add3A_693, %dma_wait3A_697] : memref<32768x2048xf32, #tpu.memory_space<hbm>> -> memref<1x2048xf32, #tpu.memory_space<hbm>>
      %dma_wait3A_699 = arith.constant 0 : i32
      %dma_wait3A_700 = tpu.memref_slice %arg4[%add3A_693, %dma_wait3A_699] : memref<32768x2048xf32, #tpu.memory_space<hbm>> -> memref<1x2048xf32, #tpu.memory_space<hbm>>
      %dma_wait3A_701 = arith.constant 0 : i32
      %dma_wait3A_702 = arith.constant 0 : i32
      %dma_wait3A_703 = tpu.memref_slice %arg5[%dma_wait3A_701, %dma_wait3A_702] : memref<2x2048xf32, #tpu.memory_space<vmem>> -> memref<1x2048xf32, #tpu.memory_space<vmem>>
      tpu.wait_dma2 semaphore(%arg7 : memref<!tpu.dma_semaphore, #tpu.memory_space<semaphore_mem>>) src(%dma_wait3A_703 : memref<1x2048xf32, #tpu.memory_space<vmem>>) dst(%dma_wait3A_700 : memref<1x2048xf32, #tpu.memory_space<hbm>>)
      %add3A_704 = arith.addi %mul3A_2, %mul3A_12 : i32
      %add3A_705 = arith.constant 16 : i32
      %add3A_706 = arith.addi %add3A_704, %add3A_705 : i32
      %dma_wait3A_707 = arith.constant 0 : i32
      %dma_wait3A_708 = arith.constant 0 : i32
      %dma_wait3A_709 = tpu.memref_slice %arg5[%dma_wait3A_707, %dma_wait3A_708] : memref<2x2048xf32, #tpu.memory_space<vmem>> -> memref<1x2048xf32, #tpu.memory_space<vmem>>
      %dma_wait3A_710 = arith.constant 0 : i32
      %dma_wait3A_711 = tpu.memref_slice %arg4[%add3A_706, %dma_wait3A_710] : memref<32768x2048xf32, #tpu.memory_space<hbm>> -> memref<1x2048xf32, #tpu.memory_space<hbm>>
      %dma_wait3A_712 = arith.constant 0 : i32
      %dma_wait3A_713 = tpu.memref_slice %arg4[%add3A_706, %dma_wait3A_712] : memref<32768x2048xf32, #tpu.memory_space<hbm>> -> memref<1x2048xf32, #tpu.memory_space<hbm>>
      %dma_wait3A_714 = arith.constant 0 : i32
      %dma_wait3A_715 = arith.constant 0 : i32
      %dma_wait3A_716 = tpu.memref_slice %arg5[%dma_wait3A_714, %dma_wait3A_715] : memref<2x2048xf32, #tpu.memory_space<vmem>> -> memref<1x2048xf32, #tpu.memory_space<vmem>>
      tpu.wait_dma2 semaphore(%arg7 : memref<!tpu.dma_semaphore, #tpu.memory_space<semaphore_mem>>) src(%dma_wait3A_716 : memref<1x2048xf32, #tpu.memory_space<vmem>>) dst(%dma_wait3A_713 : memref<1x2048xf32, #tpu.memory_space<hbm>>)
      %add3A_717 = arith.addi %mul3A_2, %mul3A_12 : i32
      %add3A_718 = arith.constant 17 : i32
      %add3A_719 = arith.addi %add3A_717, %add3A_718 : i32
      %dma_wait3A_720 = arith.constant 0 : i32
      %dma_wait3A_721 = arith.constant 0 : i32
      %dma_wait3A_722 = tpu.memref_slice %arg5[%dma_wait3A_720, %dma_wait3A_721] : memref<2x2048xf32, #tpu.memory_space<vmem>> -> memref<1x2048xf32, #tpu.memory_space<vmem>>
      %dma_wait3A_723 = arith.constant 0 : i32
      %dma_wait3A_724 = tpu.memref_slice %arg4[%add3A_719, %dma_wait3A_723] : memref<32768x2048xf32, #tpu.memory_space<hbm>> -> memref<1x2048xf32, #tpu.memory_space<hbm>>
      %dma_wait3A_725 = arith.constant 0 : i32
      %dma_wait3A_726 = tpu.memref_slice %arg4[%add3A_719, %dma_wait3A_725] : memref<32768x2048xf32, #tpu.memory_space<hbm>> -> memref<1x2048xf32, #tpu.memory_space<hbm>>
      %dma_wait3A_727 = arith.constant 0 : i32
      %dma_wait3A_728 = arith.constant 0 : i32
      %dma_wait3A_729 = tpu.memref_slice %arg5[%dma_wait3A_727, %dma_wait3A_728] : memref<2x2048xf32, #tpu.memory_space<vmem>> -> memref<1x2048xf32, #tpu.memory_space<vmem>>
      tpu.wait_dma2 semaphore(%arg7 : memref<!tpu.dma_semaphore, #tpu.memory_space<semaphore_mem>>) src(%dma_wait3A_729 : memref<1x2048xf32, #tpu.memory_space<vmem>>) dst(%dma_wait3A_726 : memref<1x2048xf32, #tpu.memory_space<hbm>>)
      %add3A_730 = arith.addi %mul3A_2, %mul3A_12 : i32
      %add3A_731 = arith.constant 18 : i32
      %add3A_732 = arith.addi %add3A_730, %add3A_731 : i32
      %dma_wait3A_733 = arith.constant 0 : i32
      %dma_wait3A_734 = arith.constant 0 : i32
      %dma_wait3A_735 = tpu.memref_slice %arg5[%dma_wait3A_733, %dma_wait3A_734] : memref<2x2048xf32, #tpu.memory_space<vmem>> -> memref<1x2048xf32, #tpu.memory_space<vmem>>
      %dma_wait3A_736 = arith.constant 0 : i32
      %dma_wait3A_737 = tpu.memref_slice %arg4[%add3A_732, %dma_wait3A_736] : memref<32768x2048xf32, #tpu.memory_space<hbm>> -> memref<1x2048xf32, #tpu.memory_space<hbm>>
      %dma_wait3A_738 = arith.constant 0 : i32
      %dma_wait3A_739 = tpu.memref_slice %arg4[%add3A_732, %dma_wait3A_738] : memref<32768x2048xf32, #tpu.memory_space<hbm>> -> memref<1x2048xf32, #tpu.memory_space<hbm>>
      %dma_wait3A_740 = arith.constant 0 : i32
      %dma_wait3A_741 = arith.constant 0 : i32
      %dma_wait3A_742 = tpu.memref_slice %arg5[%dma_wait3A_740, %dma_wait3A_741] : memref<2x2048xf32, #tpu.memory_space<vmem>> -> memref<1x2048xf32, #tpu.memory_space<vmem>>
      tpu.wait_dma2 semaphore(%arg7 : memref<!tpu.dma_semaphore, #tpu.memory_space<semaphore_mem>>) src(%dma_wait3A_742 : memref<1x2048xf32, #tpu.memory_space<vmem>>) dst(%dma_wait3A_739 : memref<1x2048xf32, #tpu.memory_space<hbm>>)
      %add3A_743 = arith.addi %mul3A_2, %mul3A_12 : i32
      %add3A_744 = arith.constant 19 : i32
      %add3A_745 = arith.addi %add3A_743, %add3A_744 : i32
      %dma_wait3A_746 = arith.constant 0 : i32
      %dma_wait3A_747 = arith.constant 0 : i32
      %dma_wait3A_748 = tpu.memref_slice %arg5[%dma_wait3A_746, %dma_wait3A_747] : memref<2x2048xf32, #tpu.memory_space<vmem>> -> memref<1x2048xf32, #tpu.memory_space<vmem>>
      %dma_wait3A_749 = arith.constant 0 : i32
      %dma_wait3A_750 = tpu.memref_slice %arg4[%add3A_745, %dma_wait3A_749] : memref<32768x2048xf32, #tpu.memory_space<hbm>> -> memref<1x2048xf32, #tpu.memory_space<hbm>>
      %dma_wait3A_751 = arith.constant 0 : i32
      %dma_wait3A_752 = tpu.memref_slice %arg4[%add3A_745, %dma_wait3A_751] : memref<32768x2048xf32, #tpu.memory_space<hbm>> -> memref<1x2048xf32, #tpu.memory_space<hbm>>
      %dma_wait3A_753 = arith.constant 0 : i32
      %dma_wait3A_754 = arith.constant 0 : i32
      %dma_wait3A_755 = tpu.memref_slice %arg5[%dma_wait3A_753, %dma_wait3A_754] : memref<2x2048xf32, #tpu.memory_space<vmem>> -> memref<1x2048xf32, #tpu.memory_space<vmem>>
      tpu.wait_dma2 semaphore(%arg7 : memref<!tpu.dma_semaphore, #tpu.memory_space<semaphore_mem>>) src(%dma_wait3A_755 : memref<1x2048xf32, #tpu.memory_space<vmem>>) dst(%dma_wait3A_752 : memref<1x2048xf32, #tpu.memory_space<hbm>>)
      %add3A_756 = arith.addi %mul3A_2, %mul3A_12 : i32
      %add3A_757 = arith.constant 20 : i32
      %add3A_758 = arith.addi %add3A_756, %add3A_757 : i32
      %dma_wait3A_759 = arith.constant 0 : i32
      %dma_wait3A_760 = arith.constant 0 : i32
      %dma_wait3A_761 = tpu.memref_slice %arg5[%dma_wait3A_759, %dma_wait3A_760] : memref<2x2048xf32, #tpu.memory_space<vmem>> -> memref<1x2048xf32, #tpu.memory_space<vmem>>
      %dma_wait3A_762 = arith.constant 0 : i32
      %dma_wait3A_763 = tpu.memref_slice %arg4[%add3A_758, %dma_wait3A_762] : memref<32768x2048xf32, #tpu.memory_space<hbm>> -> memref<1x2048xf32, #tpu.memory_space<hbm>>
      %dma_wait3A_764 = arith.constant 0 : i32
      %dma_wait3A_765 = tpu.memref_slice %arg4[%add3A_758, %dma_wait3A_764] : memref<32768x2048xf32, #tpu.memory_space<hbm>> -> memref<1x2048xf32, #tpu.memory_space<hbm>>
      %dma_wait3A_766 = arith.constant 0 : i32
      %dma_wait3A_767 = arith.constant 0 : i32
      %dma_wait3A_768 = tpu.memref_slice %arg5[%dma_wait3A_766, %dma_wait3A_767] : memref<2x2048xf32, #tpu.memory_space<vmem>> -> memref<1x2048xf32, #tpu.memory_space<vmem>>
      tpu.wait_dma2 semaphore(%arg7 : memref<!tpu.dma_semaphore, #tpu.memory_space<semaphore_mem>>) src(%dma_wait3A_768 : memref<1x2048xf32, #tpu.memory_space<vmem>>) dst(%dma_wait3A_765 : memref<1x2048xf32, #tpu.memory_space<hbm>>)
      %add3A_769 = arith.addi %mul3A_2, %mul3A_12 : i32
      %add3A_770 = arith.constant 21 : i32
      %add3A_771 = arith.addi %add3A_769, %add3A_770 : i32
      %dma_wait3A_772 = arith.constant 0 : i32
      %dma_wait3A_773 = arith.constant 0 : i32
      %dma_wait3A_774 = tpu.memref_slice %arg5[%dma_wait3A_772, %dma_wait3A_773] : memref<2x2048xf32, #tpu.memory_space<vmem>> -> memref<1x2048xf32, #tpu.memory_space<vmem>>
      %dma_wait3A_775 = arith.constant 0 : i32
      %dma_wait3A_776 = tpu.memref_slice %arg4[%add3A_771, %dma_wait3A_775] : memref<32768x2048xf32, #tpu.memory_space<hbm>> -> memref<1x2048xf32, #tpu.memory_space<hbm>>
      %dma_wait3A_777 = arith.constant 0 : i32
      %dma_wait3A_778 = tpu.memref_slice %arg4[%add3A_771, %dma_wait3A_777] : memref<32768x2048xf32, #tpu.memory_space<hbm>> -> memref<1x2048xf32, #tpu.memory_space<hbm>>
      %dma_wait3A_779 = arith.constant 0 : i32
      %dma_wait3A_780 = arith.constant 0 : i32
      %dma_wait3A_781 = tpu.memref_slice %arg5[%dma_wait3A_779, %dma_wait3A_780] : memref<2x2048xf32, #tpu.memory_space<vmem>> -> memref<1x2048xf32, #tpu.memory_space<vmem>>
      tpu.wait_dma2 semaphore(%arg7 : memref<!tpu.dma_semaphore, #tpu.memory_space<semaphore_mem>>) src(%dma_wait3A_781 : memref<1x2048xf32, #tpu.memory_space<vmem>>) dst(%dma_wait3A_778 : memref<1x2048xf32, #tpu.memory_space<hbm>>)
      %add3A_782 = arith.addi %mul3A_2, %mul3A_12 : i32
      %add3A_783 = arith.constant 22 : i32
      %add3A_784 = arith.addi %add3A_782, %add3A_783 : i32
      %dma_wait3A_785 = arith.constant 0 : i32
      %dma_wait3A_786 = arith.constant 0 : i32
      %dma_wait3A_787 = tpu.memref_slice %arg5[%dma_wait3A_785, %dma_wait3A_786] : memref<2x2048xf32, #tpu.memory_space<vmem>> -> memref<1x2048xf32, #tpu.memory_space<vmem>>
      %dma_wait3A_788 = arith.constant 0 : i32
      %dma_wait3A_789 = tpu.memref_slice %arg4[%add3A_784, %dma_wait3A_788] : memref<32768x2048xf32, #tpu.memory_space<hbm>> -> memref<1x2048xf32, #tpu.memory_space<hbm>>
      %dma_wait3A_790 = arith.constant 0 : i32
      %dma_wait3A_791 = tpu.memref_slice %arg4[%add3A_784, %dma_wait3A_790] : memref<32768x2048xf32, #tpu.memory_space<hbm>> -> memref<1x2048xf32, #tpu.memory_space<hbm>>
      %dma_wait3A_792 = arith.constant 0 : i32
      %dma_wait3A_793 = arith.constant 0 : i32
      %dma_wait3A_794 = tpu.memref_slice %arg5[%dma_wait3A_792, %dma_wait3A_793] : memref<2x2048xf32, #tpu.memory_space<vmem>> -> memref<1x2048xf32, #tpu.memory_space<vmem>>
      tpu.wait_dma2 semaphore(%arg7 : memref<!tpu.dma_semaphore, #tpu.memory_space<semaphore_mem>>) src(%dma_wait3A_794 : memref<1x2048xf32, #tpu.memory_space<vmem>>) dst(%dma_wait3A_791 : memref<1x2048xf32, #tpu.memory_space<hbm>>)
      %add3A_795 = arith.addi %mul3A_2, %mul3A_12 : i32
      %add3A_796 = arith.constant 23 : i32
      %add3A_797 = arith.addi %add3A_795, %add3A_796 : i32
      %dma_wait3A_798 = arith.constant 0 : i32
      %dma_wait3A_799 = arith.constant 0 : i32
      %dma_wait3A_800 = tpu.memref_slice %arg5[%dma_wait3A_798, %dma_wait3A_799] : memref<2x2048xf32, #tpu.memory_space<vmem>> -> memref<1x2048xf32, #tpu.memory_space<vmem>>
      %dma_wait3A_801 = arith.constant 0 : i32
      %dma_wait3A_802 = tpu.memref_slice %arg4[%add3A_797, %dma_wait3A_801] : memref<32768x2048xf32, #tpu.memory_space<hbm>> -> memref<1x2048xf32, #tpu.memory_space<hbm>>
      %dma_wait3A_803 = arith.constant 0 : i32
      %dma_wait3A_804 = tpu.memref_slice %arg4[%add3A_797, %dma_wait3A_803] : memref<32768x2048xf32, #tpu.memory_space<hbm>> -> memref<1x2048xf32, #tpu.memory_space<hbm>>
      %dma_wait3A_805 = arith.constant 0 : i32
      %dma_wait3A_806 = arith.constant 0 : i32
      %dma_wait3A_807 = tpu.memref_slice %arg5[%dma_wait3A_805, %dma_wait3A_806] : memref<2x2048xf32, #tpu.memory_space<vmem>> -> memref<1x2048xf32, #tpu.memory_space<vmem>>
      tpu.wait_dma2 semaphore(%arg7 : memref<!tpu.dma_semaphore, #tpu.memory_space<semaphore_mem>>) src(%dma_wait3A_807 : memref<1x2048xf32, #tpu.memory_space<vmem>>) dst(%dma_wait3A_804 : memref<1x2048xf32, #tpu.memory_space<hbm>>)
      %add3A_808 = arith.addi %mul3A_2, %mul3A_12 : i32
      %add3A_809 = arith.constant 24 : i32
      %add3A_810 = arith.addi %add3A_808, %add3A_809 : i32
      %dma_wait3A_811 = arith.constant 0 : i32
      %dma_wait3A_812 = arith.constant 0 : i32
      %dma_wait3A_813 = tpu.memref_slice %arg5[%dma_wait3A_811, %dma_wait3A_812] : memref<2x2048xf32, #tpu.memory_space<vmem>> -> memref<1x2048xf32, #tpu.memory_space<vmem>>
      %dma_wait3A_814 = arith.constant 0 : i32
      %dma_wait3A_815 = tpu.memref_slice %arg4[%add3A_810, %dma_wait3A_814] : memref<32768x2048xf32, #tpu.memory_space<hbm>> -> memref<1x2048xf32, #tpu.memory_space<hbm>>
      %dma_wait3A_816 = arith.constant 0 : i32
      %dma_wait3A_817 = tpu.memref_slice %arg4[%add3A_810, %dma_wait3A_816] : memref<32768x2048xf32, #tpu.memory_space<hbm>> -> memref<1x2048xf32, #tpu.memory_space<hbm>>
      %dma_wait3A_818 = arith.constant 0 : i32
      %dma_wait3A_819 = arith.constant 0 : i32
      %dma_wait3A_820 = tpu.memref_slice %arg5[%dma_wait3A_818, %dma_wait3A_819] : memref<2x2048xf32, #tpu.memory_space<vmem>> -> memref<1x2048xf32, #tpu.memory_space<vmem>>
      tpu.wait_dma2 semaphore(%arg7 : memref<!tpu.dma_semaphore, #tpu.memory_space<semaphore_mem>>) src(%dma_wait3A_820 : memref<1x2048xf32, #tpu.memory_space<vmem>>) dst(%dma_wait3A_817 : memref<1x2048xf32, #tpu.memory_space<hbm>>)
      %add3A_821 = arith.addi %mul3A_2, %mul3A_12 : i32
      %add3A_822 = arith.constant 25 : i32
      %add3A_823 = arith.addi %add3A_821, %add3A_822 : i32
      %dma_wait3A_824 = arith.constant 0 : i32
      %dma_wait3A_825 = arith.constant 0 : i32
      %dma_wait3A_826 = tpu.memref_slice %arg5[%dma_wait3A_824, %dma_wait3A_825] : memref<2x2048xf32, #tpu.memory_space<vmem>> -> memref<1x2048xf32, #tpu.memory_space<vmem>>
      %dma_wait3A_827 = arith.constant 0 : i32
      %dma_wait3A_828 = tpu.memref_slice %arg4[%add3A_823, %dma_wait3A_827] : memref<32768x2048xf32, #tpu.memory_space<hbm>> -> memref<1x2048xf32, #tpu.memory_space<hbm>>
      %dma_wait3A_829 = arith.constant 0 : i32
      %dma_wait3A_830 = tpu.memref_slice %arg4[%add3A_823, %dma_wait3A_829] : memref<32768x2048xf32, #tpu.memory_space<hbm>> -> memref<1x2048xf32, #tpu.memory_space<hbm>>
      %dma_wait3A_831 = arith.constant 0 : i32
      %dma_wait3A_832 = arith.constant 0 : i32
      %dma_wait3A_833 = tpu.memref_slice %arg5[%dma_wait3A_831, %dma_wait3A_832] : memref<2x2048xf32, #tpu.memory_space<vmem>> -> memref<1x2048xf32, #tpu.memory_space<vmem>>
      tpu.wait_dma2 semaphore(%arg7 : memref<!tpu.dma_semaphore, #tpu.memory_space<semaphore_mem>>) src(%dma_wait3A_833 : memref<1x2048xf32, #tpu.memory_space<vmem>>) dst(%dma_wait3A_830 : memref<1x2048xf32, #tpu.memory_space<hbm>>)
      %add3A_834 = arith.addi %mul3A_2, %mul3A_12 : i32
      %add3A_835 = arith.constant 26 : i32
      %add3A_836 = arith.addi %add3A_834, %add3A_835 : i32
      %dma_wait3A_837 = arith.constant 0 : i32
      %dma_wait3A_838 = arith.constant 0 : i32
      %dma_wait3A_839 = tpu.memref_slice %arg5[%dma_wait3A_837, %dma_wait3A_838] : memref<2x2048xf32, #tpu.memory_space<vmem>> -> memref<1x2048xf32, #tpu.memory_space<vmem>>
      %dma_wait3A_840 = arith.constant 0 : i32
      %dma_wait3A_841 = tpu.memref_slice %arg4[%add3A_836, %dma_wait3A_840] : memref<32768x2048xf32, #tpu.memory_space<hbm>> -> memref<1x2048xf32, #tpu.memory_space<hbm>>
      %dma_wait3A_842 = arith.constant 0 : i32
      %dma_wait3A_843 = tpu.memref_slice %arg4[%add3A_836, %dma_wait3A_842] : memref<32768x2048xf32, #tpu.memory_space<hbm>> -> memref<1x2048xf32, #tpu.memory_space<hbm>>
      %dma_wait3A_844 = arith.constant 0 : i32
      %dma_wait3A_845 = arith.constant 0 : i32
      %dma_wait3A_846 = tpu.memref_slice %arg5[%dma_wait3A_844, %dma_wait3A_845] : memref<2x2048xf32, #tpu.memory_space<vmem>> -> memref<1x2048xf32, #tpu.memory_space<vmem>>
      tpu.wait_dma2 semaphore(%arg7 : memref<!tpu.dma_semaphore, #tpu.memory_space<semaphore_mem>>) src(%dma_wait3A_846 : memref<1x2048xf32, #tpu.memory_space<vmem>>) dst(%dma_wait3A_843 : memref<1x2048xf32, #tpu.memory_space<hbm>>)
      %add3A_847 = arith.addi %mul3A_2, %mul3A_12 : i32
      %add3A_848 = arith.constant 27 : i32
      %add3A_849 = arith.addi %add3A_847, %add3A_848 : i32
      %dma_wait3A_850 = arith.constant 0 : i32
      %dma_wait3A_851 = arith.constant 0 : i32
      %dma_wait3A_852 = tpu.memref_slice %arg5[%dma_wait3A_850, %dma_wait3A_851] : memref<2x2048xf32, #tpu.memory_space<vmem>> -> memref<1x2048xf32, #tpu.memory_space<vmem>>
      %dma_wait3A_853 = arith.constant 0 : i32
      %dma_wait3A_854 = tpu.memref_slice %arg4[%add3A_849, %dma_wait3A_853] : memref<32768x2048xf32, #tpu.memory_space<hbm>> -> memref<1x2048xf32, #tpu.memory_space<hbm>>
      %dma_wait3A_855 = arith.constant 0 : i32
      %dma_wait3A_856 = tpu.memref_slice %arg4[%add3A_849, %dma_wait3A_855] : memref<32768x2048xf32, #tpu.memory_space<hbm>> -> memref<1x2048xf32, #tpu.memory_space<hbm>>
      %dma_wait3A_857 = arith.constant 0 : i32
      %dma_wait3A_858 = arith.constant 0 : i32
      %dma_wait3A_859 = tpu.memref_slice %arg5[%dma_wait3A_857, %dma_wait3A_858] : memref<2x2048xf32, #tpu.memory_space<vmem>> -> memref<1x2048xf32, #tpu.memory_space<vmem>>
      tpu.wait_dma2 semaphore(%arg7 : memref<!tpu.dma_semaphore, #tpu.memory_space<semaphore_mem>>) src(%dma_wait3A_859 : memref<1x2048xf32, #tpu.memory_space<vmem>>) dst(%dma_wait3A_856 : memref<1x2048xf32, #tpu.memory_space<hbm>>)
      %add3A_860 = arith.addi %mul3A_2, %mul3A_12 : i32
      %add3A_861 = arith.constant 28 : i32
      %add3A_862 = arith.addi %add3A_860, %add3A_861 : i32
      %dma_wait3A_863 = arith.constant 0 : i32
      %dma_wait3A_864 = arith.constant 0 : i32
      %dma_wait3A_865 = tpu.memref_slice %arg5[%dma_wait3A_863, %dma_wait3A_864] : memref<2x2048xf32, #tpu.memory_space<vmem>> -> memref<1x2048xf32, #tpu.memory_space<vmem>>
      %dma_wait3A_866 = arith.constant 0 : i32
      %dma_wait3A_867 = tpu.memref_slice %arg4[%add3A_862, %dma_wait3A_866] : memref<32768x2048xf32, #tpu.memory_space<hbm>> -> memref<1x2048xf32, #tpu.memory_space<hbm>>
      %dma_wait3A_868 = arith.constant 0 : i32
      %dma_wait3A_869 = tpu.memref_slice %arg4[%add3A_862, %dma_wait3A_868] : memref<32768x2048xf32, #tpu.memory_space<hbm>> -> memref<1x2048xf32, #tpu.memory_space<hbm>>
      %dma_wait3A_870 = arith.constant 0 : i32
      %dma_wait3A_871 = arith.constant 0 : i32
      %dma_wait3A_872 = tpu.memref_slice %arg5[%dma_wait3A_870, %dma_wait3A_871] : memref<2x2048xf32, #tpu.memory_space<vmem>> -> memref<1x2048xf32, #tpu.memory_space<vmem>>
      tpu.wait_dma2 semaphore(%arg7 : memref<!tpu.dma_semaphore, #tpu.memory_space<semaphore_mem>>) src(%dma_wait3A_872 : memref<1x2048xf32, #tpu.memory_space<vmem>>) dst(%dma_wait3A_869 : memref<1x2048xf32, #tpu.memory_space<hbm>>)
      %add3A_873 = arith.addi %mul3A_2, %mul3A_12 : i32
      %add3A_874 = arith.constant 29 : i32
      %add3A_875 = arith.addi %add3A_873, %add3A_874 : i32
      %dma_wait3A_876 = arith.constant 0 : i32
      %dma_wait3A_877 = arith.constant 0 : i32
      %dma_wait3A_878 = tpu.memref_slice %arg5[%dma_wait3A_876, %dma_wait3A_877] : memref<2x2048xf32, #tpu.memory_space<vmem>> -> memref<1x2048xf32, #tpu.memory_space<vmem>>
      %dma_wait3A_879 = arith.constant 0 : i32
      %dma_wait3A_880 = tpu.memref_slice %arg4[%add3A_875, %dma_wait3A_879] : memref<32768x2048xf32, #tpu.memory_space<hbm>> -> memref<1x2048xf32, #tpu.memory_space<hbm>>
      %dma_wait3A_881 = arith.constant 0 : i32
      %dma_wait3A_882 = tpu.memref_slice %arg4[%add3A_875, %dma_wait3A_881] : memref<32768x2048xf32, #tpu.memory_space<hbm>> -> memref<1x2048xf32, #tpu.memory_space<hbm>>
      %dma_wait3A_883 = arith.constant 0 : i32
      %dma_wait3A_884 = arith.constant 0 : i32
      %dma_wait3A_885 = tpu.memref_slice %arg5[%dma_wait3A_883, %dma_wait3A_884] : memref<2x2048xf32, #tpu.memory_space<vmem>> -> memref<1x2048xf32, #tpu.memory_space<vmem>>
      tpu.wait_dma2 semaphore(%arg7 : memref<!tpu.dma_semaphore, #tpu.memory_space<semaphore_mem>>) src(%dma_wait3A_885 : memref<1x2048xf32, #tpu.memory_space<vmem>>) dst(%dma_wait3A_882 : memref<1x2048xf32, #tpu.memory_space<hbm>>)
      %add3A_886 = arith.addi %mul3A_2, %mul3A_12 : i32
      %add3A_887 = arith.constant 30 : i32
      %add3A_888 = arith.addi %add3A_886, %add3A_887 : i32
      %dma_wait3A_889 = arith.constant 0 : i32
      %dma_wait3A_890 = arith.constant 0 : i32
      %dma_wait3A_891 = tpu.memref_slice %arg5[%dma_wait3A_889, %dma_wait3A_890] : memref<2x2048xf32, #tpu.memory_space<vmem>> -> memref<1x2048xf32, #tpu.memory_space<vmem>>
      %dma_wait3A_892 = arith.constant 0 : i32
      %dma_wait3A_893 = tpu.memref_slice %arg4[%add3A_888, %dma_wait3A_892] : memref<32768x2048xf32, #tpu.memory_space<hbm>> -> memref<1x2048xf32, #tpu.memory_space<hbm>>
      %dma_wait3A_894 = arith.constant 0 : i32
      %dma_wait3A_895 = tpu.memref_slice %arg4[%add3A_888, %dma_wait3A_894] : memref<32768x2048xf32, #tpu.memory_space<hbm>> -> memref<1x2048xf32, #tpu.memory_space<hbm>>
      %dma_wait3A_896 = arith.constant 0 : i32
      %dma_wait3A_897 = arith.constant 0 : i32
      %dma_wait3A_898 = tpu.memref_slice %arg5[%dma_wait3A_896, %dma_wait3A_897] : memref<2x2048xf32, #tpu.memory_space<vmem>> -> memref<1x2048xf32, #tpu.memory_space<vmem>>
      tpu.wait_dma2 semaphore(%arg7 : memref<!tpu.dma_semaphore, #tpu.memory_space<semaphore_mem>>) src(%dma_wait3A_898 : memref<1x2048xf32, #tpu.memory_space<vmem>>) dst(%dma_wait3A_895 : memref<1x2048xf32, #tpu.memory_space<hbm>>)
      %add3A_899 = arith.addi %mul3A_2, %mul3A_12 : i32
      %add3A_900 = arith.constant 31 : i32
      %add3A_901 = arith.addi %add3A_899, %add3A_900 : i32
      %dma_wait3A_902 = arith.constant 0 : i32
      %dma_wait3A_903 = arith.constant 0 : i32
      %dma_wait3A_904 = tpu.memref_slice %arg5[%dma_wait3A_902, %dma_wait3A_903] : memref<2x2048xf32, #tpu.memory_space<vmem>> -> memref<1x2048xf32, #tpu.memory_space<vmem>>
      %dma_wait3A_905 = arith.constant 0 : i32
      %dma_wait3A_906 = tpu.memref_slice %arg4[%add3A_901, %dma_wait3A_905] : memref<32768x2048xf32, #tpu.memory_space<hbm>> -> memref<1x2048xf32, #tpu.memory_space<hbm>>
      %dma_wait3A_907 = arith.constant 0 : i32
      %dma_wait3A_908 = tpu.memref_slice %arg4[%add3A_901, %dma_wait3A_907] : memref<32768x2048xf32, #tpu.memory_space<hbm>> -> memref<1x2048xf32, #tpu.memory_space<hbm>>
      %dma_wait3A_909 = arith.constant 0 : i32
      %dma_wait3A_910 = arith.constant 0 : i32
      %dma_wait3A_911 = tpu.memref_slice %arg5[%dma_wait3A_909, %dma_wait3A_910] : memref<2x2048xf32, #tpu.memory_space<vmem>> -> memref<1x2048xf32, #tpu.memory_space<vmem>>
      tpu.wait_dma2 semaphore(%arg7 : memref<!tpu.dma_semaphore, #tpu.memory_space<semaphore_mem>>) src(%dma_wait3A_911 : memref<1x2048xf32, #tpu.memory_space<vmem>>) dst(%dma_wait3A_908 : memref<1x2048xf32, #tpu.memory_space<hbm>>)
    }
    %scan3A_7 = arith.constant 32 : i32
    return
  }
}

</mosaic_0001>

<sc_bundles>
// kernel: kernel.3.cloned.1.call-start
scs
__scs_entry_jumppad:
0x0: {  	(pc) =	sbr.rel $0x88, $3  }
0x1: {  	(tag) =	ssettag $0x0;
	lr =	simm.s32 $0x1  }
0x2: {  	[smem:$0x3F9F] =	sst lr;
	_ =	strace $0xD0000000  }
0x3: {  	_ = 	snop  }
0x4: {  	_ = 	snop  }
0x5: {  	_ = 	snop  }
0x6: {  	_ = 	snop  }
0x7: {  	_ = 	snop  }
__scs_overlays_trampoline_lowered:
0x8: {  	[smem:$0x3FAE] =	sst s0  }
0x9: {  	[smem:$0x3FAF] =	sst s1  }
0xa: {  	[smem:$0x3FB0] =	sst s2  }
0xb: {  	[smem:$0x3FB1] =	sst s3  }
0xc: {  	[smem:$0x3FB2] =	sst s4  }
0xd: {  	[smem:$0x3FB3] =	sst s5  }
0xe: {  	[smem:$0x3FB4] =	sst s6  }
0xf: {  	[smem:$0x3FB5] =	sst s7  }
0x10: {  	[smem:$0x3FB6] =	sst s8  }
0x11: {  	[smem:$0x3FB7] =	sst s9;
	s0 =	simm.s32 @!p0 $0x0  }
0x12: {  	s1 =	sld [smem:$0x3F9D];
	s0 =	simm.s32 @p0 $0x1  }
0x13: {  	[smem:$0x3FB8] =	sst s0;
	s0 =	simm.s32 @!p1 $0x0  }
0x14: {  	s2 =	sld [smem:$0x3F9C];
	s0 =	simm.s32 @p1 $0x1  }
0x15: {  	[smem:$0x3FB9] =	sst s0;
	s0 =	simm.s32 @!p2 $0x0  }
0x16: {  	s3 =	sld [smem:$0x3FDB];
	s0 =	simm.s32 @p2 $0x1  }
0x17: {  	s4 =	simm.s32 $0x1BF5;
	[smem:$0x3FBB] =	sst s0  }
0x18: {  	s0 =	sld [smem:$0x3F9E];
	_ =	swait.ge [sflag:s4], $0x0  }
0x19: {  	s7 =	sld [smem:$0x3F9F]  }
0x1a: {  	s8 =	sadd.s32 $0xFFFFE003, lr  }
0x1b: {  	s9 =	sadd.s32 $0xFFFFFEF7, lr;
	s5 =	simm.s32 $0xFFFFFFFF;
	p2 =	slt.u32 s8, $0xFFFFF086  }
0x1c: {  	p1 =	slt.u32 s9, $0xF7A;
	s5 =	simm.s32 @!p2 $0x0  }
0x1d: {  	s5 =	simm.s32 @p1 $0x1;
	p0 =	seq.s32 s7, s2  }
0x1e: {  	s7 =	smul.u32 @!p0 $0xF7A, s2;
	p2 =	seq.s32 @!p0 s5, $0x0  }
0x1f: {  	s9 =	smul.u32 $0xF7A, s1;
	s8 =	simm.s32 @!p0 $0x1BF5;
	p2 =	por !p2, p0  }
0x20: {  	[sflag:s8] =	ssyncset.s32 @!p0 $0xFFFFF086;
	s6 =	sadd.s32 @!p0 s3, s7;
	s7 =	simm.s32 @!p0 $0x108  }
0x21: {  	s3 =	sadd.s32 s3, s9;
	s6 =	sadd.s32 @!p0 $0x88, s6;
	s7 =	simm.s32 @p2 $0x1082  }
0x22: {  	[simem:s7], [sflag:s8] =	dma.local @!p0 [hbm:s6], $0xF7A  }
0x23: {  	s9 =	sor.u32 $0xD0000000, s2;
	s6 =	simm.s32 $0x108;
	_ =	swait.ge @!p0 [sflag:s8], $0x0  }
0x24: {  	s3 =	sadd.s32 $0x88, s3;
	s6 =	simm.s32 @!p1 $0x1082;
	[sflag:s4] =	ssyncset.s32 $0xFFFFF086  }
0x25: {  	[simem:s6], [sflag:s4] =	dma.local [hbm:s3], $0xF7A  }
0x26: {  	[smem:$0x3F9F] =	sst s1;
	(tag) =	ssettag s2;
	_ =	strace s9  }
0x27: {  	s1 =	sld [smem:$0x3FAF]  }
0x28: {  	s2 =	sld [smem:$0x3FB0]  }
0x29: {  	s4 =	sld [smem:$0x3FB2]  }
0x2a: {  	p0 =	seq.s32 s5, $0x0;
	s5 =	sld [smem:$0x3FB3]  }
0x2b: {  	s6 =	sld [smem:$0x3FB4]  }
0x2c: {  	s7 =	sld [smem:$0x3FB5]  }
0x2d: {  	s3 =	simm.s32 $0x108;
	s8 =	sld [smem:$0x3FB6]  }
0x2e: {  	s3 =	simm.s32 @!p0 $0x1082;
	s9 =	sld [smem:$0x3FB7]  }
0x2f: {  	lr =	sadd.s32 s0, s3;
	s0 =	sld [smem:$0x3FAE]  }
0x30: {  	s3 =	sld [smem:$0x3FB1]  }
0x31: {  	[smem:$0x3FBA] =	sst s10  }
0x32: {  	s10 =	sld [smem:$0x3FB8];
	_ =	sdelay $0x3  }
0x33: {  	p0 =	seq.s32 s10, $0x1;
	s10 =	sld [smem:$0x3FBA];
	_ =	sdelay $0x3  }
0x34: {  	[smem:$0x3FBA] =	sst s10  }
0x35: {  	s10 =	sld [smem:$0x3FB9];
	_ =	sdelay $0x3  }
0x36: {  	p1 =	seq.s32 s10, $0x1;
	s10 =	sld [smem:$0x3FBA];
	_ =	sdelay $0x3  }
0x37: {  	[smem:$0x3FBA] =	sst s10  }
0x38: {  	s10 =	sld [smem:$0x3FBB]  }
0x39: {  	_ = 	snop;
	(pc) =	sbr.ind lr, $3  }
0x3a: {  	_ = 	snop  }
0x3b: {  	_ = 	snop  }
0x3c: {  	p2 =	seq.s32 s10, $0x1;
	s10 =	sld [smem:$0x3FBA]  }
0x3d: {  	_ =	shalt  }
0x3e: {  	_ =	shalt  }
0x3f: {  	_ =	shalt  }
0x40: {  	_ =	shalt  }
0x41: {  	_ =	shalt  }
0x42: {  	_ =	shalt  }
0x43: {  	_ =	shalt  }
0x44: {  	_ =	shalt  }
0x45: {  	_ =	shalt  }
0x46: {  	_ =	shalt  }
0x47: {  	_ =	shalt  }
0x48: {  	_ =	shalt  }
0x49: {  	_ =	shalt  }
0x4a: {  	_ =	shalt  }
0x4b: {  	_ =	shalt  }
0x4c: {  	_ =	shalt  }
0x4d: {  	_ =	shalt  }
0x4e: {  	_ =	shalt  }
0x4f: {  	_ =	shalt  }
0x50: {  	_ =	shalt  }
0x51: {  	_ =	shalt  }
0x52: {  	_ =	shalt  }
0x53: {  	_ =	shalt  }
0x54: {  	_ =	shalt  }
0x55: {  	_ =	shalt  }
0x56: {  	_ =	shalt  }
0x57: {  	_ =	shalt  }
0x58: {  	_ =	shalt  }
0x59: {  	_ =	shalt  }
0x5a: {  	_ =	shalt  }
0x5b: {  	_ =	shalt  }
0x5c: {  	_ =	shalt  }
0x5d: {  	_ =	shalt  }
0x5e: {  	_ =	shalt  }
0x5f: {  	_ =	shalt  }
0x60: {  	_ =	shalt  }
0x61: {  	_ =	shalt  }
0x62: {  	_ =	shalt  }
0x63: {  	_ =	shalt  }
0x64: {  	_ =	shalt  }
0x65: {  	_ =	shalt  }
0x66: {  	_ =	shalt  }
0x67: {  	_ =	shalt  }
0x68: {  	_ =	shalt  }
0x69: {  	_ =	shalt  }
0x6a: {  	_ =	shalt  }
0x6b: {  	_ =	shalt  }
0x6c: {  	_ =	shalt  }
0x6d: {  	_ =	shalt  }
0x6e: {  	_ =	shalt  }
0x6f: {  	_ =	shalt  }
0x70: {  	_ =	shalt  }
0x71: {  	_ =	shalt  }
0x72: {  	_ =	shalt  }
0x73: {  	_ =	shalt  }
0x74: {  	_ =	shalt  }
0x75: {  	_ =	shalt  }
0x76: {  	_ =	shalt  }
0x77: {  	_ =	shalt  }
0x78: {  	_ =	shalt  }
0x79: {  	_ =	shalt  }
0x7a: {  	_ =	shalt  }
0x7b: {  	_ =	shalt  }
0x7c: {  	_ =	shalt  }
0x7d: {  	_ =	shalt  }
0x7e: {  	_ =	shalt  }
0x7f: {  	_ =	shalt  }
0x80: {  	_ =	shalt  }
0x81: {  	_ =	shalt  }
0x82: {  	_ =	shalt  }
0x83: {  	_ =	shalt  }
0x84: {  	_ =	shalt  }
0x85: {  	_ =	shalt  }
0x86: {  	_ =	shalt  }
0x87: {  	_ =	shalt  }
.Lfunc_end0:
.L_simem_size_0:
called_computation_lowered:
.L_overlay_start_0:
0x88: {  	s2 =	sld [smem:$0x3FD9]  }
0x89: {  	s3 =	sld [smem:$0x3FFE];
	_ =	sdelay $0x1  }
0x8a: {  	s1 =	srdreg.scid  }
0x8b: {  	s0 =	sand.u32 $0x1, s1  }
0x8c: {  	s17 =	sshll.u32 s0, $0xA;
	s2 =	sadd.s32 s3, s2  }
0x8d: {  	s2 =	sadd.s32 s2, s17  }
0x8e: {  	[smem:$0x3FC6] =	sst s2  }
0x8f: {  	_ = 	snop  }
0x90: {  	s2 =	sld [smem:$0x3FC8]  }
0x91: {  	s18 =	sld [smem:$0x3FD0];
	(tm) =	ssettm $0x1  }
0x92: {  	s4 =	sld [smem:$0x3FFB];
	_ =	sdelay $0x3  }
0x93: {  	_ =	strace s4  }
0x94: {  	s4 =	sld [smem:$0x3FFC];
	_ =	sdelay $0x3  }
0x95: {  	_ =	strace s4  }
0x96: {  	s4 =	sld [smem:$0x3FFD];
	_ =	sdelay $0x3  }
0x97: {  	_ =	strace s4  }
0x98: {  	_ =	strace $0x8FFFFFFF  }
0x99: {  	s19 =	sld [smem:$0x3FDB];
	_ =	sdelay $0x1  }
0x9a: {  	s5 =	simm.s32 $_scs_section_size  }
0x9b: {  	s6 =	simm.s32 $_size__tile_overlayer_lowered;
	s7 =	simm.s32 $_tile_overlayer_lowered  }
0x9c: {  	s22 =	simm.s32 $0x1BFF;
	s21 =	sshll.u32 s7, $0x1;
	s4 =	sadd.s32 s5, s19  }
0x9d: {  	s8 =	simm.s32 $0x0;
	s20 =	sshll.u32 s6, $0x1;
	s6 =	sadd.s32 s21, s4  }
0x9e: {  	[timem:s8], [sflag:s22] =	dma.local [hbm:s6], s20  }
0x9f: {  	_ =	swait.ge [sflag:s22], s20  }
0xa0: {  	s5 =	ssub.s32 $0x0, s20;
	[sflag:s22] =	ssyncset.done $0x0  }
0xa1: {  	[sflag:s22] =	ssyncadd.s32 s5;
	_ =	sdelay $0x1  }
0xa2: {  	s23 =	simm.s32 $0x1B8B  }
0xa3: {  	_ =	swait.ge [sflag:s23], $0x1  }
0xa4: {  	[sflag:s23] =	ssyncset.done $0x0  }
0xa5: {  	s25 =	simm.s32 $0x1B8E;
	s24 =	sld [smem:$0x3FFE];
	[sflag:s23] =	ssyncadd.s32 $0xFFFFFFFF  }
0xa6: {  	s26 =	simm.s32 $execute0_lowered;
	[smem:$0x3FD2] =	sst s25  }
0xa7: {  	s6 =	sshll.u32 s26, $0x1;
	_ =	strace $0x80000046;
	[dreg:$0x1] =	wrdreg $0xFFFFFFFF  }
0xa8: {  	s28 =	simm.s32 $_size_execute0_lowered;
	s4 =	sadd.s32 s4, s6;
	[dreg:$0x0] =	wrdreg $0x0  }
0xa9: {  	s6 =	sshll.u32 s28, $0x1;
	[dreg:$0x2] =	wrdreg s4  }
0xaa: {  	[dreg:$0x3] =	wrdreg s6  }
0xab: {  	[dreg:$0x4] =	wrdreg $0xC0  }
0xac: {  	_ =	task [dreg:s8], $0x5FFFF  }
0xad: {  	[dreg:$0x1] =	wrdreg $0xFFFFFFFF  }
0xae: {  	[dreg:$0x0] =	wrdreg $0x60  }
0xaf: {  	[dreg:$0x2] =	wrdreg s2  }
0xb0: {  	[dreg:$0x3] =	wrdreg s24  }
0xb1: {  	[dreg:$0x4] =	wrdreg s18  }
0xb2: {  	[dreg:$0x5] =	wrdreg $0x9  }
0xb3: {  	_ =	task.clear_ibuf [dreg:s8], $0x6FFFF;
	_ =	strace $0x90000046  }
0xb4: {  	s29 =	simm.s32 $0x9;
	_ =	strace $0x80000048  }
0xb5: {  	_ =	swait.ge [sflag:s29], $0x1  }
0xb6: {  	[sflag:s29] =	ssyncadd.s32 $0xFFFFFFFF  }
0xb7: {  	_ =	strace $0x90000048  }
0xb8: {  	_ =	sfence  }
0xb9: {  	s30 =	sld [smem:$0x0];
	_ =	sdelay $0x2  }
0xba: {  	s31 =	sshll.u32 s1, $0xD;
	s1 =	sshrl.u32 s1, $0x2  }
0xbb: {  	s3 =	sand.u32 $0x4000, s31;
	s1 =	sadd.s32 s1, s30  }
0xbc: {  	s0 =	sor.u32 s3, s0;
	s1 =	sshll.u32 s1, $0x11  }
0xbd: {  	s0 =	sor.u32 s1, s0  }
0xbe: {  	s0 =	sadd.s32 $0x8F2B, s0  }
0xbf: {  	[sflag:s0] =	ssyncadd.remote.s32 $0x1  }
0xc0: {  	_ =	sfence.sel $0xFFFF  }
0xc1: {  	[dreg:$0x0] =	wrdreg $0xFFFFFFFF;
	(pc) =	sbr.abs _section_cstart, $3  }
0xc2: {  	[dreg:$0x1] =	wrdreg $0xFFFFFFFF  }
0xc3: {  	_ =	task.clear_ibuf [dreg:s8], $0x2FFFF;
	_ =	strace $0x9FFFFFFF  }
0xc4: {  	(tm) =	ssettm $0x7FFFFFFF  }
0xc5: {  	_ =	shalt  }
tec
execute0_lowered:
.L_overlay_start_1:
0x0: {  	(tag) =	ssettag $0x1  }
0x1: {  	s1 =	rddreg [dreg:$0x0]  }
0x2: {  	s4 =	rddreg [dreg:$0x1]  }
0x3: {  	s5 =	rddreg [dreg:$0x2]  }
0x4: {  	s3 =	srdreg.scid;
	s0 =	rddreg [dreg:$0x3]  }
0x5: {  	s2 =	stileid.u32;
	s6 =	sand.u32 $0x1, s3;
	s3 =	simm.s32 $0x0  }
0x6: {  	s7 =	sshll.u32 s2, $0xB;
	s31 =	sshll.u32 s2, $0x13;
	s8 =	sshll.u32 s6, $0xA  }
0x7: {  	[smem:$0x7FF] =	sst s3;
	s30 =	ssub.s32 $0x2, s6;
	s5 =	sadd.s32 s31, s5  }
0x8: {  	s6 =	sshll.u32 s6, $0x12;
	s7 =	sor.u32 s8, s7;
	_ =	strace $0x80000047  }
0x9: {  	s9 =	sshrl.u32 s30, $0x1;
	s6 =	sadd.s32 s6, s5;
	s8 =	simm.s32 $0x1  }
0xa: {  	s7 =	sshrl.u32 s7, $0x3;
	[dreg:$0x4] =	wrdreg s6;
	s6 =	simm.s32 $0x2  }
0xb: {  	s4 =	sadd.s32 s7, s4;
	s7 =	ssub.s32 s30, s9;
	s9 =	simm.s32 $0x0  }
0xc: {  	s4 =	sadd.s32 $0x400, s4;
	s5 =	smax.u32 s7, $0x1;
	s7 =	simm.s32 $0x1000  }
.LBB2_1:
0xd: {  	[tilespmem:s3], [sflag:$0x2] =	stream.linear.gather [hbm4b:s1+s3], $0x1000, $0x38;
	[tilespmem:$0x1400] =	vst v63  }
0xe: {  	_ =	swait.ge [sflag:s6], $0x1000  }
0xf: {  	[sflag:s6] =	ssyncset.done $0x0  }
0x10: {  	[sflag:s6] =	ssyncadd.s32 $0xFFFFF000  }
0x11: {  	[tilespmem:s7], [sflag:$0x2] =	stream.linear.gather [hbm4b:s4+s3], $0x400, $0x38;
	[tilespmem:$0x1400] =	vst v63  }
0x12: {  	_ =	swait.ge [sflag:s6], $0x400  }
0x13: {  	[sflag:s6] =	ssyncset.done $0x0  }
0x14: {  	s10 =	simm.s32 $0x1010;
	s11 =	simm.s32 $0x0;
	[sflag:s6] =	ssyncadd.s32 $0xFFFFFC00  }
.LBB2_2:
0x15: {  	v1 =	vld [tilespmem:s10+$0xFFFFFFF0];
	_ =	sdelay $0x4  }
0x16: {  	(v2sf) =	vpush v1, $0x0;
	_ =	sdelay $0xe  }
0x17: {  	s12 =	spop (v2sf)  }
0x18: {  	s14 =	sshll.u32 s12, $0xB;
	s12 =	sshll.u32 s12, $0x7  }
0x19: {  	s13 =	rddreg [dreg:$0x4];
	s14 =	sand.u32 $0xFFFFF000, s14;
	s12 =	sand.u32 $0x80, s12  }
0x1a: {  	s14 =	sor.u32 s12, s14;
	s12 =	sadd.s32 s11, s13  }
0x1b: {  	v0 =	vld [tilespmem:s10+$0x0];
	[hbm4b:s12+s3] =	stream.linear.scatter [tilespmem:s14], [sflag:$0x1], $0x80, $0x38  }
0x1c: {  	s20 =	sor.u32 $0x100, s14;
	s15 =	sadd.s32 $0x80, s12  }
0x1d: {  	[hbm4b:s15+s3] =	stream.linear.scatter [tilespmem:s20], [sflag:$0x1], $0x80, $0x38;
	[tilespmem:$0x1400] =	vst v63  }
0x1e: {  	s21 =	sor.u32 $0x200, s14;
	s22 =	sadd.s32 $0x100, s12  }
0x1f: {  	[hbm4b:s22+s3] =	stream.linear.scatter [tilespmem:s21], [sflag:$0x1], $0x80, $0x38;
	[tilespmem:$0x1400] =	vst v63  }
0x20: {  	s23 =	sor.u32 $0x300, s14;
	s24 =	sadd.s32 $0x180, s12  }
0x21: {  	[hbm4b:s24+s3] =	stream.linear.scatter [tilespmem:s23], [sflag:$0x1], $0x80, $0x38;
	[tilespmem:$0x1400] =	vst v63  }
0x22: {  	s25 =	sor.u32 $0x400, s14;
	s26 =	sadd.s32 $0x200, s12  }
0x23: {  	[hbm4b:s26+s3] =	stream.linear.scatter [tilespmem:s25], [sflag:$0x1], $0x80, $0x38;
	[tilespmem:$0x1400] =	vst v63  }
0x24: {  	s28 =	sor.u32 $0x500, s14;
	s29 =	sadd.s32 $0x280, s12  }
0x25: {  	[hbm4b:s29+s3] =	stream.linear.scatter [tilespmem:s28], [sflag:$0x1], $0x80, $0x38;
	[tilespmem:$0x1400] =	vst v63  }
0x26: {  	s30 =	sor.u32 $0x600, s14;
	s31 =	sadd.s32 $0x300, s12  }
0x27: {  	(v2sf) =	vpush v1, $0x1;
	[hbm4b:s31+s3] =	stream.linear.scatter [tilespmem:s30], [sflag:$0x1], $0x80, $0x38;
	[tilespmem:$0x1400] =	vst v63  }
0x28: {  	s16 =	sadd.s32 $0x380, s12;
	s15 =	sor.u32 $0x700, s14  }
0x29: {  	[hbm4b:s16+s3] =	stream.linear.scatter [tilespmem:s15], [sflag:$0x1], $0x80, $0x38;
	[tilespmem:$0x1400] =	vst v63  }
0x2a: {  	s17 =	sor.u32 $0x800, s14;
	s18 =	sadd.s32 $0x400, s12  }
0x2b: {  	[hbm4b:s18+s3] =	stream.linear.scatter [tilespmem:s17], [sflag:$0x1], $0x80, $0x38;
	[tilespmem:$0x1400] =	vst v63  }
0x2c: {  	s19 =	sor.u32 $0x900, s14;
	s20 =	sadd.s32 $0x480, s12  }
0x2d: {  	[hbm4b:s20+s3] =	stream.linear.scatter [tilespmem:s19], [sflag:$0x1], $0x80, $0x38;
	[tilespmem:$0x1400] =	vst v63  }
0x2e: {  	s21 =	sor.u32 $0xA00, s14;
	s22 =	sadd.s32 $0x500, s12  }
0x2f: {  	[hbm4b:s22+s3] =	stream.linear.scatter [tilespmem:s21], [sflag:$0x1], $0x80, $0x38;
	[tilespmem:$0x1400] =	vst v63  }
0x30: {  	s23 =	sor.u32 $0xB00, s14;
	s24 =	sadd.s32 $0x580, s12  }
0x31: {  	[hbm4b:s24+s3] =	stream.linear.scatter [tilespmem:s23], [sflag:$0x1], $0x80, $0x38;
	[tilespmem:$0x1400] =	vst v63  }
0x32: {  	s25 =	sor.u32 $0xC00, s14;
	s26 =	sadd.s32 $0x600, s12  }
0x33: {  	[hbm4b:s26+s3] =	stream.linear.scatter [tilespmem:s25], [sflag:$0x1], $0x80, $0x38;
	[tilespmem:$0x1400] =	vst v63  }
0x34: {  	s28 =	sor.u32 $0xD00, s14;
	s29 =	sadd.s32 $0x680, s12;
	s30 =	sor.u32 $0xE00, s14  }
0x35: {  	[hbm4b:s29+s3] =	stream.linear.scatter [tilespmem:s28], [sflag:$0x1], $0x80, $0x38;
	[tilespmem:$0x1400] =	vst v63  }
0x36: {  	s31 =	sadd.s32 $0x700, s12;
	s14 =	sor.u32 $0xF00, s14;
	s16 =	spop (v2sf)  }
0x37: {  	[hbm4b:s31+s3] =	stream.linear.scatter [tilespmem:s30], [sflag:$0x1], $0x80, $0x38;
	[tilespmem:$0x1400] =	vst v63  }
0x38: {  	s15 =	sadd.s32 $0x780, s12;
	s13 =	sshll.u32 s16, $0x7;
	s17 =	sshll.u32 s16, $0xB  }
0x39: {  	[hbm4b:s15+s3] =	stream.linear.scatter [tilespmem:s14], [sflag:$0x1], $0x80, $0x38;
	[tilespmem:$0x1400] =	vst v63  }
0x3a: {  	s13 =	sand.u32 $0x80, s13;
	s14 =	sand.u32 $0xFFFFF000, s17  }
0x3b: {  	s18 =	sadd.s32 $0x10, s12;
	s13 =	sor.u32 s13, s14  }
0x3c: {  	[hbm4b:s18+s3] =	stream.linear.scatter [tilespmem:s13], [sflag:$0x1], $0x80, $0x38;
	[tilespmem:$0x1400] =	vst v63  }
0x3d: {  	s20 =	sadd.s32 $0x90, s12;
	s19 =	sor.u32 $0x100, s13  }
0x3e: {  	[hbm4b:s20+s3] =	stream.linear.scatter [tilespmem:s19], [sflag:$0x1], $0x80, $0x38;
	[tilespmem:$0x1400] =	vst v63  }
0x3f: {  	s22 =	sadd.s32 $0x110, s12;
	s21 =	sor.u32 $0x200, s13  }
0x40: {  	[hbm4b:s22+s3] =	stream.linear.scatter [tilespmem:s21], [sflag:$0x1], $0x80, $0x38;
	[tilespmem:$0x1400] =	vst v63  }
0x41: {  	s24 =	sadd.s32 $0x190, s12;
	s23 =	sor.u32 $0x300, s13  }
0x42: {  	[hbm4b:s24+s3] =	stream.linear.scatter [tilespmem:s23], [sflag:$0x1], $0x80, $0x38;
	[tilespmem:$0x1400] =	vst v63  }
0x43: {  	s26 =	sadd.s32 $0x210, s12;
	s25 =	sor.u32 $0x400, s13  }
0x44: {  	[hbm4b:s26+s3] =	stream.linear.scatter [tilespmem:s25], [sflag:$0x1], $0x80, $0x38;
	[tilespmem:$0x1400] =	vst v63  }
0x45: {  	s29 =	sadd.s32 $0x290, s12;
	s28 =	sor.u32 $0x500, s13  }
0x46: {  	[hbm4b:s29+s3] =	stream.linear.scatter [tilespmem:s28], [sflag:$0x1], $0x80, $0x38;
	[tilespmem:$0x1400] =	vst v63  }
0x47: {  	s31 =	sadd.s32 $0x310, s12;
	s30 =	sor.u32 $0x600, s13  }
0x48: {  	[hbm4b:s31+s3] =	stream.linear.scatter [tilespmem:s30], [sflag:$0x1], $0x80, $0x38;
	[tilespmem:$0x1400] =	vst v63  }
0x49: {  	s16 =	sadd.s32 $0x390, s12;
	s15 =	sor.u32 $0x700, s13  }
0x4a: {  	(v2sf) =	vpush v1, $0x2;
	[hbm4b:s16+s3] =	stream.linear.scatter [tilespmem:s15], [sflag:$0x1], $0x80, $0x38;
	[tilespmem:$0x1400] =	vst v63  }
0x4b: {  	s17 =	sor.u32 $0x800, s13;
	s18 =	sadd.s32 $0x410, s12  }
0x4c: {  	[hbm4b:s18+s3] =	stream.linear.scatter [tilespmem:s17], [sflag:$0x1], $0x80, $0x38;
	[tilespmem:$0x1400] =	vst v63  }
0x4d: {  	s19 =	sor.u32 $0x900, s13;
	s20 =	sadd.s32 $0x490, s12  }
0x4e: {  	[hbm4b:s20+s3] =	stream.linear.scatter [tilespmem:s19], [sflag:$0x1], $0x80, $0x38;
	[tilespmem:$0x1400] =	vst v63  }
0x4f: {  	s21 =	sor.u32 $0xA00, s13;
	s22 =	sadd.s32 $0x510, s12  }
0x50: {  	[hbm4b:s22+s3] =	stream.linear.scatter [tilespmem:s21], [sflag:$0x1], $0x80, $0x38;
	[tilespmem:$0x1400] =	vst v63  }
0x51: {  	s23 =	sor.u32 $0xB00, s13;
	s24 =	sadd.s32 $0x590, s12  }
0x52: {  	[hbm4b:s24+s3] =	stream.linear.scatter [tilespmem:s23], [sflag:$0x1], $0x80, $0x38;
	[tilespmem:$0x1400] =	vst v63  }
0x53: {  	s25 =	sor.u32 $0xC00, s13;
	s26 =	sadd.s32 $0x610, s12  }
0x54: {  	[hbm4b:s26+s3] =	stream.linear.scatter [tilespmem:s25], [sflag:$0x1], $0x80, $0x38;
	[tilespmem:$0x1400] =	vst v63  }
0x55: {  	s28 =	sor.u32 $0xD00, s13;
	s29 =	sadd.s32 $0x690, s12  }
0x56: {  	[hbm4b:s29+s3] =	stream.linear.scatter [tilespmem:s28], [sflag:$0x1], $0x80, $0x38;
	[tilespmem:$0x1400] =	vst v63  }
0x57: {  	s30 =	sor.u32 $0xE00, s13;
	s31 =	sadd.s32 $0x710, s12  }
0x58: {  	[hbm4b:s31+s3] =	stream.linear.scatter [tilespmem:s30], [sflag:$0x1], $0x80, $0x38;
	[tilespmem:$0x1400] =	vst v63  }
0x59: {  	s13 =	sor.u32 $0xF00, s13;
	s15 =	sadd.s32 $0x790, s12;
	s16 =	spop (v2sf)  }
0x5a: {  	[hbm4b:s15+s3] =	stream.linear.scatter [tilespmem:s13], [sflag:$0x1], $0x80, $0x38;
	[tilespmem:$0x1400] =	vst v63  }
0x5b: {  	s17 =	sshll.u32 s16, $0xB;
	s13 =	sshll.u32 s16, $0x7  }
0x5c: {  	s14 =	sand.u32 $0xFFFFF000, s17;
	s13 =	sand.u32 $0x80, s13  }
0x5d: {  	s18 =	sadd.s32 $0x20, s12;
	s13 =	sor.u32 s13, s14  }
0x5e: {  	[hbm4b:s18+s3] =	stream.linear.scatter [tilespmem:s13], [sflag:$0x1], $0x80, $0x38;
	[tilespmem:$0x1400] =	vst v63  }
0x5f: {  	s20 =	sadd.s32 $0xA0, s12;
	s19 =	sor.u32 $0x100, s13  }
0x60: {  	[hbm4b:s20+s3] =	stream.linear.scatter [tilespmem:s19], [sflag:$0x1], $0x80, $0x38;
	[tilespmem:$0x1400] =	vst v63  }
0x61: {  	s22 =	sadd.s32 $0x120, s12;
	s21 =	sor.u32 $0x200, s13  }
0x62: {  	[hbm4b:s22+s3] =	stream.linear.scatter [tilespmem:s21], [sflag:$0x1], $0x80, $0x38;
	[tilespmem:$0x1400] =	vst v63  }
0x63: {  	s24 =	sadd.s32 $0x1A0, s12;
	s23 =	sor.u32 $0x300, s13  }
0x64: {  	[hbm4b:s24+s3] =	stream.linear.scatter [tilespmem:s23], [sflag:$0x1], $0x80, $0x38;
	[tilespmem:$0x1400] =	vst v63  }
0x65: {  	s26 =	sadd.s32 $0x220, s12;
	s25 =	sor.u32 $0x400, s13  }
0x66: {  	[hbm4b:s26+s3] =	stream.linear.scatter [tilespmem:s25], [sflag:$0x1], $0x80, $0x38;
	[tilespmem:$0x1400] =	vst v63  }
0x67: {  	s29 =	sadd.s32 $0x2A0, s12;
	s28 =	sor.u32 $0x500, s13  }
0x68: {  	[hbm4b:s29+s3] =	stream.linear.scatter [tilespmem:s28], [sflag:$0x1], $0x80, $0x38;
	[tilespmem:$0x1400] =	vst v63  }
0x69: {  	s31 =	sadd.s32 $0x320, s12;
	s30 =	sor.u32 $0x600, s13  }
0x6a: {  	[hbm4b:s31+s3] =	stream.linear.scatter [tilespmem:s30], [sflag:$0x1], $0x80, $0x38;
	[tilespmem:$0x1400] =	vst v63  }
0x6b: {  	s16 =	sadd.s32 $0x3A0, s12;
	s15 =	sor.u32 $0x700, s13  }
0x6c: {  	(v2sf) =	vpush v1, $0x3;
	[hbm4b:s16+s3] =	stream.linear.scatter [tilespmem:s15], [sflag:$0x1], $0x80, $0x38;
	[tilespmem:$0x1400] =	vst v63  }
0x6d: {  	s17 =	sor.u32 $0x800, s13;
	s18 =	sadd.s32 $0x420, s12  }
0x6e: {  	[hbm4b:s18+s3] =	stream.linear.scatter [tilespmem:s17], [sflag:$0x1], $0x80, $0x38;
	[tilespmem:$0x1400] =	vst v63  }
0x6f: {  	s19 =	sor.u32 $0x900, s13;
	s20 =	sadd.s32 $0x4A0, s12  }
0x70: {  	[hbm4b:s20+s3] =	stream.linear.scatter [tilespmem:s19], [sflag:$0x1], $0x80, $0x38;
	[tilespmem:$0x1400] =	vst v63  }
0x71: {  	s21 =	sor.u32 $0xA00, s13;
	s22 =	sadd.s32 $0x520, s12  }
0x72: {  	[hbm4b:s22+s3] =	stream.linear.scatter [tilespmem:s21], [sflag:$0x1], $0x80, $0x38;
	[tilespmem:$0x1400] =	vst v63  }
0x73: {  	s23 =	sor.u32 $0xB00, s13;
	s24 =	sadd.s32 $0x5A0, s12  }
0x74: {  	[hbm4b:s24+s3] =	stream.linear.scatter [tilespmem:s23], [sflag:$0x1], $0x80, $0x38;
	[tilespmem:$0x1400] =	vst v63  }
0x75: {  	s25 =	sor.u32 $0xC00, s13;
	s26 =	sadd.s32 $0x620, s12  }
0x76: {  	[hbm4b:s26+s3] =	stream.linear.scatter [tilespmem:s25], [sflag:$0x1], $0x80, $0x38;
	[tilespmem:$0x1400] =	vst v63  }
0x77: {  	s28 =	sor.u32 $0xD00, s13;
	s29 =	sadd.s32 $0x6A0, s12  }
0x78: {  	[hbm4b:s29+s3] =	stream.linear.scatter [tilespmem:s28], [sflag:$0x1], $0x80, $0x38;
	[tilespmem:$0x1400] =	vst v63  }
0x79: {  	s30 =	sor.u32 $0xE00, s13;
	s31 =	sadd.s32 $0x720, s12  }
0x7a: {  	[hbm4b:s31+s3] =	stream.linear.scatter [tilespmem:s30], [sflag:$0x1], $0x80, $0x38;
	[tilespmem:$0x1400] =	vst v63  }
0x7b: {  	s13 =	sor.u32 $0xF00, s13;
	s15 =	sadd.s32 $0x7A0, s12;
	s16 =	spop (v2sf)  }
0x7c: {  	[hbm4b:s15+s3] =	stream.linear.scatter [tilespmem:s13], [sflag:$0x1], $0x80, $0x38;
	[tilespmem:$0x1400] =	vst v63  }
0x7d: {  	s17 =	sshll.u32 s16, $0xB;
	s13 =	sshll.u32 s16, $0x7  }
0x7e: {  	s14 =	sand.u32 $0xFFFFF000, s17;
	s13 =	sand.u32 $0x80, s13  }
0x7f: {  	s18 =	sadd.s32 $0x30, s12;
	s13 =	sor.u32 s13, s14  }
0x80: {  	[hbm4b:s18+s3] =	stream.linear.scatter [tilespmem:s13], [sflag:$0x1], $0x80, $0x38;
	[tilespmem:$0x1400] =	vst v63  }
0x81: {  	s20 =	sadd.s32 $0xB0, s12;
	s19 =	sor.u32 $0x100, s13  }
0x82: {  	[hbm4b:s20+s3] =	stream.linear.scatter [tilespmem:s19], [sflag:$0x1], $0x80, $0x38;
	[tilespmem:$0x1400] =	vst v63  }
0x83: {  	s22 =	sadd.s32 $0x130, s12;
	s21 =	sor.u32 $0x200, s13  }
0x84: {  	[hbm4b:s22+s3] =	stream.linear.scatter [tilespmem:s21], [sflag:$0x1], $0x80, $0x38;
	[tilespmem:$0x1400] =	vst v63  }
0x85: {  	s24 =	sadd.s32 $0x1B0, s12;
	s23 =	sor.u32 $0x300, s13  }
0x86: {  	[hbm4b:s24+s3] =	stream.linear.scatter [tilespmem:s23], [sflag:$0x1], $0x80, $0x38;
	[tilespmem:$0x1400] =	vst v63  }
0x87: {  	s26 =	sadd.s32 $0x230, s12;
	s25 =	sor.u32 $0x400, s13  }
0x88: {  	[hbm4b:s26+s3] =	stream.linear.scatter [tilespmem:s25], [sflag:$0x1], $0x80, $0x38;
	[tilespmem:$0x1400] =	vst v63  }
0x89: {  	s29 =	sadd.s32 $0x2B0, s12;
	s28 =	sor.u32 $0x500, s13  }
0x8a: {  	[hbm4b:s29+s3] =	stream.linear.scatter [tilespmem:s28], [sflag:$0x1], $0x80, $0x38;
	[tilespmem:$0x1400] =	vst v63  }
0x8b: {  	s31 =	sadd.s32 $0x330, s12;
	s30 =	sor.u32 $0x600, s13  }
0x8c: {  	[hbm4b:s31+s3] =	stream.linear.scatter [tilespmem:s30], [sflag:$0x1], $0x80, $0x38;
	[tilespmem:$0x1400] =	vst v63  }
0x8d: {  	s16 =	sadd.s32 $0x3B0, s12;
	s15 =	sor.u32 $0x700, s13  }
0x8e: {  	(v2sf) =	vpush v1, $0x4;
	[hbm4b:s16+s3] =	stream.linear.scatter [tilespmem:s15], [sflag:$0x1], $0x80, $0x38;
	[tilespmem:$0x1400] =	vst v63  }
0x8f: {  	s17 =	sor.u32 $0x800, s13;
	s18 =	sadd.s32 $0x430, s12  }
0x90: {  	[hbm4b:s18+s3] =	stream.linear.scatter [tilespmem:s17], [sflag:$0x1], $0x80, $0x38;
	[tilespmem:$0x1400] =	vst v63  }
0x91: {  	s19 =	sor.u32 $0x900, s13;
	s20 =	sadd.s32 $0x4B0, s12  }
0x92: {  	[hbm4b:s20+s3] =	stream.linear.scatter [tilespmem:s19], [sflag:$0x1], $0x80, $0x38;
	[tilespmem:$0x1400] =	vst v63  }
0x93: {  	s21 =	sor.u32 $0xA00, s13;
	s22 =	sadd.s32 $0x530, s12  }
0x94: {  	[hbm4b:s22+s3] =	stream.linear.scatter [tilespmem:s21], [sflag:$0x1], $0x80, $0x38;
	[tilespmem:$0x1400] =	vst v63  }
0x95: {  	s23 =	sor.u32 $0xB00, s13;
	s24 =	sadd.s32 $0x5B0, s12  }
0x96: {  	[hbm4b:s24+s3] =	stream.linear.scatter [tilespmem:s23], [sflag:$0x1], $0x80, $0x38;
	[tilespmem:$0x1400] =	vst v63  }
0x97: {  	s25 =	sor.u32 $0xC00, s13;
	s26 =	sadd.s32 $0x630, s12  }
0x98: {  	[hbm4b:s26+s3] =	stream.linear.scatter [tilespmem:s25], [sflag:$0x1], $0x80, $0x38;
	[tilespmem:$0x1400] =	vst v63  }
0x99: {  	s28 =	sor.u32 $0xD00, s13;
	s29 =	sadd.s32 $0x6B0, s12  }
0x9a: {  	[hbm4b:s29+s3] =	stream.linear.scatter [tilespmem:s28], [sflag:$0x1], $0x80, $0x38;
	[tilespmem:$0x1400] =	vst v63  }
0x9b: {  	s30 =	sor.u32 $0xE00, s13;
	s31 =	sadd.s32 $0x730, s12  }
0x9c: {  	[hbm4b:s31+s3] =	stream.linear.scatter [tilespmem:s30], [sflag:$0x1], $0x80, $0x38;
	[tilespmem:$0x1400] =	vst v63  }
0x9d: {  	s13 =	sor.u32 $0xF00, s13;
	s15 =	sadd.s32 $0x7B0, s12;
	s16 =	spop (v2sf)  }
0x9e: {  	[hbm4b:s15+s3] =	stream.linear.scatter [tilespmem:s13], [sflag:$0x1], $0x80, $0x38;
	[tilespmem:$0x1400] =	vst v63  }
0x9f: {  	s17 =	sshll.u32 s16, $0xB;
	s13 =	sshll.u32 s16, $0x7  }
0xa0: {  	s14 =	sand.u32 $0xFFFFF000, s17;
	s13 =	sand.u32 $0x80, s13  }
0xa1: {  	s18 =	sadd.s32 $0x40, s12;
	s13 =	sor.u32 s13, s14  }
0xa2: {  	[hbm4b:s18+s3] =	stream.linear.scatter [tilespmem:s13], [sflag:$0x1], $0x80, $0x38;
	[tilespmem:$0x1400] =	vst v63  }
0xa3: {  	s20 =	sadd.s32 $0xC0, s12;
	s19 =	sor.u32 $0x100, s13  }
0xa4: {  	[hbm4b:s20+s3] =	stream.linear.scatter [tilespmem:s19], [sflag:$0x1], $0x80, $0x38;
	[tilespmem:$0x1400] =	vst v63  }
0xa5: {  	s22 =	sadd.s32 $0x140, s12;
	s21 =	sor.u32 $0x200, s13  }
0xa6: {  	[hbm4b:s22+s3] =	stream.linear.scatter [tilespmem:s21], [sflag:$0x1], $0x80, $0x38;
	[tilespmem:$0x1400] =	vst v63  }
0xa7: {  	s24 =	sadd.s32 $0x1C0, s12;
	s23 =	sor.u32 $0x300, s13  }
0xa8: {  	[hbm4b:s24+s3] =	stream.linear.scatter [tilespmem:s23], [sflag:$0x1], $0x80, $0x38;
	[tilespmem:$0x1400] =	vst v63  }
0xa9: {  	s26 =	sadd.s32 $0x240, s12;
	s25 =	sor.u32 $0x400, s13  }
0xaa: {  	[hbm4b:s26+s3] =	stream.linear.scatter [tilespmem:s25], [sflag:$0x1], $0x80, $0x38;
	[tilespmem:$0x1400] =	vst v63  }
0xab: {  	s29 =	sadd.s32 $0x2C0, s12;
	s28 =	sor.u32 $0x500, s13  }
0xac: {  	[hbm4b:s29+s3] =	stream.linear.scatter [tilespmem:s28], [sflag:$0x1], $0x80, $0x38;
	[tilespmem:$0x1400] =	vst v63  }
0xad: {  	s31 =	sadd.s32 $0x340, s12;
	s30 =	sor.u32 $0x600, s13  }
0xae: {  	[hbm4b:s31+s3] =	stream.linear.scatter [tilespmem:s30], [sflag:$0x1], $0x80, $0x38;
	[tilespmem:$0x1400] =	vst v63  }
0xaf: {  	s16 =	sadd.s32 $0x3C0, s12;
	s15 =	sor.u32 $0x700, s13  }
0xb0: {  	(v2sf) =	vpush v1, $0x5;
	[hbm4b:s16+s3] =	stream.linear.scatter [tilespmem:s15], [sflag:$0x1], $0x80, $0x38;
	[tilespmem:$0x1400] =	vst v63  }
0xb1: {  	s17 =	sor.u32 $0x800, s13;
	s18 =	sadd.s32 $0x440, s12  }
0xb2: {  	[hbm4b:s18+s3] =	stream.linear.scatter [tilespmem:s17], [sflag:$0x1], $0x80, $0x38;
	[tilespmem:$0x1400] =	vst v63  }
0xb3: {  	s19 =	sor.u32 $0x900, s13;
	s20 =	sadd.s32 $0x4C0, s12  }
0xb4: {  	[hbm4b:s20+s3] =	stream.linear.scatter [tilespmem:s19], [sflag:$0x1], $0x80, $0x38;
	[tilespmem:$0x1400] =	vst v63  }
0xb5: {  	s21 =	sor.u32 $0xA00, s13;
	s22 =	sadd.s32 $0x540, s12  }
0xb6: {  	[hbm4b:s22+s3] =	stream.linear.scatter [tilespmem:s21], [sflag:$0x1], $0x80, $0x38;
	[tilespmem:$0x1400] =	vst v63  }
0xb7: {  	s23 =	sor.u32 $0xB00, s13;
	s24 =	sadd.s32 $0x5C0, s12  }
0xb8: {  	[hbm4b:s24+s3] =	stream.linear.scatter [tilespmem:s23], [sflag:$0x1], $0x80, $0x38;
	[tilespmem:$0x1400] =	vst v63  }
0xb9: {  	s25 =	sor.u32 $0xC00, s13;
	s26 =	sadd.s32 $0x640, s12  }
0xba: {  	[hbm4b:s26+s3] =	stream.linear.scatter [tilespmem:s25], [sflag:$0x1], $0x80, $0x38;
	[tilespmem:$0x1400] =	vst v63  }
0xbb: {  	s28 =	sor.u32 $0xD00, s13;
	s29 =	sadd.s32 $0x6C0, s12  }
0xbc: {  	[hbm4b:s29+s3] =	stream.linear.scatter [tilespmem:s28], [sflag:$0x1], $0x80, $0x38;
	[tilespmem:$0x1400] =	vst v63  }
0xbd: {  	s30 =	sor.u32 $0xE00, s13;
	s31 =	sadd.s32 $0x740, s12  }
0xbe: {  	[hbm4b:s31+s3] =	stream.linear.scatter [tilespmem:s30], [sflag:$0x1], $0x80, $0x38;
	[tilespmem:$0x1400] =	vst v63  }
0xbf: {  	s13 =	sor.u32 $0xF00, s13;
	s15 =	sadd.s32 $0x7C0, s12;
	s16 =	spop (v2sf)  }
0xc0: {  	[hbm4b:s15+s3] =	stream.linear.scatter [tilespmem:s13], [sflag:$0x1], $0x80, $0x38;
	[tilespmem:$0x1400] =	vst v63  }
0xc1: {  	s17 =	sshll.u32 s16, $0xB;
	s13 =	sshll.u32 s16, $0x7  }
0xc2: {  	s14 =	sand.u32 $0xFFFFF000, s17;
	s13 =	sand.u32 $0x80, s13  }
0xc3: {  	s18 =	sadd.s32 $0x50, s12;
	s13 =	sor.u32 s13, s14  }
0xc4: {  	[hbm4b:s18+s3] =	stream.linear.scatter [tilespmem:s13], [sflag:$0x1], $0x80, $0x38;
	[tilespmem:$0x1400] =	vst v63  }
0xc5: {  	s20 =	sadd.s32 $0xD0, s12;
	s19 =	sor.u32 $0x100, s13  }
0xc6: {  	[hbm4b:s20+s3] =	stream.linear.scatter [tilespmem:s19], [sflag:$0x1], $0x80, $0x38;
	[tilespmem:$0x1400] =	vst v63  }
0xc7: {  	s22 =	sadd.s32 $0x150, s12;
	s21 =	sor.u32 $0x200, s13  }
0xc8: {  	[hbm4b:s22+s3] =	stream.linear.scatter [tilespmem:s21], [sflag:$0x1], $0x80, $0x38;
	[tilespmem:$0x1400] =	vst v63  }
0xc9: {  	s24 =	sadd.s32 $0x1D0, s12;
	s23 =	sor.u32 $0x300, s13  }
0xca: {  	[hbm4b:s24+s3] =	stream.linear.scatter [tilespmem:s23], [sflag:$0x1], $0x80, $0x38;
	[tilespmem:$0x1400] =	vst v63  }
0xcb: {  	s26 =	sadd.s32 $0x250, s12;
	s25 =	sor.u32 $0x400, s13  }
0xcc: {  	[hbm4b:s26+s3] =	stream.linear.scatter [tilespmem:s25], [sflag:$0x1], $0x80, $0x38;
	[tilespmem:$0x1400] =	vst v63  }
0xcd: {  	s29 =	sadd.s32 $0x2D0, s12;
	s28 =	sor.u32 $0x500, s13  }
0xce: {  	[hbm4b:s29+s3] =	stream.linear.scatter [tilespmem:s28], [sflag:$0x1], $0x80, $0x38;
	[tilespmem:$0x1400] =	vst v63  }
0xcf: {  	s31 =	sadd.s32 $0x350, s12;
	s30 =	sor.u32 $0x600, s13  }
0xd0: {  	[hbm4b:s31+s3] =	stream.linear.scatter [tilespmem:s30], [sflag:$0x1], $0x80, $0x38;
	[tilespmem:$0x1400] =	vst v63  }
0xd1: {  	s16 =	sadd.s32 $0x3D0, s12;
	s15 =	sor.u32 $0x700, s13  }
0xd2: {  	(v2sf) =	vpush v1, $0x6;
	[hbm4b:s16+s3] =	stream.linear.scatter [tilespmem:s15], [sflag:$0x1], $0x80, $0x38;
	[tilespmem:$0x1400] =	vst v63  }
0xd3: {  	s17 =	sor.u32 $0x800, s13;
	s18 =	sadd.s32 $0x450, s12  }
0xd4: {  	[hbm4b:s18+s3] =	stream.linear.scatter [tilespmem:s17], [sflag:$0x1], $0x80, $0x38;
	[tilespmem:$0x1400] =	vst v63  }
0xd5: {  	s19 =	sor.u32 $0x900, s13;
	s20 =	sadd.s32 $0x4D0, s12  }
0xd6: {  	[hbm4b:s20+s3] =	stream.linear.scatter [tilespmem:s19], [sflag:$0x1], $0x80, $0x38;
	[tilespmem:$0x1400] =	vst v63  }
0xd7: {  	s21 =	sor.u32 $0xA00, s13;
	s22 =	sadd.s32 $0x550, s12  }
0xd8: {  	[hbm4b:s22+s3] =	stream.linear.scatter [tilespmem:s21], [sflag:$0x1], $0x80, $0x38;
	[tilespmem:$0x1400] =	vst v63  }
0xd9: {  	s23 =	sor.u32 $0xB00, s13;
	s24 =	sadd.s32 $0x5D0, s12  }
0xda: {  	[hbm4b:s24+s3] =	stream.linear.scatter [tilespmem:s23], [sflag:$0x1], $0x80, $0x38;
	[tilespmem:$0x1400] =	vst v63  }
0xdb: {  	s25 =	sor.u32 $0xC00, s13;
	s26 =	sadd.s32 $0x650, s12  }
0xdc: {  	[hbm4b:s26+s3] =	stream.linear.scatter [tilespmem:s25], [sflag:$0x1], $0x80, $0x38;
	[tilespmem:$0x1400] =	vst v63  }
0xdd: {  	s28 =	sor.u32 $0xD00, s13;
	s29 =	sadd.s32 $0x6D0, s12  }
0xde: {  	[hbm4b:s29+s3] =	stream.linear.scatter [tilespmem:s28], [sflag:$0x1], $0x80, $0x38;
	[tilespmem:$0x1400] =	vst v63  }
0xdf: {  	s30 =	sor.u32 $0xE00, s13;
	s31 =	sadd.s32 $0x750, s12  }
0xe0: {  	[hbm4b:s31+s3] =	stream.linear.scatter [tilespmem:s30], [sflag:$0x1], $0x80, $0x38;
	[tilespmem:$0x1400] =	vst v63  }
0xe1: {  	s13 =	sor.u32 $0xF00, s13;
	s15 =	sadd.s32 $0x7D0, s12;
	s16 =	spop (v2sf)  }
0xe2: {  	[hbm4b:s15+s3] =	stream.linear.scatter [tilespmem:s13], [sflag:$0x1], $0x80, $0x38;
	[tilespmem:$0x1400] =	vst v63  }
0xe3: {  	s17 =	sshll.u32 s16, $0xB;
	s13 =	sshll.u32 s16, $0x7  }
0xe4: {  	s14 =	sand.u32 $0xFFFFF000, s17;
	s13 =	sand.u32 $0x80, s13  }
0xe5: {  	s18 =	sadd.s32 $0x60, s12;
	s13 =	sor.u32 s13, s14  }
0xe6: {  	[hbm4b:s18+s3] =	stream.linear.scatter [tilespmem:s13], [sflag:$0x1], $0x80, $0x38;
	[tilespmem:$0x1400] =	vst v63  }
0xe7: {  	s20 =	sadd.s32 $0xE0, s12;
	s19 =	sor.u32 $0x100, s13  }
0xe8: {  	[hbm4b:s20+s3] =	stream.linear.scatter [tilespmem:s19], [sflag:$0x1], $0x80, $0x38;
	[tilespmem:$0x1400] =	vst v63  }
0xe9: {  	s22 =	sadd.s32 $0x160, s12;
	s21 =	sor.u32 $0x200, s13  }
0xea: {  	[hbm4b:s22+s3] =	stream.linear.scatter [tilespmem:s21], [sflag:$0x1], $0x80, $0x38;
	[tilespmem:$0x1400] =	vst v63  }
0xeb: {  	s24 =	sadd.s32 $0x1E0, s12;
	s23 =	sor.u32 $0x300, s13  }
0xec: {  	[hbm4b:s24+s3] =	stream.linear.scatter [tilespmem:s23], [sflag:$0x1], $0x80, $0x38;
	[tilespmem:$0x1400] =	vst v63  }
0xed: {  	s26 =	sadd.s32 $0x260, s12;
	s25 =	sor.u32 $0x400, s13  }
0xee: {  	[hbm4b:s26+s3] =	stream.linear.scatter [tilespmem:s25], [sflag:$0x1], $0x80, $0x38;
	[tilespmem:$0x1400] =	vst v63  }
0xef: {  	s29 =	sadd.s32 $0x2E0, s12;
	s28 =	sor.u32 $0x500, s13  }
0xf0: {  	[hbm4b:s29+s3] =	stream.linear.scatter [tilespmem:s28], [sflag:$0x1], $0x80, $0x38;
	[tilespmem:$0x1400] =	vst v63  }
0xf1: {  	s31 =	sadd.s32 $0x360, s12;
	s30 =	sor.u32 $0x600, s13  }
0xf2: {  	[hbm4b:s31+s3] =	stream.linear.scatter [tilespmem:s30], [sflag:$0x1], $0x80, $0x38;
	[tilespmem:$0x1400] =	vst v63  }
0xf3: {  	s16 =	sadd.s32 $0x3E0, s12;
	s15 =	sor.u32 $0x700, s13  }
0xf4: {  	(v2sf) =	vpush v1, $0x7;
	[hbm4b:s16+s3] =	stream.linear.scatter [tilespmem:s15], [sflag:$0x1], $0x80, $0x38;
	[tilespmem:$0x1400] =	vst v63  }
0xf5: {  	s17 =	sor.u32 $0x800, s13;
	s18 =	sadd.s32 $0x460, s12  }
0xf6: {  	[hbm4b:s18+s3] =	stream.linear.scatter [tilespmem:s17], [sflag:$0x1], $0x80, $0x38;
	[tilespmem:$0x1400] =	vst v63  }
0xf7: {  	s19 =	sor.u32 $0x900, s13;
	s20 =	sadd.s32 $0x4E0, s12  }
0xf8: {  	[hbm4b:s20+s3] =	stream.linear.scatter [tilespmem:s19], [sflag:$0x1], $0x80, $0x38;
	[tilespmem:$0x1400] =	vst v63  }
0xf9: {  	s21 =	sor.u32 $0xA00, s13;
	s22 =	sadd.s32 $0x560, s12  }
0xfa: {  	[hbm4b:s22+s3] =	stream.linear.scatter [tilespmem:s21], [sflag:$0x1], $0x80, $0x38;
	[tilespmem:$0x1400] =	vst v63  }
0xfb: {  	s23 =	sor.u32 $0xB00, s13;
	s24 =	sadd.s32 $0x5E0, s12  }
0xfc: {  	[hbm4b:s24+s3] =	stream.linear.scatter [tilespmem:s23], [sflag:$0x1], $0x80, $0x38;
	[tilespmem:$0x1400] =	vst v63  }
0xfd: {  	s25 =	sor.u32 $0xC00, s13;
	s26 =	sadd.s32 $0x660, s12  }
0xfe: {  	[hbm4b:s26+s3] =	stream.linear.scatter [tilespmem:s25], [sflag:$0x1], $0x80, $0x38;
	[tilespmem:$0x1400] =	vst v63  }
0xff: {  	s28 =	sor.u32 $0xD00, s13;
	s29 =	sadd.s32 $0x6E0, s12  }
0x100: {  	[hbm4b:s29+s3] =	stream.linear.scatter [tilespmem:s28], [sflag:$0x1], $0x80, $0x38;
	[tilespmem:$0x1400] =	vst v63  }
0x101: {  	s30 =	sor.u32 $0xE00, s13;
	s31 =	sadd.s32 $0x760, s12  }
0x102: {  	[hbm4b:s31+s3] =	stream.linear.scatter [tilespmem:s30], [sflag:$0x1], $0x80, $0x38;
	[tilespmem:$0x1400] =	vst v63  }
0x103: {  	s13 =	sor.u32 $0xF00, s13;
	s15 =	sadd.s32 $0x7E0, s12;
	s16 =	spop (v2sf)  }
0x104: {  	[hbm4b:s15+s3] =	stream.linear.scatter [tilespmem:s13], [sflag:$0x1], $0x80, $0x38;
	[tilespmem:$0x1400] =	vst v63  }
0x105: {  	s17 =	sshll.u32 s16, $0xB;
	s13 =	sshll.u32 s16, $0x7  }
0x106: {  	s14 =	sand.u32 $0xFFFFF000, s17;
	s13 =	sand.u32 $0x80, s13  }
0x107: {  	s18 =	sadd.s32 $0x70, s12;
	s13 =	sor.u32 s13, s14  }
0x108: {  	[hbm4b:s18+s3] =	stream.linear.scatter [tilespmem:s13], [sflag:$0x1], $0x80, $0x38;
	[tilespmem:$0x1400] =	vst v63  }
0x109: {  	s20 =	sadd.s32 $0xF0, s12;
	s19 =	sor.u32 $0x100, s13  }
0x10a: {  	[hbm4b:s20+s3] =	stream.linear.scatter [tilespmem:s19], [sflag:$0x1], $0x80, $0x38;
	[tilespmem:$0x1400] =	vst v63  }
0x10b: {  	s22 =	sadd.s32 $0x170, s12;
	s21 =	sor.u32 $0x200, s13  }
0x10c: {  	[hbm4b:s22+s3] =	stream.linear.scatter [tilespmem:s21], [sflag:$0x1], $0x80, $0x38;
	[tilespmem:$0x1400] =	vst v63  }
0x10d: {  	s24 =	sadd.s32 $0x1F0, s12;
	s23 =	sor.u32 $0x300, s13  }
0x10e: {  	[hbm4b:s24+s3] =	stream.linear.scatter [tilespmem:s23], [sflag:$0x1], $0x80, $0x38;
	[tilespmem:$0x1400] =	vst v63  }
0x10f: {  	s26 =	sadd.s32 $0x270, s12;
	s25 =	sor.u32 $0x400, s13  }
0x110: {  	[hbm4b:s26+s3] =	stream.linear.scatter [tilespmem:s25], [sflag:$0x1], $0x80, $0x38;
	[tilespmem:$0x1400] =	vst v63  }
0x111: {  	s29 =	sadd.s32 $0x2F0, s12;
	s28 =	sor.u32 $0x500, s13  }
0x112: {  	[hbm4b:s29+s3] =	stream.linear.scatter [tilespmem:s28], [sflag:$0x1], $0x80, $0x38;
	[tilespmem:$0x1400] =	vst v63  }
0x113: {  	s31 =	sadd.s32 $0x370, s12;
	s30 =	sor.u32 $0x600, s13  }
0x114: {  	[hbm4b:s31+s3] =	stream.linear.scatter [tilespmem:s30], [sflag:$0x1], $0x80, $0x38;
	[tilespmem:$0x1400] =	vst v63  }
0x115: {  	s16 =	sadd.s32 $0x3F0, s12;
	s15 =	sor.u32 $0x700, s13  }
0x116: {  	[hbm4b:s16+s3] =	stream.linear.scatter [tilespmem:s15], [sflag:$0x1], $0x80, $0x38;
	[tilespmem:$0x1400] =	vst v63  }
0x117: {  	s17 =	sor.u32 $0x800, s13;
	s18 =	sadd.s32 $0x470, s12  }
0x118: {  	[hbm4b:s18+s3] =	stream.linear.scatter [tilespmem:s17], [sflag:$0x1], $0x80, $0x38;
	[tilespmem:$0x1400] =	vst v63  }
0x119: {  	s19 =	sor.u32 $0x900, s13;
	s20 =	sadd.s32 $0x4F0, s12  }
0x11a: {  	[hbm4b:s20+s3] =	stream.linear.scatter [tilespmem:s19], [sflag:$0x1], $0x80, $0x38;
	[tilespmem:$0x1400] =	vst v63  }
0x11b: {  	s21 =	sor.u32 $0xA00, s13;
	s22 =	sadd.s32 $0x570, s12  }
0x11c: {  	[hbm4b:s22+s3] =	stream.linear.scatter [tilespmem:s21], [sflag:$0x1], $0x80, $0x38;
	[tilespmem:$0x1400] =	vst v63  }
0x11d: {  	s23 =	sor.u32 $0xB00, s13;
	s24 =	sadd.s32 $0x5F0, s12  }
0x11e: {  	[hbm4b:s24+s3] =	stream.linear.scatter [tilespmem:s23], [sflag:$0x1], $0x80, $0x38;
	[tilespmem:$0x1400] =	vst v63  }
0x11f: {  	s25 =	sor.u32 $0xC00, s13;
	s26 =	sadd.s32 $0x670, s12  }
0x120: {  	[hbm4b:s26+s3] =	stream.linear.scatter [tilespmem:s25], [sflag:$0x1], $0x80, $0x38;
	[tilespmem:$0x1400] =	vst v63  }
0x121: {  	(v2sf) =	vpush v1, $0x8;
	_ =	sdelay $0x8  }
0x122: {  	s28 =	sor.u32 $0xD00, s13;
	s29 =	sadd.s32 $0x6F0, s12  }
0x123: {  	[hbm4b:s29+s3] =	stream.linear.scatter [tilespmem:s28], [sflag:$0x1], $0x80, $0x38;
	[tilespmem:$0x1400] =	vst v63  }
0x124: {  	s30 =	sor.u32 $0xE00, s13;
	s31 =	sadd.s32 $0x770, s12  }
0x125: {  	[hbm4b:s31+s3] =	stream.linear.scatter [tilespmem:s30], [sflag:$0x1], $0x80, $0x38;
	[tilespmem:$0x1400] =	vst v63  }
0x126: {  	s13 =	sor.u32 $0xF00, s13;
	s15 =	sadd.s32 $0x7F0, s12  }
0x127: {  	[hbm4b:s15+s3] =	stream.linear.scatter [tilespmem:s13], [sflag:$0x1], $0x80, $0x38;
	[tilespmem:$0x1400] =	vst v63  }
0x128: {  	s16 =	spop (v2sf)  }
0x129: {  	s17 =	sshll.u32 s16, $0xB;
	s13 =	sshll.u32 s16, $0x7  }
0x12a: {  	s14 =	sand.u32 $0xFFFFF000, s17;
	s13 =	sand.u32 $0x80, s13  }
0x12b: {  	s18 =	sadd.s32 $0x800, s12;
	s13 =	sor.u32 s13, s14  }
0x12c: {  	[hbm4b:s18+s3] =	stream.linear.scatter [tilespmem:s13], [sflag:$0x1], $0x80, $0x38;
	[tilespmem:$0x1400] =	vst v63  }
0x12d: {  	s20 =	sadd.s32 $0x880, s12;
	s19 =	sor.u32 $0x100, s13  }
0x12e: {  	[hbm4b:s20+s3] =	stream.linear.scatter [tilespmem:s19], [sflag:$0x1], $0x80, $0x38;
	[tilespmem:$0x1400] =	vst v63  }
0x12f: {  	s22 =	sadd.s32 $0x900, s12;
	s21 =	sor.u32 $0x200, s13  }
0x130: {  	[hbm4b:s22+s3] =	stream.linear.scatter [tilespmem:s21], [sflag:$0x1], $0x80, $0x38;
	[tilespmem:$0x1400] =	vst v63  }
0x131: {  	s24 =	sadd.s32 $0x980, s12;
	s23 =	sor.u32 $0x300, s13  }
0x132: {  	[hbm4b:s24+s3] =	stream.linear.scatter [tilespmem:s23], [sflag:$0x1], $0x80, $0x38;
	[tilespmem:$0x1400] =	vst v63  }
0x133: {  	s26 =	sadd.s32 $0xA00, s12;
	s25 =	sor.u32 $0x400, s13  }
0x134: {  	[hbm4b:s26+s3] =	stream.linear.scatter [tilespmem:s25], [sflag:$0x1], $0x80, $0x38;
	[tilespmem:$0x1400] =	vst v63  }
0x135: {  	s29 =	sadd.s32 $0xA80, s12;
	s28 =	sor.u32 $0x500, s13  }
0x136: {  	[hbm4b:s29+s3] =	stream.linear.scatter [tilespmem:s28], [sflag:$0x1], $0x80, $0x38;
	[tilespmem:$0x1400] =	vst v63  }
0x137: {  	s31 =	sadd.s32 $0xB00, s12;
	s30 =	sor.u32 $0x600, s13  }
0x138: {  	[hbm4b:s31+s3] =	stream.linear.scatter [tilespmem:s30], [sflag:$0x1], $0x80, $0x38;
	[tilespmem:$0x1400] =	vst v63  }
0x139: {  	s16 =	sadd.s32 $0xB80, s12;
	s15 =	sor.u32 $0x700, s13  }
0x13a: {  	(v2sf) =	vpush v1, $0x9;
	[hbm4b:s16+s3] =	stream.linear.scatter [tilespmem:s15], [sflag:$0x1], $0x80, $0x38;
	[tilespmem:$0x1400] =	vst v63  }
0x13b: {  	s17 =	sor.u32 $0x800, s13;
	s18 =	sadd.s32 $0xC00, s12  }
0x13c: {  	[hbm4b:s18+s3] =	stream.linear.scatter [tilespmem:s17], [sflag:$0x1], $0x80, $0x38;
	[tilespmem:$0x1400] =	vst v63  }
0x13d: {  	s19 =	sor.u32 $0x900, s13;
	s20 =	sadd.s32 $0xC80, s12  }
0x13e: {  	[hbm4b:s20+s3] =	stream.linear.scatter [tilespmem:s19], [sflag:$0x1], $0x80, $0x38;
	[tilespmem:$0x1400] =	vst v63  }
0x13f: {  	s21 =	sor.u32 $0xA00, s13;
	s22 =	sadd.s32 $0xD00, s12  }
0x140: {  	[hbm4b:s22+s3] =	stream.linear.scatter [tilespmem:s21], [sflag:$0x1], $0x80, $0x38;
	[tilespmem:$0x1400] =	vst v63  }
0x141: {  	s23 =	sor.u32 $0xB00, s13;
	s24 =	sadd.s32 $0xD80, s12  }
0x142: {  	[hbm4b:s24+s3] =	stream.linear.scatter [tilespmem:s23], [sflag:$0x1], $0x80, $0x38;
	[tilespmem:$0x1400] =	vst v63  }
0x143: {  	s25 =	sor.u32 $0xC00, s13;
	s26 =	sadd.s32 $0xE00, s12  }
0x144: {  	[hbm4b:s26+s3] =	stream.linear.scatter [tilespmem:s25], [sflag:$0x1], $0x80, $0x38;
	[tilespmem:$0x1400] =	vst v63  }
0x145: {  	s28 =	sor.u32 $0xD00, s13;
	s29 =	sadd.s32 $0xE80, s12  }
0x146: {  	[hbm4b:s29+s3] =	stream.linear.scatter [tilespmem:s28], [sflag:$0x1], $0x80, $0x38;
	[tilespmem:$0x1400] =	vst v63  }
0x147: {  	s30 =	sor.u32 $0xE00, s13;
	s31 =	sadd.s32 $0xF00, s12  }
0x148: {  	[hbm4b:s31+s3] =	stream.linear.scatter [tilespmem:s30], [sflag:$0x1], $0x80, $0x38;
	[tilespmem:$0x1400] =	vst v63  }
0x149: {  	s13 =	sor.u32 $0xF00, s13;
	s15 =	sadd.s32 $0xF80, s12;
	s16 =	spop (v2sf)  }
0x14a: {  	[hbm4b:s15+s3] =	stream.linear.scatter [tilespmem:s13], [sflag:$0x1], $0x80, $0x38;
	[tilespmem:$0x1400] =	vst v63  }
0x14b: {  	s17 =	sshll.u32 s16, $0xB;
	s13 =	sshll.u32 s16, $0x7  }
0x14c: {  	s14 =	sand.u32 $0xFFFFF000, s17;
	s13 =	sand.u32 $0x80, s13  }
0x14d: {  	s18 =	sadd.s32 $0x810, s12;
	s13 =	sor.u32 s13, s14  }
0x14e: {  	[hbm4b:s18+s3] =	stream.linear.scatter [tilespmem:s13], [sflag:$0x1], $0x80, $0x38;
	[tilespmem:$0x1400] =	vst v63  }
0x14f: {  	s20 =	sadd.s32 $0x890, s12;
	s19 =	sor.u32 $0x100, s13  }
0x150: {  	[hbm4b:s20+s3] =	stream.linear.scatter [tilespmem:s19], [sflag:$0x1], $0x80, $0x38;
	[tilespmem:$0x1400] =	vst v63  }
0x151: {  	s22 =	sadd.s32 $0x910, s12;
	s21 =	sor.u32 $0x200, s13  }
0x152: {  	[hbm4b:s22+s3] =	stream.linear.scatter [tilespmem:s21], [sflag:$0x1], $0x80, $0x38;
	[tilespmem:$0x1400] =	vst v63  }
0x153: {  	s24 =	sadd.s32 $0x990, s12;
	s23 =	sor.u32 $0x300, s13  }
0x154: {  	[hbm4b:s24+s3] =	stream.linear.scatter [tilespmem:s23], [sflag:$0x1], $0x80, $0x38;
	[tilespmem:$0x1400] =	vst v63  }
0x155: {  	s26 =	sadd.s32 $0xA10, s12;
	s25 =	sor.u32 $0x400, s13  }
0x156: {  	[hbm4b:s26+s3] =	stream.linear.scatter [tilespmem:s25], [sflag:$0x1], $0x80, $0x38;
	[tilespmem:$0x1400] =	vst v63  }
0x157: {  	s29 =	sadd.s32 $0xA90, s12;
	s28 =	sor.u32 $0x500, s13  }
0x158: {  	[hbm4b:s29+s3] =	stream.linear.scatter [tilespmem:s28], [sflag:$0x1], $0x80, $0x38;
	[tilespmem:$0x1400] =	vst v63  }
0x159: {  	s31 =	sadd.s32 $0xB10, s12;
	s30 =	sor.u32 $0x600, s13  }
0x15a: {  	[hbm4b:s31+s3] =	stream.linear.scatter [tilespmem:s30], [sflag:$0x1], $0x80, $0x38;
	[tilespmem:$0x1400] =	vst v63  }
0x15b: {  	s16 =	sadd.s32 $0xB90, s12;
	s15 =	sor.u32 $0x700, s13  }
0x15c: {  	(v2sf) =	vpush v1, $0xA;
	[hbm4b:s16+s3] =	stream.linear.scatter [tilespmem:s15], [sflag:$0x1], $0x80, $0x38;
	[tilespmem:$0x1400] =	vst v63  }
0x15d: {  	s17 =	sor.u32 $0x800, s13;
	s18 =	sadd.s32 $0xC10, s12  }
0x15e: {  	[hbm4b:s18+s3] =	stream.linear.scatter [tilespmem:s17], [sflag:$0x1], $0x80, $0x38;
	[tilespmem:$0x1400] =	vst v63  }
0x15f: {  	s19 =	sor.u32 $0x900, s13;
	s20 =	sadd.s32 $0xC90, s12  }
0x160: {  	[hbm4b:s20+s3] =	stream.linear.scatter [tilespmem:s19], [sflag:$0x1], $0x80, $0x38;
	[tilespmem:$0x1400] =	vst v63  }
0x161: {  	s21 =	sor.u32 $0xA00, s13;
	s22 =	sadd.s32 $0xD10, s12  }
0x162: {  	[hbm4b:s22+s3] =	stream.linear.scatter [tilespmem:s21], [sflag:$0x1], $0x80, $0x38;
	[tilespmem:$0x1400] =	vst v63  }
0x163: {  	s23 =	sor.u32 $0xB00, s13;
	s24 =	sadd.s32 $0xD90, s12  }
0x164: {  	[hbm4b:s24+s3] =	stream.linear.scatter [tilespmem:s23], [sflag:$0x1], $0x80, $0x38;
	[tilespmem:$0x1400] =	vst v63  }
0x165: {  	s25 =	sor.u32 $0xC00, s13;
	s26 =	sadd.s32 $0xE10, s12  }
0x166: {  	[hbm4b:s26+s3] =	stream.linear.scatter [tilespmem:s25], [sflag:$0x1], $0x80, $0x38;
	[tilespmem:$0x1400] =	vst v63  }
0x167: {  	s28 =	sor.u32 $0xD00, s13;
	s29 =	sadd.s32 $0xE90, s12  }
0x168: {  	[hbm4b:s29+s3] =	stream.linear.scatter [tilespmem:s28], [sflag:$0x1], $0x80, $0x38;
	[tilespmem:$0x1400] =	vst v63  }
0x169: {  	s30 =	sor.u32 $0xE00, s13;
	s31 =	sadd.s32 $0xF10, s12  }
0x16a: {  	[hbm4b:s31+s3] =	stream.linear.scatter [tilespmem:s30], [sflag:$0x1], $0x80, $0x38;
	[tilespmem:$0x1400] =	vst v63  }
0x16b: {  	s13 =	sor.u32 $0xF00, s13;
	s15 =	sadd.s32 $0xF90, s12;
	s16 =	spop (v2sf)  }
0x16c: {  	[hbm4b:s15+s3] =	stream.linear.scatter [tilespmem:s13], [sflag:$0x1], $0x80, $0x38;
	[tilespmem:$0x1400] =	vst v63  }
0x16d: {  	s17 =	sshll.u32 s16, $0xB;
	s13 =	sshll.u32 s16, $0x7  }
0x16e: {  	s14 =	sand.u32 $0xFFFFF000, s17;
	s13 =	sand.u32 $0x80, s13  }
0x16f: {  	s18 =	sadd.s32 $0x820, s12;
	s13 =	sor.u32 s13, s14  }
0x170: {  	[hbm4b:s18+s3] =	stream.linear.scatter [tilespmem:s13], [sflag:$0x1], $0x80, $0x38;
	[tilespmem:$0x1400] =	vst v63  }
0x171: {  	s20 =	sadd.s32 $0x8A0, s12;
	s19 =	sor.u32 $0x100, s13  }
0x172: {  	[hbm4b:s20+s3] =	stream.linear.scatter [tilespmem:s19], [sflag:$0x1], $0x80, $0x38;
	[tilespmem:$0x1400] =	vst v63  }
0x173: {  	s22 =	sadd.s32 $0x920, s12;
	s21 =	sor.u32 $0x200, s13  }
0x174: {  	[hbm4b:s22+s3] =	stream.linear.scatter [tilespmem:s21], [sflag:$0x1], $0x80, $0x38;
	[tilespmem:$0x1400] =	vst v63  }
0x175: {  	s24 =	sadd.s32 $0x9A0, s12;
	s23 =	sor.u32 $0x300, s13  }
0x176: {  	[hbm4b:s24+s3] =	stream.linear.scatter [tilespmem:s23], [sflag:$0x1], $0x80, $0x38;
	[tilespmem:$0x1400] =	vst v63  }
0x177: {  	s26 =	sadd.s32 $0xA20, s12;
	s25 =	sor.u32 $0x400, s13  }
0x178: {  	[hbm4b:s26+s3] =	stream.linear.scatter [tilespmem:s25], [sflag:$0x1], $0x80, $0x38;
	[tilespmem:$0x1400] =	vst v63  }
0x179: {  	s29 =	sadd.s32 $0xAA0, s12;
	s28 =	sor.u32 $0x500, s13  }
0x17a: {  	[hbm4b:s29+s3] =	stream.linear.scatter [tilespmem:s28], [sflag:$0x1], $0x80, $0x38;
	[tilespmem:$0x1400] =	vst v63  }
0x17b: {  	s31 =	sadd.s32 $0xB20, s12;
	s30 =	sor.u32 $0x600, s13  }
0x17c: {  	[hbm4b:s31+s3] =	stream.linear.scatter [tilespmem:s30], [sflag:$0x1], $0x80, $0x38;
	[tilespmem:$0x1400] =	vst v63  }
0x17d: {  	s16 =	sadd.s32 $0xBA0, s12;
	s15 =	sor.u32 $0x700, s13  }
0x17e: {  	(v2sf) =	vpush v1, $0xB;
	[hbm4b:s16+s3] =	stream.linear.scatter [tilespmem:s15], [sflag:$0x1], $0x80, $0x38;
	[tilespmem:$0x1400] =	vst v63  }
0x17f: {  	s17 =	sor.u32 $0x800, s13;
	s18 =	sadd.s32 $0xC20, s12  }
0x180: {  	[hbm4b:s18+s3] =	stream.linear.scatter [tilespmem:s17], [sflag:$0x1], $0x80, $0x38;
	[tilespmem:$0x1400] =	vst v63  }
0x181: {  	s19 =	sor.u32 $0x900, s13;
	s20 =	sadd.s32 $0xCA0, s12  }
0x182: {  	[hbm4b:s20+s3] =	stream.linear.scatter [tilespmem:s19], [sflag:$0x1], $0x80, $0x38;
	[tilespmem:$0x1400] =	vst v63  }
0x183: {  	s21 =	sor.u32 $0xA00, s13;
	s22 =	sadd.s32 $0xD20, s12  }
0x184: {  	[hbm4b:s22+s3] =	stream.linear.scatter [tilespmem:s21], [sflag:$0x1], $0x80, $0x38;
	[tilespmem:$0x1400] =	vst v63  }
0x185: {  	s23 =	sor.u32 $0xB00, s13;
	s24 =	sadd.s32 $0xDA0, s12  }
0x186: {  	[hbm4b:s24+s3] =	stream.linear.scatter [tilespmem:s23], [sflag:$0x1], $0x80, $0x38;
	[tilespmem:$0x1400] =	vst v63  }
0x187: {  	s25 =	sor.u32 $0xC00, s13;
	s26 =	sadd.s32 $0xE20, s12  }
0x188: {  	[hbm4b:s26+s3] =	stream.linear.scatter [tilespmem:s25], [sflag:$0x1], $0x80, $0x38;
	[tilespmem:$0x1400] =	vst v63  }
0x189: {  	s28 =	sor.u32 $0xD00, s13;
	s29 =	sadd.s32 $0xEA0, s12  }
0x18a: {  	[hbm4b:s29+s3] =	stream.linear.scatter [tilespmem:s28], [sflag:$0x1], $0x80, $0x38;
	[tilespmem:$0x1400] =	vst v63  }
0x18b: {  	s30 =	sor.u32 $0xE00, s13;
	s31 =	sadd.s32 $0xF20, s12  }
0x18c: {  	[hbm4b:s31+s3] =	stream.linear.scatter [tilespmem:s30], [sflag:$0x1], $0x80, $0x38;
	[tilespmem:$0x1400] =	vst v63  }
0x18d: {  	s13 =	sor.u32 $0xF00, s13;
	s15 =	sadd.s32 $0xFA0, s12;
	s16 =	spop (v2sf)  }
0x18e: {  	[hbm4b:s15+s3] =	stream.linear.scatter [tilespmem:s13], [sflag:$0x1], $0x80, $0x38;
	[tilespmem:$0x1400] =	vst v63  }
0x18f: {  	s17 =	sshll.u32 s16, $0xB;
	s13 =	sshll.u32 s16, $0x7  }
0x190: {  	s14 =	sand.u32 $0xFFFFF000, s17;
	s13 =	sand.u32 $0x80, s13  }
0x191: {  	s18 =	sadd.s32 $0x830, s12;
	s13 =	sor.u32 s13, s14  }
0x192: {  	[hbm4b:s18+s3] =	stream.linear.scatter [tilespmem:s13], [sflag:$0x1], $0x80, $0x38;
	[tilespmem:$0x1400] =	vst v63  }
0x193: {  	s20 =	sadd.s32 $0x8B0, s12;
	s19 =	sor.u32 $0x100, s13  }
0x194: {  	[hbm4b:s20+s3] =	stream.linear.scatter [tilespmem:s19], [sflag:$0x1], $0x80, $0x38;
	[tilespmem:$0x1400] =	vst v63  }
0x195: {  	s22 =	sadd.s32 $0x930, s12;
	s21 =	sor.u32 $0x200, s13  }
0x196: {  	[hbm4b:s22+s3] =	stream.linear.scatter [tilespmem:s21], [sflag:$0x1], $0x80, $0x38;
	[tilespmem:$0x1400] =	vst v63  }
0x197: {  	s24 =	sadd.s32 $0x9B0, s12;
	s23 =	sor.u32 $0x300, s13  }
0x198: {  	[hbm4b:s24+s3] =	stream.linear.scatter [tilespmem:s23], [sflag:$0x1], $0x80, $0x38;
	[tilespmem:$0x1400] =	vst v63  }
0x199: {  	s26 =	sadd.s32 $0xA30, s12;
	s25 =	sor.u32 $0x400, s13  }
0x19a: {  	[hbm4b:s26+s3] =	stream.linear.scatter [tilespmem:s25], [sflag:$0x1], $0x80, $0x38;
	[tilespmem:$0x1400] =	vst v63  }
0x19b: {  	s29 =	sadd.s32 $0xAB0, s12;
	s28 =	sor.u32 $0x500, s13  }
0x19c: {  	[hbm4b:s29+s3] =	stream.linear.scatter [tilespmem:s28], [sflag:$0x1], $0x80, $0x38;
	[tilespmem:$0x1400] =	vst v63  }
0x19d: {  	s31 =	sadd.s32 $0xB30, s12;
	s30 =	sor.u32 $0x600, s13  }
0x19e: {  	[hbm4b:s31+s3] =	stream.linear.scatter [tilespmem:s30], [sflag:$0x1], $0x80, $0x38;
	[tilespmem:$0x1400] =	vst v63  }
0x19f: {  	s16 =	sadd.s32 $0xBB0, s12;
	s15 =	sor.u32 $0x700, s13  }
0x1a0: {  	(v2sf) =	vpush v1, $0xC;
	[hbm4b:s16+s3] =	stream.linear.scatter [tilespmem:s15], [sflag:$0x1], $0x80, $0x38;
	[tilespmem:$0x1400] =	vst v63  }
0x1a1: {  	s17 =	sor.u32 $0x800, s13;
	s18 =	sadd.s32 $0xC30, s12  }
0x1a2: {  	[hbm4b:s18+s3] =	stream.linear.scatter [tilespmem:s17], [sflag:$0x1], $0x80, $0x38;
	[tilespmem:$0x1400] =	vst v63  }
0x1a3: {  	s19 =	sor.u32 $0x900, s13;
	s20 =	sadd.s32 $0xCB0, s12  }
0x1a4: {  	[hbm4b:s20+s3] =	stream.linear.scatter [tilespmem:s19], [sflag:$0x1], $0x80, $0x38;
	[tilespmem:$0x1400] =	vst v63  }
0x1a5: {  	s21 =	sor.u32 $0xA00, s13;
	s22 =	sadd.s32 $0xD30, s12  }
0x1a6: {  	[hbm4b:s22+s3] =	stream.linear.scatter [tilespmem:s21], [sflag:$0x1], $0x80, $0x38;
	[tilespmem:$0x1400] =	vst v63  }
0x1a7: {  	s23 =	sor.u32 $0xB00, s13;
	s24 =	sadd.s32 $0xDB0, s12  }
0x1a8: {  	[hbm4b:s24+s3] =	stream.linear.scatter [tilespmem:s23], [sflag:$0x1], $0x80, $0x38;
	[tilespmem:$0x1400] =	vst v63  }
0x1a9: {  	s25 =	sor.u32 $0xC00, s13;
	s26 =	sadd.s32 $0xE30, s12  }
0x1aa: {  	[hbm4b:s26+s3] =	stream.linear.scatter [tilespmem:s25], [sflag:$0x1], $0x80, $0x38;
	[tilespmem:$0x1400] =	vst v63  }
0x1ab: {  	s28 =	sor.u32 $0xD00, s13;
	s29 =	sadd.s32 $0xEB0, s12  }
0x1ac: {  	[hbm4b:s29+s3] =	stream.linear.scatter [tilespmem:s28], [sflag:$0x1], $0x80, $0x38;
	[tilespmem:$0x1400] =	vst v63  }
0x1ad: {  	s30 =	sor.u32 $0xE00, s13;
	s31 =	sadd.s32 $0xF30, s12  }
0x1ae: {  	[hbm4b:s31+s3] =	stream.linear.scatter [tilespmem:s30], [sflag:$0x1], $0x80, $0x38;
	[tilespmem:$0x1400] =	vst v63  }
0x1af: {  	s13 =	sor.u32 $0xF00, s13;
	s15 =	sadd.s32 $0xFB0, s12;
	s16 =	spop (v2sf)  }
0x1b0: {  	[hbm4b:s15+s3] =	stream.linear.scatter [tilespmem:s13], [sflag:$0x1], $0x80, $0x38;
	[tilespmem:$0x1400] =	vst v63  }
0x1b1: {  	s17 =	sshll.u32 s16, $0xB;
	s13 =	sshll.u32 s16, $0x7  }
0x1b2: {  	s14 =	sand.u32 $0xFFFFF000, s17;
	s13 =	sand.u32 $0x80, s13  }
0x1b3: {  	s18 =	sadd.s32 $0x840, s12;
	s13 =	sor.u32 s13, s14  }
0x1b4: {  	[hbm4b:s18+s3] =	stream.linear.scatter [tilespmem:s13], [sflag:$0x1], $0x80, $0x38;
	[tilespmem:$0x1400] =	vst v63  }
0x1b5: {  	s20 =	sadd.s32 $0x8C0, s12;
	s19 =	sor.u32 $0x100, s13  }
0x1b6: {  	[hbm4b:s20+s3] =	stream.linear.scatter [tilespmem:s19], [sflag:$0x1], $0x80, $0x38;
	[tilespmem:$0x1400] =	vst v63  }
0x1b7: {  	s22 =	sadd.s32 $0x940, s12;
	s21 =	sor.u32 $0x200, s13  }
0x1b8: {  	[hbm4b:s22+s3] =	stream.linear.scatter [tilespmem:s21], [sflag:$0x1], $0x80, $0x38;
	[tilespmem:$0x1400] =	vst v63  }
0x1b9: {  	s24 =	sadd.s32 $0x9C0, s12;
	s23 =	sor.u32 $0x300, s13  }
0x1ba: {  	[hbm4b:s24+s3] =	stream.linear.scatter [tilespmem:s23], [sflag:$0x1], $0x80, $0x38;
	[tilespmem:$0x1400] =	vst v63  }
0x1bb: {  	s26 =	sadd.s32 $0xA40, s12;
	s25 =	sor.u32 $0x400, s13  }
0x1bc: {  	[hbm4b:s26+s3] =	stream.linear.scatter [tilespmem:s25], [sflag:$0x1], $0x80, $0x38;
	[tilespmem:$0x1400] =	vst v63  }
0x1bd: {  	s29 =	sadd.s32 $0xAC0, s12;
	s28 =	sor.u32 $0x500, s13  }
0x1be: {  	[hbm4b:s29+s3] =	stream.linear.scatter [tilespmem:s28], [sflag:$0x1], $0x80, $0x38;
	[tilespmem:$0x1400] =	vst v63  }
0x1bf: {  	s31 =	sadd.s32 $0xB40, s12;
	s30 =	sor.u32 $0x600, s13  }
0x1c0: {  	[hbm4b:s31+s3] =	stream.linear.scatter [tilespmem:s30], [sflag:$0x1], $0x80, $0x38;
	[tilespmem:$0x1400] =	vst v63  }
0x1c1: {  	s16 =	sadd.s32 $0xBC0, s12;
	s15 =	sor.u32 $0x700, s13  }
0x1c2: {  	(v2sf) =	vpush v1, $0xD;
	[hbm4b:s16+s3] =	stream.linear.scatter [tilespmem:s15], [sflag:$0x1], $0x80, $0x38;
	[tilespmem:$0x1400] =	vst v63  }
0x1c3: {  	s17 =	sor.u32 $0x800, s13;
	s18 =	sadd.s32 $0xC40, s12  }
0x1c4: {  	[hbm4b:s18+s3] =	stream.linear.scatter [tilespmem:s17], [sflag:$0x1], $0x80, $0x38;
	[tilespmem:$0x1400] =	vst v63  }
0x1c5: {  	s19 =	sor.u32 $0x900, s13;
	s20 =	sadd.s32 $0xCC0, s12  }
0x1c6: {  	[hbm4b:s20+s3] =	stream.linear.scatter [tilespmem:s19], [sflag:$0x1], $0x80, $0x38;
	[tilespmem:$0x1400] =	vst v63  }
0x1c7: {  	s21 =	sor.u32 $0xA00, s13;
	s22 =	sadd.s32 $0xD40, s12  }
0x1c8: {  	[hbm4b:s22+s3] =	stream.linear.scatter [tilespmem:s21], [sflag:$0x1], $0x80, $0x38;
	[tilespmem:$0x1400] =	vst v63  }
0x1c9: {  	s23 =	sor.u32 $0xB00, s13;
	s24 =	sadd.s32 $0xDC0, s12  }
0x1ca: {  	[hbm4b:s24+s3] =	stream.linear.scatter [tilespmem:s23], [sflag:$0x1], $0x80, $0x38;
	[tilespmem:$0x1400] =	vst v63  }
0x1cb: {  	s25 =	sor.u32 $0xC00, s13;
	s26 =	sadd.s32 $0xE40, s12  }
0x1cc: {  	[hbm4b:s26+s3] =	stream.linear.scatter [tilespmem:s25], [sflag:$0x1], $0x80, $0x38;
	[tilespmem:$0x1400] =	vst v63  }
0x1cd: {  	s28 =	sor.u32 $0xD00, s13;
	s29 =	sadd.s32 $0xEC0, s12  }
0x1ce: {  	[hbm4b:s29+s3] =	stream.linear.scatter [tilespmem:s28], [sflag:$0x1], $0x80, $0x38;
	[tilespmem:$0x1400] =	vst v63  }
0x1cf: {  	s30 =	sor.u32 $0xE00, s13;
	s31 =	sadd.s32 $0xF40, s12  }
0x1d0: {  	[hbm4b:s31+s3] =	stream.linear.scatter [tilespmem:s30], [sflag:$0x1], $0x80, $0x38;
	[tilespmem:$0x1400] =	vst v63  }
0x1d1: {  	s13 =	sor.u32 $0xF00, s13;
	s15 =	sadd.s32 $0xFC0, s12;
	s16 =	spop (v2sf)  }
0x1d2: {  	[hbm4b:s15+s3] =	stream.linear.scatter [tilespmem:s13], [sflag:$0x1], $0x80, $0x38;
	[tilespmem:$0x1400] =	vst v63  }
0x1d3: {  	s17 =	sshll.u32 s16, $0xB;
	s13 =	sshll.u32 s16, $0x7  }
0x1d4: {  	s14 =	sand.u32 $0xFFFFF000, s17;
	s13 =	sand.u32 $0x80, s13  }
0x1d5: {  	s18 =	sadd.s32 $0x850, s12;
	s13 =	sor.u32 s13, s14  }
0x1d6: {  	[hbm4b:s18+s3] =	stream.linear.scatter [tilespmem:s13], [sflag:$0x1], $0x80, $0x38;
	[tilespmem:$0x1400] =	vst v63  }
0x1d7: {  	s20 =	sadd.s32 $0x8D0, s12;
	s19 =	sor.u32 $0x100, s13  }
0x1d8: {  	[hbm4b:s20+s3] =	stream.linear.scatter [tilespmem:s19], [sflag:$0x1], $0x80, $0x38;
	[tilespmem:$0x1400] =	vst v63  }
0x1d9: {  	s22 =	sadd.s32 $0x950, s12;
	s21 =	sor.u32 $0x200, s13  }
0x1da: {  	[hbm4b:s22+s3] =	stream.linear.scatter [tilespmem:s21], [sflag:$0x1], $0x80, $0x38;
	[tilespmem:$0x1400] =	vst v63  }
0x1db: {  	s24 =	sadd.s32 $0x9D0, s12;
	s23 =	sor.u32 $0x300, s13  }
0x1dc: {  	[hbm4b:s24+s3] =	stream.linear.scatter [tilespmem:s23], [sflag:$0x1], $0x80, $0x38;
	[tilespmem:$0x1400] =	vst v63  }
0x1dd: {  	s26 =	sadd.s32 $0xA50, s12;
	s25 =	sor.u32 $0x400, s13  }
0x1de: {  	[hbm4b:s26+s3] =	stream.linear.scatter [tilespmem:s25], [sflag:$0x1], $0x80, $0x38;
	[tilespmem:$0x1400] =	vst v63  }
0x1df: {  	s29 =	sadd.s32 $0xAD0, s12;
	s28 =	sor.u32 $0x500, s13  }
0x1e0: {  	[hbm4b:s29+s3] =	stream.linear.scatter [tilespmem:s28], [sflag:$0x1], $0x80, $0x38;
	[tilespmem:$0x1400] =	vst v63  }
0x1e1: {  	s31 =	sadd.s32 $0xB50, s12;
	s30 =	sor.u32 $0x600, s13  }
0x1e2: {  	[hbm4b:s31+s3] =	stream.linear.scatter [tilespmem:s30], [sflag:$0x1], $0x80, $0x38;
	[tilespmem:$0x1400] =	vst v63  }
0x1e3: {  	s16 =	sadd.s32 $0xBD0, s12;
	s15 =	sor.u32 $0x700, s13  }
0x1e4: {  	(v2sf) =	vpush v1, $0xE;
	[hbm4b:s16+s3] =	stream.linear.scatter [tilespmem:s15], [sflag:$0x1], $0x80, $0x38;
	[tilespmem:$0x1400] =	vst v63  }
0x1e5: {  	s17 =	sor.u32 $0x800, s13;
	s18 =	sadd.s32 $0xC50, s12  }
0x1e6: {  	[hbm4b:s18+s3] =	stream.linear.scatter [tilespmem:s17], [sflag:$0x1], $0x80, $0x38;
	[tilespmem:$0x1400] =	vst v63  }
0x1e7: {  	s19 =	sor.u32 $0x900, s13;
	s20 =	sadd.s32 $0xCD0, s12  }
0x1e8: {  	[hbm4b:s20+s3] =	stream.linear.scatter [tilespmem:s19], [sflag:$0x1], $0x80, $0x38;
	[tilespmem:$0x1400] =	vst v63  }
0x1e9: {  	s21 =	sor.u32 $0xA00, s13;
	s22 =	sadd.s32 $0xD50, s12  }
0x1ea: {  	[hbm4b:s22+s3] =	stream.linear.scatter [tilespmem:s21], [sflag:$0x1], $0x80, $0x38;
	[tilespmem:$0x1400] =	vst v63  }
0x1eb: {  	s23 =	sor.u32 $0xB00, s13;
	s24 =	sadd.s32 $0xDD0, s12  }
0x1ec: {  	[hbm4b:s24+s3] =	stream.linear.scatter [tilespmem:s23], [sflag:$0x1], $0x80, $0x38;
	[tilespmem:$0x1400] =	vst v63  }
0x1ed: {  	s25 =	sor.u32 $0xC00, s13;
	s26 =	sadd.s32 $0xE50, s12  }
0x1ee: {  	[hbm4b:s26+s3] =	stream.linear.scatter [tilespmem:s25], [sflag:$0x1], $0x80, $0x38;
	[tilespmem:$0x1400] =	vst v63  }
0x1ef: {  	s28 =	sor.u32 $0xD00, s13;
	s29 =	sadd.s32 $0xED0, s12  }
0x1f0: {  	[hbm4b:s29+s3] =	stream.linear.scatter [tilespmem:s28], [sflag:$0x1], $0x80, $0x38;
	[tilespmem:$0x1400] =	vst v63  }
0x1f1: {  	s30 =	sor.u32 $0xE00, s13;
	s31 =	sadd.s32 $0xF50, s12  }
0x1f2: {  	[hbm4b:s31+s3] =	stream.linear.scatter [tilespmem:s30], [sflag:$0x1], $0x80, $0x38;
	[tilespmem:$0x1400] =	vst v63  }
0x1f3: {  	s13 =	sor.u32 $0xF00, s13;
	s15 =	sadd.s32 $0xFD0, s12;
	s16 =	spop (v2sf)  }
0x1f4: {  	[hbm4b:s15+s3] =	stream.linear.scatter [tilespmem:s13], [sflag:$0x1], $0x80, $0x38;
	[tilespmem:$0x1400] =	vst v63  }
0x1f5: {  	s17 =	sshll.u32 s16, $0xB;
	s13 =	sshll.u32 s16, $0x7  }
0x1f6: {  	s14 =	sand.u32 $0xFFFFF000, s17;
	s13 =	sand.u32 $0x80, s13  }
0x1f7: {  	s18 =	sadd.s32 $0x860, s12;
	s13 =	sor.u32 s13, s14  }
0x1f8: {  	[hbm4b:s18+s3] =	stream.linear.scatter [tilespmem:s13], [sflag:$0x1], $0x80, $0x38;
	[tilespmem:$0x1400] =	vst v63  }
0x1f9: {  	s20 =	sadd.s32 $0x8E0, s12;
	s19 =	sor.u32 $0x100, s13  }
0x1fa: {  	[hbm4b:s20+s3] =	stream.linear.scatter [tilespmem:s19], [sflag:$0x1], $0x80, $0x38;
	[tilespmem:$0x1400] =	vst v63  }
0x1fb: {  	s22 =	sadd.s32 $0x960, s12;
	s21 =	sor.u32 $0x200, s13  }
0x1fc: {  	[hbm4b:s22+s3] =	stream.linear.scatter [tilespmem:s21], [sflag:$0x1], $0x80, $0x38;
	[tilespmem:$0x1400] =	vst v63  }
0x1fd: {  	s24 =	sadd.s32 $0x9E0, s12;
	s23 =	sor.u32 $0x300, s13  }
0x1fe: {  	[hbm4b:s24+s3] =	stream.linear.scatter [tilespmem:s23], [sflag:$0x1], $0x80, $0x38;
	[tilespmem:$0x1400] =	vst v63  }
0x1ff: {  	s26 =	sadd.s32 $0xA60, s12;
	s25 =	sor.u32 $0x400, s13  }
0x200: {  	[hbm4b:s26+s3] =	stream.linear.scatter [tilespmem:s25], [sflag:$0x1], $0x80, $0x38;
	[tilespmem:$0x1400] =	vst v63  }
0x201: {  	s29 =	sadd.s32 $0xAE0, s12;
	s28 =	sor.u32 $0x500, s13  }
0x202: {  	[hbm4b:s29+s3] =	stream.linear.scatter [tilespmem:s28], [sflag:$0x1], $0x80, $0x38;
	[tilespmem:$0x1400] =	vst v63  }
0x203: {  	s31 =	sadd.s32 $0xB60, s12;
	s30 =	sor.u32 $0x600, s13  }
0x204: {  	[hbm4b:s31+s3] =	stream.linear.scatter [tilespmem:s30], [sflag:$0x1], $0x80, $0x38;
	[tilespmem:$0x1400] =	vst v63  }
0x205: {  	s16 =	sadd.s32 $0xBE0, s12;
	s15 =	sor.u32 $0x700, s13  }
0x206: {  	(v2sf) =	vpush v1, $0xF;
	[hbm4b:s16+s3] =	stream.linear.scatter [tilespmem:s15], [sflag:$0x1], $0x80, $0x38;
	[tilespmem:$0x1400] =	vst v63  }
0x207: {  	s17 =	sor.u32 $0x800, s13;
	s18 =	sadd.s32 $0xC60, s12  }
0x208: {  	[hbm4b:s18+s3] =	stream.linear.scatter [tilespmem:s17], [sflag:$0x1], $0x80, $0x38;
	[tilespmem:$0x1400] =	vst v63  }
0x209: {  	s19 =	sor.u32 $0x900, s13;
	s20 =	sadd.s32 $0xCE0, s12  }
0x20a: {  	[hbm4b:s20+s3] =	stream.linear.scatter [tilespmem:s19], [sflag:$0x1], $0x80, $0x38;
	[tilespmem:$0x1400] =	vst v63  }
0x20b: {  	s21 =	sor.u32 $0xA00, s13;
	s22 =	sadd.s32 $0xD60, s12  }
0x20c: {  	[hbm4b:s22+s3] =	stream.linear.scatter [tilespmem:s21], [sflag:$0x1], $0x80, $0x38;
	[tilespmem:$0x1400] =	vst v63  }
0x20d: {  	s23 =	sor.u32 $0xB00, s13;
	s24 =	sadd.s32 $0xDE0, s12  }
0x20e: {  	[hbm4b:s24+s3] =	stream.linear.scatter [tilespmem:s23], [sflag:$0x1], $0x80, $0x38;
	[tilespmem:$0x1400] =	vst v63  }
0x20f: {  	s25 =	sor.u32 $0xC00, s13;
	s26 =	sadd.s32 $0xE60, s12  }
0x210: {  	[hbm4b:s26+s3] =	stream.linear.scatter [tilespmem:s25], [sflag:$0x1], $0x80, $0x38;
	[tilespmem:$0x1400] =	vst v63  }
0x211: {  	s28 =	sor.u32 $0xD00, s13;
	s29 =	sadd.s32 $0xEE0, s12  }
0x212: {  	[hbm4b:s29+s3] =	stream.linear.scatter [tilespmem:s28], [sflag:$0x1], $0x80, $0x38;
	[tilespmem:$0x1400] =	vst v63  }
0x213: {  	s30 =	sor.u32 $0xE00, s13;
	s31 =	sadd.s32 $0xF60, s12  }
0x214: {  	[hbm4b:s31+s3] =	stream.linear.scatter [tilespmem:s30], [sflag:$0x1], $0x80, $0x38;
	[tilespmem:$0x1400] =	vst v63  }
0x215: {  	s13 =	sor.u32 $0xF00, s13;
	s15 =	sadd.s32 $0xFE0, s12;
	s16 =	spop (v2sf)  }
0x216: {  	[hbm4b:s15+s3] =	stream.linear.scatter [tilespmem:s13], [sflag:$0x1], $0x80, $0x38;
	[tilespmem:$0x1400] =	vst v63  }
0x217: {  	s17 =	sshll.u32 s16, $0xB;
	s13 =	sshll.u32 s16, $0x7  }
0x218: {  	s14 =	sand.u32 $0xFFFFF000, s17;
	s13 =	sand.u32 $0x80, s13  }
0x219: {  	s18 =	sadd.s32 $0x870, s12;
	s13 =	sor.u32 s13, s14  }
0x21a: {  	[hbm4b:s18+s3] =	stream.linear.scatter [tilespmem:s13], [sflag:$0x1], $0x80, $0x38;
	[tilespmem:$0x1400] =	vst v63  }
0x21b: {  	s20 =	sadd.s32 $0x8F0, s12;
	s19 =	sor.u32 $0x100, s13  }
0x21c: {  	[hbm4b:s20+s3] =	stream.linear.scatter [tilespmem:s19], [sflag:$0x1], $0x80, $0x38;
	[tilespmem:$0x1400] =	vst v63  }
0x21d: {  	s22 =	sadd.s32 $0x970, s12;
	s21 =	sor.u32 $0x200, s13  }
0x21e: {  	[hbm4b:s22+s3] =	stream.linear.scatter [tilespmem:s21], [sflag:$0x1], $0x80, $0x38;
	[tilespmem:$0x1400] =	vst v63  }
0x21f: {  	s24 =	sadd.s32 $0x9F0, s12;
	s23 =	sor.u32 $0x300, s13  }
0x220: {  	[hbm4b:s24+s3] =	stream.linear.scatter [tilespmem:s23], [sflag:$0x1], $0x80, $0x38;
	[tilespmem:$0x1400] =	vst v63  }
0x221: {  	s26 =	sadd.s32 $0xA70, s12;
	s25 =	sor.u32 $0x400, s13  }
0x222: {  	[hbm4b:s26+s3] =	stream.linear.scatter [tilespmem:s25], [sflag:$0x1], $0x80, $0x38;
	[tilespmem:$0x1400] =	vst v63  }
0x223: {  	s29 =	sadd.s32 $0xAF0, s12;
	s28 =	sor.u32 $0x500, s13  }
0x224: {  	[hbm4b:s29+s3] =	stream.linear.scatter [tilespmem:s28], [sflag:$0x1], $0x80, $0x38;
	[tilespmem:$0x1400] =	vst v63  }
0x225: {  	s31 =	sadd.s32 $0xB70, s12;
	s30 =	sor.u32 $0x600, s13  }
0x226: {  	[hbm4b:s31+s3] =	stream.linear.scatter [tilespmem:s30], [sflag:$0x1], $0x80, $0x38;
	[tilespmem:$0x1400] =	vst v63  }
0x227: {  	s16 =	sadd.s32 $0xBF0, s12;
	s15 =	sor.u32 $0x700, s13  }
0x228: {  	(v2sf) =	vpush v0, $0x0;
	[hbm4b:s16+s3] =	stream.linear.scatter [tilespmem:s15], [sflag:$0x1], $0x80, $0x38;
	[tilespmem:$0x1400] =	vst v63  }
0x229: {  	s17 =	sor.u32 $0x800, s13;
	s18 =	sadd.s32 $0xC70, s12  }
0x22a: {  	[hbm4b:s18+s3] =	stream.linear.scatter [tilespmem:s17], [sflag:$0x1], $0x80, $0x38;
	[tilespmem:$0x1400] =	vst v63  }
0x22b: {  	s19 =	sor.u32 $0x900, s13;
	s20 =	sadd.s32 $0xCF0, s12  }
0x22c: {  	[hbm4b:s20+s3] =	stream.linear.scatter [tilespmem:s19], [sflag:$0x1], $0x80, $0x38;
	[tilespmem:$0x1400] =	vst v63  }
0x22d: {  	s21 =	sor.u32 $0xA00, s13;
	s22 =	sadd.s32 $0xD70, s12  }
0x22e: {  	[hbm4b:s22+s3] =	stream.linear.scatter [tilespmem:s21], [sflag:$0x1], $0x80, $0x38;
	[tilespmem:$0x1400] =	vst v63  }
0x22f: {  	s23 =	sor.u32 $0xB00, s13;
	s24 =	sadd.s32 $0xDF0, s12  }
0x230: {  	[hbm4b:s24+s3] =	stream.linear.scatter [tilespmem:s23], [sflag:$0x1], $0x80, $0x38;
	[tilespmem:$0x1400] =	vst v63  }
0x231: {  	s25 =	sor.u32 $0xC00, s13;
	s26 =	sadd.s32 $0xE70, s12  }
0x232: {  	[hbm4b:s26+s3] =	stream.linear.scatter [tilespmem:s25], [sflag:$0x1], $0x80, $0x38;
	[tilespmem:$0x1400] =	vst v63  }
0x233: {  	s28 =	sor.u32 $0xD00, s13;
	s29 =	sadd.s32 $0xEF0, s12  }
0x234: {  	[hbm4b:s29+s3] =	stream.linear.scatter [tilespmem:s28], [sflag:$0x1], $0x80, $0x38;
	[tilespmem:$0x1400] =	vst v63  }
0x235: {  	s30 =	sor.u32 $0xE00, s13;
	s31 =	sadd.s32 $0xF70, s12  }
0x236: {  	[hbm4b:s31+s3] =	stream.linear.scatter [tilespmem:s30], [sflag:$0x1], $0x80, $0x38;
	[tilespmem:$0x1400] =	vst v63  }
0x237: {  	s13 =	sor.u32 $0xF00, s13;
	s15 =	sadd.s32 $0xFF0, s12;
	s16 =	spop (v2sf)  }
0x238: {  	[hbm4b:s15+s3] =	stream.linear.scatter [tilespmem:s13], [sflag:$0x1], $0x80, $0x38;
	[tilespmem:$0x1400] =	vst v63  }
0x239: {  	s17 =	sshll.u32 s16, $0xB;
	s13 =	sshll.u32 s16, $0x7  }
0x23a: {  	s14 =	sand.u32 $0xFFFFF000, s17;
	s13 =	sand.u32 $0x80, s13  }
0x23b: {  	s18 =	sadd.s32 $0x1000, s12;
	s13 =	sor.u32 s13, s14  }
0x23c: {  	[hbm4b:s18+s3] =	stream.linear.scatter [tilespmem:s13], [sflag:$0x1], $0x80, $0x38;
	[tilespmem:$0x1400] =	vst v63  }
0x23d: {  	s20 =	sadd.s32 $0x1080, s12;
	s19 =	sor.u32 $0x100, s13  }
0x23e: {  	[hbm4b:s20+s3] =	stream.linear.scatter [tilespmem:s19], [sflag:$0x1], $0x80, $0x38;
	[tilespmem:$0x1400] =	vst v63  }
0x23f: {  	s22 =	sadd.s32 $0x1100, s12;
	s21 =	sor.u32 $0x200, s13  }
0x240: {  	[hbm4b:s22+s3] =	stream.linear.scatter [tilespmem:s21], [sflag:$0x1], $0x80, $0x38;
	[tilespmem:$0x1400] =	vst v63  }
0x241: {  	s24 =	sadd.s32 $0x1180, s12;
	s23 =	sor.u32 $0x300, s13  }
0x242: {  	[hbm4b:s24+s3] =	stream.linear.scatter [tilespmem:s23], [sflag:$0x1], $0x80, $0x38;
	[tilespmem:$0x1400] =	vst v63  }
0x243: {  	s26 =	sadd.s32 $0x1200, s12;
	s25 =	sor.u32 $0x400, s13  }
0x244: {  	[hbm4b:s26+s3] =	stream.linear.scatter [tilespmem:s25], [sflag:$0x1], $0x80, $0x38;
	[tilespmem:$0x1400] =	vst v63  }
0x245: {  	s29 =	sadd.s32 $0x1280, s12;
	s28 =	sor.u32 $0x500, s13  }
0x246: {  	[hbm4b:s29+s3] =	stream.linear.scatter [tilespmem:s28], [sflag:$0x1], $0x80, $0x38;
	[tilespmem:$0x1400] =	vst v63  }
0x247: {  	s31 =	sadd.s32 $0x1300, s12;
	s30 =	sor.u32 $0x600, s13  }
0x248: {  	[hbm4b:s31+s3] =	stream.linear.scatter [tilespmem:s30], [sflag:$0x1], $0x80, $0x38;
	[tilespmem:$0x1400] =	vst v63  }
0x249: {  	s16 =	sadd.s32 $0x1380, s12;
	s15 =	sor.u32 $0x700, s13  }
0x24a: {  	(v2sf) =	vpush v0, $0x1;
	[hbm4b:s16+s3] =	stream.linear.scatter [tilespmem:s15], [sflag:$0x1], $0x80, $0x38;
	[tilespmem:$0x1400] =	vst v63  }
0x24b: {  	s17 =	sor.u32 $0x800, s13;
	s18 =	sadd.s32 $0x1400, s12  }
0x24c: {  	[hbm4b:s18+s3] =	stream.linear.scatter [tilespmem:s17], [sflag:$0x1], $0x80, $0x38;
	[tilespmem:$0x1400] =	vst v63  }
0x24d: {  	s19 =	sor.u32 $0x900, s13;
	s20 =	sadd.s32 $0x1480, s12  }
0x24e: {  	[hbm4b:s20+s3] =	stream.linear.scatter [tilespmem:s19], [sflag:$0x1], $0x80, $0x38;
	[tilespmem:$0x1400] =	vst v63  }
0x24f: {  	s21 =	sor.u32 $0xA00, s13;
	s22 =	sadd.s32 $0x1500, s12  }
0x250: {  	[hbm4b:s22+s3] =	stream.linear.scatter [tilespmem:s21], [sflag:$0x1], $0x80, $0x38;
	[tilespmem:$0x1400] =	vst v63  }
0x251: {  	s23 =	sor.u32 $0xB00, s13;
	s24 =	sadd.s32 $0x1580, s12  }
0x252: {  	[hbm4b:s24+s3] =	stream.linear.scatter [tilespmem:s23], [sflag:$0x1], $0x80, $0x38;
	[tilespmem:$0x1400] =	vst v63  }
0x253: {  	s25 =	sor.u32 $0xC00, s13;
	s26 =	sadd.s32 $0x1600, s12  }
0x254: {  	[hbm4b:s26+s3] =	stream.linear.scatter [tilespmem:s25], [sflag:$0x1], $0x80, $0x38;
	[tilespmem:$0x1400] =	vst v63  }
0x255: {  	s28 =	sor.u32 $0xD00, s13;
	s29 =	sadd.s32 $0x1680, s12  }
0x256: {  	[hbm4b:s29+s3] =	stream.linear.scatter [tilespmem:s28], [sflag:$0x1], $0x80, $0x38;
	[tilespmem:$0x1400] =	vst v63  }
0x257: {  	s30 =	sor.u32 $0xE00, s13;
	s31 =	sadd.s32 $0x1700, s12  }
0x258: {  	[hbm4b:s31+s3] =	stream.linear.scatter [tilespmem:s30], [sflag:$0x1], $0x80, $0x38;
	[tilespmem:$0x1400] =	vst v63  }
0x259: {  	s13 =	sor.u32 $0xF00, s13;
	s15 =	sadd.s32 $0x1780, s12;
	s16 =	spop (v2sf)  }
0x25a: {  	[hbm4b:s15+s3] =	stream.linear.scatter [tilespmem:s13], [sflag:$0x1], $0x80, $0x38;
	[tilespmem:$0x1400] =	vst v63  }
0x25b: {  	s17 =	sshll.u32 s16, $0xB;
	s13 =	sshll.u32 s16, $0x7  }
0x25c: {  	s14 =	sand.u32 $0xFFFFF000, s17;
	s13 =	sand.u32 $0x80, s13  }
0x25d: {  	s18 =	sadd.s32 $0x1010, s12;
	s13 =	sor.u32 s13, s14  }
0x25e: {  	[hbm4b:s18+s3] =	stream.linear.scatter [tilespmem:s13], [sflag:$0x1], $0x80, $0x38;
	[tilespmem:$0x1400] =	vst v63  }
0x25f: {  	s20 =	sadd.s32 $0x1090, s12;
	s19 =	sor.u32 $0x100, s13  }
0x260: {  	[hbm4b:s20+s3] =	stream.linear.scatter [tilespmem:s19], [sflag:$0x1], $0x80, $0x38;
	[tilespmem:$0x1400] =	vst v63  }
0x261: {  	s22 =	sadd.s32 $0x1110, s12;
	s21 =	sor.u32 $0x200, s13  }
0x262: {  	[hbm4b:s22+s3] =	stream.linear.scatter [tilespmem:s21], [sflag:$0x1], $0x80, $0x38;
	[tilespmem:$0x1400] =	vst v63  }
0x263: {  	s24 =	sadd.s32 $0x1190, s12;
	s23 =	sor.u32 $0x300, s13  }
0x264: {  	[hbm4b:s24+s3] =	stream.linear.scatter [tilespmem:s23], [sflag:$0x1], $0x80, $0x38;
	[tilespmem:$0x1400] =	vst v63  }
0x265: {  	s26 =	sadd.s32 $0x1210, s12;
	s25 =	sor.u32 $0x400, s13  }
0x266: {  	[hbm4b:s26+s3] =	stream.linear.scatter [tilespmem:s25], [sflag:$0x1], $0x80, $0x38;
	[tilespmem:$0x1400] =	vst v63  }
0x267: {  	s29 =	sadd.s32 $0x1290, s12;
	s28 =	sor.u32 $0x500, s13  }
0x268: {  	[hbm4b:s29+s3] =	stream.linear.scatter [tilespmem:s28], [sflag:$0x1], $0x80, $0x38;
	[tilespmem:$0x1400] =	vst v63  }
0x269: {  	s31 =	sadd.s32 $0x1310, s12;
	s30 =	sor.u32 $0x600, s13  }
0x26a: {  	[hbm4b:s31+s3] =	stream.linear.scatter [tilespmem:s30], [sflag:$0x1], $0x80, $0x38;
	[tilespmem:$0x1400] =	vst v63  }
0x26b: {  	s16 =	sadd.s32 $0x1390, s12;
	s15 =	sor.u32 $0x700, s13  }
0x26c: {  	(v2sf) =	vpush v0, $0x2;
	[hbm4b:s16+s3] =	stream.linear.scatter [tilespmem:s15], [sflag:$0x1], $0x80, $0x38;
	[tilespmem:$0x1400] =	vst v63  }
0x26d: {  	s17 =	sor.u32 $0x800, s13;
	s18 =	sadd.s32 $0x1410, s12  }
0x26e: {  	[hbm4b:s18+s3] =	stream.linear.scatter [tilespmem:s17], [sflag:$0x1], $0x80, $0x38;
	[tilespmem:$0x1400] =	vst v63  }
0x26f: {  	s19 =	sor.u32 $0x900, s13;
	s20 =	sadd.s32 $0x1490, s12  }
0x270: {  	[hbm4b:s20+s3] =	stream.linear.scatter [tilespmem:s19], [sflag:$0x1], $0x80, $0x38;
	[tilespmem:$0x1400] =	vst v63  }
0x271: {  	s21 =	sor.u32 $0xA00, s13;
	s22 =	sadd.s32 $0x1510, s12  }
0x272: {  	[hbm4b:s22+s3] =	stream.linear.scatter [tilespmem:s21], [sflag:$0x1], $0x80, $0x38;
	[tilespmem:$0x1400] =	vst v63  }
0x273: {  	s23 =	sor.u32 $0xB00, s13;
	s24 =	sadd.s32 $0x1590, s12  }
0x274: {  	[hbm4b:s24+s3] =	stream.linear.scatter [tilespmem:s23], [sflag:$0x1], $0x80, $0x38;
	[tilespmem:$0x1400] =	vst v63  }
0x275: {  	s25 =	sor.u32 $0xC00, s13;
	s26 =	sadd.s32 $0x1610, s12  }
0x276: {  	[hbm4b:s26+s3] =	stream.linear.scatter [tilespmem:s25], [sflag:$0x1], $0x80, $0x38;
	[tilespmem:$0x1400] =	vst v63  }
0x277: {  	s28 =	sor.u32 $0xD00, s13;
	s29 =	sadd.s32 $0x1690, s12  }
0x278: {  	[hbm4b:s29+s3] =	stream.linear.scatter [tilespmem:s28], [sflag:$0x1], $0x80, $0x38;
	[tilespmem:$0x1400] =	vst v63  }
0x279: {  	s30 =	sor.u32 $0xE00, s13;
	s31 =	sadd.s32 $0x1710, s12  }
0x27a: {  	[hbm4b:s31+s3] =	stream.linear.scatter [tilespmem:s30], [sflag:$0x1], $0x80, $0x38;
	[tilespmem:$0x1400] =	vst v63  }
0x27b: {  	s13 =	sor.u32 $0xF00, s13;
	s15 =	sadd.s32 $0x1790, s12;
	s16 =	spop (v2sf)  }
0x27c: {  	[hbm4b:s15+s3] =	stream.linear.scatter [tilespmem:s13], [sflag:$0x1], $0x80, $0x38;
	[tilespmem:$0x1400] =	vst v63  }
0x27d: {  	s17 =	sshll.u32 s16, $0xB;
	s13 =	sshll.u32 s16, $0x7  }
0x27e: {  	s14 =	sand.u32 $0xFFFFF000, s17;
	s13 =	sand.u32 $0x80, s13  }
0x27f: {  	s18 =	sadd.s32 $0x1020, s12;
	s13 =	sor.u32 s13, s14  }
0x280: {  	[hbm4b:s18+s3] =	stream.linear.scatter [tilespmem:s13], [sflag:$0x1], $0x80, $0x38;
	[tilespmem:$0x1400] =	vst v63  }
0x281: {  	s20 =	sadd.s32 $0x10A0, s12;
	s19 =	sor.u32 $0x100, s13  }
0x282: {  	[hbm4b:s20+s3] =	stream.linear.scatter [tilespmem:s19], [sflag:$0x1], $0x80, $0x38;
	[tilespmem:$0x1400] =	vst v63  }
0x283: {  	s22 =	sadd.s32 $0x1120, s12;
	s21 =	sor.u32 $0x200, s13  }
0x284: {  	[hbm4b:s22+s3] =	stream.linear.scatter [tilespmem:s21], [sflag:$0x1], $0x80, $0x38;
	[tilespmem:$0x1400] =	vst v63  }
0x285: {  	s24 =	sadd.s32 $0x11A0, s12;
	s23 =	sor.u32 $0x300, s13  }
0x286: {  	[hbm4b:s24+s3] =	stream.linear.scatter [tilespmem:s23], [sflag:$0x1], $0x80, $0x38;
	[tilespmem:$0x1400] =	vst v63  }
0x287: {  	s26 =	sadd.s32 $0x1220, s12;
	s25 =	sor.u32 $0x400, s13  }
0x288: {  	[hbm4b:s26+s3] =	stream.linear.scatter [tilespmem:s25], [sflag:$0x1], $0x80, $0x38;
	[tilespmem:$0x1400] =	vst v63  }
0x289: {  	s29 =	sadd.s32 $0x12A0, s12;
	s28 =	sor.u32 $0x500, s13  }
0x28a: {  	[hbm4b:s29+s3] =	stream.linear.scatter [tilespmem:s28], [sflag:$0x1], $0x80, $0x38;
	[tilespmem:$0x1400] =	vst v63  }
0x28b: {  	s31 =	sadd.s32 $0x1320, s12;
	s30 =	sor.u32 $0x600, s13  }
0x28c: {  	[hbm4b:s31+s3] =	stream.linear.scatter [tilespmem:s30], [sflag:$0x1], $0x80, $0x38;
	[tilespmem:$0x1400] =	vst v63  }
0x28d: {  	s16 =	sadd.s32 $0x13A0, s12;
	s15 =	sor.u32 $0x700, s13  }
0x28e: {  	(v2sf) =	vpush v0, $0x3;
	[hbm4b:s16+s3] =	stream.linear.scatter [tilespmem:s15], [sflag:$0x1], $0x80, $0x38;
	[tilespmem:$0x1400] =	vst v63  }
0x28f: {  	s17 =	sor.u32 $0x800, s13;
	s18 =	sadd.s32 $0x1420, s12  }
0x290: {  	[hbm4b:s18+s3] =	stream.linear.scatter [tilespmem:s17], [sflag:$0x1], $0x80, $0x38;
	[tilespmem:$0x1400] =	vst v63  }
0x291: {  	s19 =	sor.u32 $0x900, s13;
	s20 =	sadd.s32 $0x14A0, s12  }
0x292: {  	[hbm4b:s20+s3] =	stream.linear.scatter [tilespmem:s19], [sflag:$0x1], $0x80, $0x38;
	[tilespmem:$0x1400] =	vst v63  }
0x293: {  	s21 =	sor.u32 $0xA00, s13;
	s22 =	sadd.s32 $0x1520, s12  }
0x294: {  	[hbm4b:s22+s3] =	stream.linear.scatter [tilespmem:s21], [sflag:$0x1], $0x80, $0x38;
	[tilespmem:$0x1400] =	vst v63  }
0x295: {  	s23 =	sor.u32 $0xB00, s13;
	s24 =	sadd.s32 $0x15A0, s12  }
0x296: {  	[hbm4b:s24+s3] =	stream.linear.scatter [tilespmem:s23], [sflag:$0x1], $0x80, $0x38;
	[tilespmem:$0x1400] =	vst v63  }
0x297: {  	s25 =	sor.u32 $0xC00, s13;
	s26 =	sadd.s32 $0x1620, s12  }
0x298: {  	[hbm4b:s26+s3] =	stream.linear.scatter [tilespmem:s25], [sflag:$0x1], $0x80, $0x38;
	[tilespmem:$0x1400] =	vst v63  }
0x299: {  	s28 =	sor.u32 $0xD00, s13;
	s29 =	sadd.s32 $0x16A0, s12  }
0x29a: {  	[hbm4b:s29+s3] =	stream.linear.scatter [tilespmem:s28], [sflag:$0x1], $0x80, $0x38;
	[tilespmem:$0x1400] =	vst v63  }
0x29b: {  	s30 =	sor.u32 $0xE00, s13;
	s31 =	sadd.s32 $0x1720, s12  }
0x29c: {  	[hbm4b:s31+s3] =	stream.linear.scatter [tilespmem:s30], [sflag:$0x1], $0x80, $0x38;
	[tilespmem:$0x1400] =	vst v63  }
0x29d: {  	s13 =	sor.u32 $0xF00, s13;
	s15 =	sadd.s32 $0x17A0, s12;
	s16 =	spop (v2sf)  }
0x29e: {  	[hbm4b:s15+s3] =	stream.linear.scatter [tilespmem:s13], [sflag:$0x1], $0x80, $0x38;
	[tilespmem:$0x1400] =	vst v63  }
0x29f: {  	s17 =	sshll.u32 s16, $0xB;
	s13 =	sshll.u32 s16, $0x7  }
0x2a0: {  	s14 =	sand.u32 $0xFFFFF000, s17;
	s13 =	sand.u32 $0x80, s13  }
0x2a1: {  	s18 =	sadd.s32 $0x1030, s12;
	s13 =	sor.u32 s13, s14  }
0x2a2: {  	[hbm4b:s18+s3] =	stream.linear.scatter [tilespmem:s13], [sflag:$0x1], $0x80, $0x38;
	[tilespmem:$0x1400] =	vst v63  }
0x2a3: {  	s20 =	sadd.s32 $0x10B0, s12;
	s19 =	sor.u32 $0x100, s13  }
0x2a4: {  	[hbm4b:s20+s3] =	stream.linear.scatter [tilespmem:s19], [sflag:$0x1], $0x80, $0x38;
	[tilespmem:$0x1400] =	vst v63  }
0x2a5: {  	s22 =	sadd.s32 $0x1130, s12;
	s21 =	sor.u32 $0x200, s13  }
0x2a6: {  	[hbm4b:s22+s3] =	stream.linear.scatter [tilespmem:s21], [sflag:$0x1], $0x80, $0x38;
	[tilespmem:$0x1400] =	vst v63  }
0x2a7: {  	s24 =	sadd.s32 $0x11B0, s12;
	s23 =	sor.u32 $0x300, s13  }
0x2a8: {  	[hbm4b:s24+s3] =	stream.linear.scatter [tilespmem:s23], [sflag:$0x1], $0x80, $0x38;
	[tilespmem:$0x1400] =	vst v63  }
0x2a9: {  	s26 =	sadd.s32 $0x1230, s12;
	s25 =	sor.u32 $0x400, s13  }
0x2aa: {  	[hbm4b:s26+s3] =	stream.linear.scatter [tilespmem:s25], [sflag:$0x1], $0x80, $0x38;
	[tilespmem:$0x1400] =	vst v63  }
0x2ab: {  	s29 =	sadd.s32 $0x12B0, s12;
	s28 =	sor.u32 $0x500, s13  }
0x2ac: {  	[hbm4b:s29+s3] =	stream.linear.scatter [tilespmem:s28], [sflag:$0x1], $0x80, $0x38;
	[tilespmem:$0x1400] =	vst v63  }
0x2ad: {  	s31 =	sadd.s32 $0x1330, s12;
	s30 =	sor.u32 $0x600, s13  }
0x2ae: {  	[hbm4b:s31+s3] =	stream.linear.scatter [tilespmem:s30], [sflag:$0x1], $0x80, $0x38;
	[tilespmem:$0x1400] =	vst v63  }
0x2af: {  	s16 =	sadd.s32 $0x13B0, s12;
	s15 =	sor.u32 $0x700, s13  }
0x2b0: {  	(v2sf) =	vpush v0, $0x4;
	[hbm4b:s16+s3] =	stream.linear.scatter [tilespmem:s15], [sflag:$0x1], $0x80, $0x38;
	[tilespmem:$0x1400] =	vst v63  }
0x2b1: {  	s17 =	sor.u32 $0x800, s13;
	s18 =	sadd.s32 $0x1430, s12  }
0x2b2: {  	[hbm4b:s18+s3] =	stream.linear.scatter [tilespmem:s17], [sflag:$0x1], $0x80, $0x38;
	[tilespmem:$0x1400] =	vst v63  }
0x2b3: {  	s19 =	sor.u32 $0x900, s13;
	s20 =	sadd.s32 $0x14B0, s12  }
0x2b4: {  	[hbm4b:s20+s3] =	stream.linear.scatter [tilespmem:s19], [sflag:$0x1], $0x80, $0x38;
	[tilespmem:$0x1400] =	vst v63  }
0x2b5: {  	s21 =	sor.u32 $0xA00, s13;
	s22 =	sadd.s32 $0x1530, s12  }
0x2b6: {  	[hbm4b:s22+s3] =	stream.linear.scatter [tilespmem:s21], [sflag:$0x1], $0x80, $0x38;
	[tilespmem:$0x1400] =	vst v63  }
0x2b7: {  	s23 =	sor.u32 $0xB00, s13;
	s24 =	sadd.s32 $0x15B0, s12  }
0x2b8: {  	[hbm4b:s24+s3] =	stream.linear.scatter [tilespmem:s23], [sflag:$0x1], $0x80, $0x38;
	[tilespmem:$0x1400] =	vst v63  }
0x2b9: {  	s25 =	sor.u32 $0xC00, s13;
	s26 =	sadd.s32 $0x1630, s12  }
0x2ba: {  	[hbm4b:s26+s3] =	stream.linear.scatter [tilespmem:s25], [sflag:$0x1], $0x80, $0x38;
	[tilespmem:$0x1400] =	vst v63  }
0x2bb: {  	s28 =	sor.u32 $0xD00, s13;
	s29 =	sadd.s32 $0x16B0, s12  }
0x2bc: {  	[hbm4b:s29+s3] =	stream.linear.scatter [tilespmem:s28], [sflag:$0x1], $0x80, $0x38;
	[tilespmem:$0x1400] =	vst v63  }
0x2bd: {  	s30 =	sor.u32 $0xE00, s13;
	s31 =	sadd.s32 $0x1730, s12  }
0x2be: {  	[hbm4b:s31+s3] =	stream.linear.scatter [tilespmem:s30], [sflag:$0x1], $0x80, $0x38;
	[tilespmem:$0x1400] =	vst v63  }
0x2bf: {  	s13 =	sor.u32 $0xF00, s13;
	s15 =	sadd.s32 $0x17B0, s12;
	s16 =	spop (v2sf)  }
0x2c0: {  	[hbm4b:s15+s3] =	stream.linear.scatter [tilespmem:s13], [sflag:$0x1], $0x80, $0x38;
	[tilespmem:$0x1400] =	vst v63  }
0x2c1: {  	s17 =	sshll.u32 s16, $0xB;
	s13 =	sshll.u32 s16, $0x7  }
0x2c2: {  	s14 =	sand.u32 $0xFFFFF000, s17;
	s13 =	sand.u32 $0x80, s13  }
0x2c3: {  	s18 =	sadd.s32 $0x1040, s12;
	s13 =	sor.u32 s13, s14  }
0x2c4: {  	[hbm4b:s18+s3] =	stream.linear.scatter [tilespmem:s13], [sflag:$0x1], $0x80, $0x38;
	[tilespmem:$0x1400] =	vst v63  }
0x2c5: {  	s20 =	sadd.s32 $0x10C0, s12;
	s19 =	sor.u32 $0x100, s13  }
0x2c6: {  	[hbm4b:s20+s3] =	stream.linear.scatter [tilespmem:s19], [sflag:$0x1], $0x80, $0x38;
	[tilespmem:$0x1400] =	vst v63  }
0x2c7: {  	s22 =	sadd.s32 $0x1140, s12;
	s21 =	sor.u32 $0x200, s13  }
0x2c8: {  	[hbm4b:s22+s3] =	stream.linear.scatter [tilespmem:s21], [sflag:$0x1], $0x80, $0x38;
	[tilespmem:$0x1400] =	vst v63  }
0x2c9: {  	s24 =	sadd.s32 $0x11C0, s12;
	s23 =	sor.u32 $0x300, s13  }
0x2ca: {  	[hbm4b:s24+s3] =	stream.linear.scatter [tilespmem:s23], [sflag:$0x1], $0x80, $0x38;
	[tilespmem:$0x1400] =	vst v63  }
0x2cb: {  	s26 =	sadd.s32 $0x1240, s12;
	s25 =	sor.u32 $0x400, s13  }
0x2cc: {  	[hbm4b:s26+s3] =	stream.linear.scatter [tilespmem:s25], [sflag:$0x1], $0x80, $0x38;
	[tilespmem:$0x1400] =	vst v63  }
0x2cd: {  	s29 =	sadd.s32 $0x12C0, s12;
	s28 =	sor.u32 $0x500, s13  }
0x2ce: {  	[hbm4b:s29+s3] =	stream.linear.scatter [tilespmem:s28], [sflag:$0x1], $0x80, $0x38;
	[tilespmem:$0x1400] =	vst v63  }
0x2cf: {  	s31 =	sadd.s32 $0x1340, s12;
	s30 =	sor.u32 $0x600, s13  }
0x2d0: {  	[hbm4b:s31+s3] =	stream.linear.scatter [tilespmem:s30], [sflag:$0x1], $0x80, $0x38;
	[tilespmem:$0x1400] =	vst v63  }
0x2d1: {  	s16 =	sadd.s32 $0x13C0, s12;
	s15 =	sor.u32 $0x700, s13  }
0x2d2: {  	(v2sf) =	vpush v0, $0x5;
	[hbm4b:s16+s3] =	stream.linear.scatter [tilespmem:s15], [sflag:$0x1], $0x80, $0x38;
	[tilespmem:$0x1400] =	vst v63  }
0x2d3: {  	s17 =	sor.u32 $0x800, s13;
	s18 =	sadd.s32 $0x1440, s12  }
0x2d4: {  	[hbm4b:s18+s3] =	stream.linear.scatter [tilespmem:s17], [sflag:$0x1], $0x80, $0x38;
	[tilespmem:$0x1400] =	vst v63  }
0x2d5: {  	s19 =	sor.u32 $0x900, s13;
	s20 =	sadd.s32 $0x14C0, s12  }
0x2d6: {  	[hbm4b:s20+s3] =	stream.linear.scatter [tilespmem:s19], [sflag:$0x1], $0x80, $0x38;
	[tilespmem:$0x1400] =	vst v63  }
0x2d7: {  	s21 =	sor.u32 $0xA00, s13;
	s22 =	sadd.s32 $0x1540, s12  }
0x2d8: {  	[hbm4b:s22+s3] =	stream.linear.scatter [tilespmem:s21], [sflag:$0x1], $0x80, $0x38;
	[tilespmem:$0x1400] =	vst v63  }
0x2d9: {  	s23 =	sor.u32 $0xB00, s13;
	s24 =	sadd.s32 $0x15C0, s12  }
0x2da: {  	[hbm4b:s24+s3] =	stream.linear.scatter [tilespmem:s23], [sflag:$0x1], $0x80, $0x38;
	[tilespmem:$0x1400] =	vst v63  }
0x2db: {  	s25 =	sor.u32 $0xC00, s13;
	s26 =	sadd.s32 $0x1640, s12  }
0x2dc: {  	[hbm4b:s26+s3] =	stream.linear.scatter [tilespmem:s25], [sflag:$0x1], $0x80, $0x38;
	[tilespmem:$0x1400] =	vst v63  }
0x2dd: {  	s28 =	sor.u32 $0xD00, s13;
	s29 =	sadd.s32 $0x16C0, s12  }
0x2de: {  	[hbm4b:s29+s3] =	stream.linear.scatter [tilespmem:s28], [sflag:$0x1], $0x80, $0x38;
	[tilespmem:$0x1400] =	vst v63  }
0x2df: {  	s30 =	sor.u32 $0xE00, s13;
	s31 =	sadd.s32 $0x1740, s12  }
0x2e0: {  	[hbm4b:s31+s3] =	stream.linear.scatter [tilespmem:s30], [sflag:$0x1], $0x80, $0x38;
	[tilespmem:$0x1400] =	vst v63  }
0x2e1: {  	s13 =	sor.u32 $0xF00, s13;
	s15 =	sadd.s32 $0x17C0, s12;
	s16 =	spop (v2sf)  }
0x2e2: {  	[hbm4b:s15+s3] =	stream.linear.scatter [tilespmem:s13], [sflag:$0x1], $0x80, $0x38;
	[tilespmem:$0x1400] =	vst v63  }
0x2e3: {  	s17 =	sshll.u32 s16, $0xB;
	s13 =	sshll.u32 s16, $0x7  }
0x2e4: {  	s14 =	sand.u32 $0xFFFFF000, s17;
	s13 =	sand.u32 $0x80, s13  }
0x2e5: {  	s18 =	sadd.s32 $0x1050, s12;
	s13 =	sor.u32 s13, s14  }
0x2e6: {  	[hbm4b:s18+s3] =	stream.linear.scatter [tilespmem:s13], [sflag:$0x1], $0x80, $0x38;
	[tilespmem:$0x1400] =	vst v63  }
0x2e7: {  	s20 =	sadd.s32 $0x10D0, s12;
	s19 =	sor.u32 $0x100, s13  }
0x2e8: {  	[hbm4b:s20+s3] =	stream.linear.scatter [tilespmem:s19], [sflag:$0x1], $0x80, $0x38;
	[tilespmem:$0x1400] =	vst v63  }
0x2e9: {  	s22 =	sadd.s32 $0x1150, s12;
	s21 =	sor.u32 $0x200, s13  }
0x2ea: {  	[hbm4b:s22+s3] =	stream.linear.scatter [tilespmem:s21], [sflag:$0x1], $0x80, $0x38;
	[tilespmem:$0x1400] =	vst v63  }
0x2eb: {  	s24 =	sadd.s32 $0x11D0, s12;
	s23 =	sor.u32 $0x300, s13  }
0x2ec: {  	[hbm4b:s24+s3] =	stream.linear.scatter [tilespmem:s23], [sflag:$0x1], $0x80, $0x38;
	[tilespmem:$0x1400] =	vst v63  }
0x2ed: {  	s26 =	sadd.s32 $0x1250, s12;
	s25 =	sor.u32 $0x400, s13  }
0x2ee: {  	[hbm4b:s26+s3] =	stream.linear.scatter [tilespmem:s25], [sflag:$0x1], $0x80, $0x38;
	[tilespmem:$0x1400] =	vst v63  }
0x2ef: {  	s29 =	sadd.s32 $0x12D0, s12;
	s28 =	sor.u32 $0x500, s13  }
0x2f0: {  	[hbm4b:s29+s3] =	stream.linear.scatter [tilespmem:s28], [sflag:$0x1], $0x80, $0x38;
	[tilespmem:$0x1400] =	vst v63  }
0x2f1: {  	s31 =	sadd.s32 $0x1350, s12;
	s30 =	sor.u32 $0x600, s13  }
0x2f2: {  	[hbm4b:s31+s3] =	stream.linear.scatter [tilespmem:s30], [sflag:$0x1], $0x80, $0x38;
	[tilespmem:$0x1400] =	vst v63  }
0x2f3: {  	s16 =	sadd.s32 $0x13D0, s12;
	s15 =	sor.u32 $0x700, s13  }
0x2f4: {  	(v2sf) =	vpush v0, $0x6;
	[hbm4b:s16+s3] =	stream.linear.scatter [tilespmem:s15], [sflag:$0x1], $0x80, $0x38;
	[tilespmem:$0x1400] =	vst v63  }
0x2f5: {  	s17 =	sor.u32 $0x800, s13;
	s18 =	sadd.s32 $0x1450, s12  }
0x2f6: {  	[hbm4b:s18+s3] =	stream.linear.scatter [tilespmem:s17], [sflag:$0x1], $0x80, $0x38;
	[tilespmem:$0x1400] =	vst v63  }
0x2f7: {  	s19 =	sor.u32 $0x900, s13;
	s20 =	sadd.s32 $0x14D0, s12  }
0x2f8: {  	[hbm4b:s20+s3] =	stream.linear.scatter [tilespmem:s19], [sflag:$0x1], $0x80, $0x38;
	[tilespmem:$0x1400] =	vst v63  }
0x2f9: {  	s21 =	sor.u32 $0xA00, s13;
	s22 =	sadd.s32 $0x1550, s12  }
0x2fa: {  	[hbm4b:s22+s3] =	stream.linear.scatter [tilespmem:s21], [sflag:$0x1], $0x80, $0x38;
	[tilespmem:$0x1400] =	vst v63  }
0x2fb: {  	s23 =	sor.u32 $0xB00, s13;
	s24 =	sadd.s32 $0x15D0, s12  }
0x2fc: {  	[hbm4b:s24+s3] =	stream.linear.scatter [tilespmem:s23], [sflag:$0x1], $0x80, $0x38;
	[tilespmem:$0x1400] =	vst v63  }
0x2fd: {  	s25 =	sor.u32 $0xC00, s13;
	s26 =	sadd.s32 $0x1650, s12  }
0x2fe: {  	[hbm4b:s26+s3] =	stream.linear.scatter [tilespmem:s25], [sflag:$0x1], $0x80, $0x38;
	[tilespmem:$0x1400] =	vst v63  }
0x2ff: {  	s28 =	sor.u32 $0xD00, s13;
	s29 =	sadd.s32 $0x16D0, s12  }
0x300: {  	[hbm4b:s29+s3] =	stream.linear.scatter [tilespmem:s28], [sflag:$0x1], $0x80, $0x38;
	[tilespmem:$0x1400] =	vst v63  }
0x301: {  	s30 =	sor.u32 $0xE00, s13;
	s31 =	sadd.s32 $0x1750, s12  }
0x302: {  	[hbm4b:s31+s3] =	stream.linear.scatter [tilespmem:s30], [sflag:$0x1], $0x80, $0x38;
	[tilespmem:$0x1400] =	vst v63  }
0x303: {  	s13 =	sor.u32 $0xF00, s13;
	s15 =	sadd.s32 $0x17D0, s12;
	s16 =	spop (v2sf)  }
0x304: {  	[hbm4b:s15+s3] =	stream.linear.scatter [tilespmem:s13], [sflag:$0x1], $0x80, $0x38;
	[tilespmem:$0x1400] =	vst v63  }
0x305: {  	s17 =	sshll.u32 s16, $0xB;
	s13 =	sshll.u32 s16, $0x7  }
0x306: {  	s14 =	sand.u32 $0xFFFFF000, s17;
	s13 =	sand.u32 $0x80, s13  }
0x307: {  	s18 =	sadd.s32 $0x1060, s12;
	s13 =	sor.u32 s13, s14  }
0x308: {  	[hbm4b:s18+s3] =	stream.linear.scatter [tilespmem:s13], [sflag:$0x1], $0x80, $0x38;
	[tilespmem:$0x1400] =	vst v63  }
0x309: {  	s20 =	sadd.s32 $0x10E0, s12;
	s19 =	sor.u32 $0x100, s13  }
0x30a: {  	[hbm4b:s20+s3] =	stream.linear.scatter [tilespmem:s19], [sflag:$0x1], $0x80, $0x38;
	[tilespmem:$0x1400] =	vst v63  }
0x30b: {  	s22 =	sadd.s32 $0x1160, s12;
	s21 =	sor.u32 $0x200, s13  }
0x30c: {  	[hbm4b:s22+s3] =	stream.linear.scatter [tilespmem:s21], [sflag:$0x1], $0x80, $0x38;
	[tilespmem:$0x1400] =	vst v63  }
0x30d: {  	s24 =	sadd.s32 $0x11E0, s12;
	s23 =	sor.u32 $0x300, s13  }
0x30e: {  	[hbm4b:s24+s3] =	stream.linear.scatter [tilespmem:s23], [sflag:$0x1], $0x80, $0x38;
	[tilespmem:$0x1400] =	vst v63  }
0x30f: {  	s26 =	sadd.s32 $0x1260, s12;
	s25 =	sor.u32 $0x400, s13  }
0x310: {  	[hbm4b:s26+s3] =	stream.linear.scatter [tilespmem:s25], [sflag:$0x1], $0x80, $0x38;
	[tilespmem:$0x1400] =	vst v63  }
0x311: {  	s29 =	sadd.s32 $0x12E0, s12;
	s28 =	sor.u32 $0x500, s13  }
0x312: {  	[hbm4b:s29+s3] =	stream.linear.scatter [tilespmem:s28], [sflag:$0x1], $0x80, $0x38;
	[tilespmem:$0x1400] =	vst v63  }
0x313: {  	s31 =	sadd.s32 $0x1360, s12;
	s30 =	sor.u32 $0x600, s13  }
0x314: {  	[hbm4b:s31+s3] =	stream.linear.scatter [tilespmem:s30], [sflag:$0x1], $0x80, $0x38;
	[tilespmem:$0x1400] =	vst v63  }
0x315: {  	s16 =	sadd.s32 $0x13E0, s12;
	s15 =	sor.u32 $0x700, s13  }
0x316: {  	(v2sf) =	vpush v0, $0x7;
	[hbm4b:s16+s3] =	stream.linear.scatter [tilespmem:s15], [sflag:$0x1], $0x80, $0x38;
	[tilespmem:$0x1400] =	vst v63  }
0x317: {  	s17 =	sor.u32 $0x800, s13;
	s18 =	sadd.s32 $0x1460, s12  }
0x318: {  	[hbm4b:s18+s3] =	stream.linear.scatter [tilespmem:s17], [sflag:$0x1], $0x80, $0x38;
	[tilespmem:$0x1400] =	vst v63  }
0x319: {  	s19 =	sor.u32 $0x900, s13;
	s20 =	sadd.s32 $0x14E0, s12  }
0x31a: {  	[hbm4b:s20+s3] =	stream.linear.scatter [tilespmem:s19], [sflag:$0x1], $0x80, $0x38;
	[tilespmem:$0x1400] =	vst v63  }
0x31b: {  	s21 =	sor.u32 $0xA00, s13;
	s22 =	sadd.s32 $0x1560, s12  }
0x31c: {  	[hbm4b:s22+s3] =	stream.linear.scatter [tilespmem:s21], [sflag:$0x1], $0x80, $0x38;
	[tilespmem:$0x1400] =	vst v63  }
0x31d: {  	s23 =	sor.u32 $0xB00, s13;
	s24 =	sadd.s32 $0x15E0, s12  }
0x31e: {  	[hbm4b:s24+s3] =	stream.linear.scatter [tilespmem:s23], [sflag:$0x1], $0x80, $0x38;
	[tilespmem:$0x1400] =	vst v63  }
0x31f: {  	s25 =	sor.u32 $0xC00, s13;
	s26 =	sadd.s32 $0x1660, s12  }
0x320: {  	[hbm4b:s26+s3] =	stream.linear.scatter [tilespmem:s25], [sflag:$0x1], $0x80, $0x38;
	[tilespmem:$0x1400] =	vst v63  }
0x321: {  	s28 =	sor.u32 $0xD00, s13;
	s29 =	sadd.s32 $0x16E0, s12  }
0x322: {  	[hbm4b:s29+s3] =	stream.linear.scatter [tilespmem:s28], [sflag:$0x1], $0x80, $0x38;
	[tilespmem:$0x1400] =	vst v63  }
0x323: {  	s30 =	sor.u32 $0xE00, s13;
	s31 =	sadd.s32 $0x1760, s12  }
0x324: {  	[hbm4b:s31+s3] =	stream.linear.scatter [tilespmem:s30], [sflag:$0x1], $0x80, $0x38;
	[tilespmem:$0x1400] =	vst v63  }
0x325: {  	s13 =	sor.u32 $0xF00, s13;
	s15 =	sadd.s32 $0x17E0, s12;
	s16 =	spop (v2sf)  }
0x326: {  	[hbm4b:s15+s3] =	stream.linear.scatter [tilespmem:s13], [sflag:$0x1], $0x80, $0x38;
	[tilespmem:$0x1400] =	vst v63  }
0x327: {  	s17 =	sshll.u32 s16, $0xB;
	s13 =	sshll.u32 s16, $0x7  }
0x328: {  	s14 =	sand.u32 $0xFFFFF000, s17;
	s13 =	sand.u32 $0x80, s13  }
0x329: {  	s18 =	sadd.s32 $0x1070, s12;
	s13 =	sor.u32 s13, s14  }
0x32a: {  	[hbm4b:s18+s3] =	stream.linear.scatter [tilespmem:s13], [sflag:$0x1], $0x80, $0x38;
	[tilespmem:$0x1400] =	vst v63  }
0x32b: {  	s20 =	sadd.s32 $0x10F0, s12;
	s19 =	sor.u32 $0x100, s13  }
0x32c: {  	[hbm4b:s20+s3] =	stream.linear.scatter [tilespmem:s19], [sflag:$0x1], $0x80, $0x38;
	[tilespmem:$0x1400] =	vst v63  }
0x32d: {  	s22 =	sadd.s32 $0x1170, s12;
	s21 =	sor.u32 $0x200, s13  }
0x32e: {  	[hbm4b:s22+s3] =	stream.linear.scatter [tilespmem:s21], [sflag:$0x1], $0x80, $0x38;
	[tilespmem:$0x1400] =	vst v63  }
0x32f: {  	s24 =	sadd.s32 $0x11F0, s12;
	s23 =	sor.u32 $0x300, s13  }
0x330: {  	[hbm4b:s24+s3] =	stream.linear.scatter [tilespmem:s23], [sflag:$0x1], $0x80, $0x38;
	[tilespmem:$0x1400] =	vst v63  }
0x331: {  	s26 =	sadd.s32 $0x1270, s12;
	s25 =	sor.u32 $0x400, s13  }
0x332: {  	[hbm4b:s26+s3] =	stream.linear.scatter [tilespmem:s25], [sflag:$0x1], $0x80, $0x38;
	[tilespmem:$0x1400] =	vst v63  }
0x333: {  	s29 =	sadd.s32 $0x12F0, s12;
	s28 =	sor.u32 $0x500, s13  }
0x334: {  	[hbm4b:s29+s3] =	stream.linear.scatter [tilespmem:s28], [sflag:$0x1], $0x80, $0x38;
	[tilespmem:$0x1400] =	vst v63  }
0x335: {  	s31 =	sadd.s32 $0x1370, s12;
	s30 =	sor.u32 $0x600, s13  }
0x336: {  	[hbm4b:s31+s3] =	stream.linear.scatter [tilespmem:s30], [sflag:$0x1], $0x80, $0x38;
	[tilespmem:$0x1400] =	vst v63  }
0x337: {  	s16 =	sadd.s32 $0x13F0, s12;
	s15 =	sor.u32 $0x700, s13  }
0x338: {  	(v2sf) =	vpush v0, $0x8;
	[hbm4b:s16+s3] =	stream.linear.scatter [tilespmem:s15], [sflag:$0x1], $0x80, $0x38;
	[tilespmem:$0x1400] =	vst v63  }
0x339: {  	s17 =	sor.u32 $0x800, s13;
	s18 =	sadd.s32 $0x1470, s12  }
0x33a: {  	[hbm4b:s18+s3] =	stream.linear.scatter [tilespmem:s17], [sflag:$0x1], $0x80, $0x38;
	[tilespmem:$0x1400] =	vst v63  }
0x33b: {  	s19 =	sor.u32 $0x900, s13;
	s20 =	sadd.s32 $0x14F0, s12  }
0x33c: {  	[hbm4b:s20+s3] =	stream.linear.scatter [tilespmem:s19], [sflag:$0x1], $0x80, $0x38;
	[tilespmem:$0x1400] =	vst v63  }
0x33d: {  	s21 =	sor.u32 $0xA00, s13;
	s22 =	sadd.s32 $0x1570, s12  }
0x33e: {  	[hbm4b:s22+s3] =	stream.linear.scatter [tilespmem:s21], [sflag:$0x1], $0x80, $0x38;
	[tilespmem:$0x1400] =	vst v63  }
0x33f: {  	s23 =	sor.u32 $0xB00, s13;
	s24 =	sadd.s32 $0x15F0, s12  }
0x340: {  	[hbm4b:s24+s3] =	stream.linear.scatter [tilespmem:s23], [sflag:$0x1], $0x80, $0x38;
	[tilespmem:$0x1400] =	vst v63  }
0x341: {  	s25 =	sor.u32 $0xC00, s13;
	s26 =	sadd.s32 $0x1670, s12  }
0x342: {  	[hbm4b:s26+s3] =	stream.linear.scatter [tilespmem:s25], [sflag:$0x1], $0x80, $0x38;
	[tilespmem:$0x1400] =	vst v63  }
0x343: {  	s28 =	sor.u32 $0xD00, s13;
	s29 =	sadd.s32 $0x16F0, s12  }
0x344: {  	[hbm4b:s29+s3] =	stream.linear.scatter [tilespmem:s28], [sflag:$0x1], $0x80, $0x38;
	[tilespmem:$0x1400] =	vst v63  }
0x345: {  	s30 =	sor.u32 $0xE00, s13;
	s31 =	sadd.s32 $0x1770, s12  }
0x346: {  	[hbm4b:s31+s3] =	stream.linear.scatter [tilespmem:s30], [sflag:$0x1], $0x80, $0x38;
	[tilespmem:$0x1400] =	vst v63  }
0x347: {  	s13 =	sor.u32 $0xF00, s13;
	s15 =	sadd.s32 $0x17F0, s12;
	s16 =	spop (v2sf)  }
0x348: {  	[hbm4b:s15+s3] =	stream.linear.scatter [tilespmem:s13], [sflag:$0x1], $0x80, $0x38;
	[tilespmem:$0x1400] =	vst v63  }
0x349: {  	s17 =	sshll.u32 s16, $0xB;
	s13 =	sshll.u32 s16, $0x7  }
0x34a: {  	s14 =	sand.u32 $0xFFFFF000, s17;
	s13 =	sand.u32 $0x80, s13  }
0x34b: {  	s18 =	sadd.s32 $0x1800, s12;
	s13 =	sor.u32 s13, s14  }
0x34c: {  	[hbm4b:s18+s3] =	stream.linear.scatter [tilespmem:s13], [sflag:$0x1], $0x80, $0x38;
	[tilespmem:$0x1400] =	vst v63  }
0x34d: {  	s20 =	sadd.s32 $0x1880, s12;
	s19 =	sor.u32 $0x100, s13  }
0x34e: {  	[hbm4b:s20+s3] =	stream.linear.scatter [tilespmem:s19], [sflag:$0x1], $0x80, $0x38;
	[tilespmem:$0x1400] =	vst v63  }
0x34f: {  	s22 =	sadd.s32 $0x1900, s12;
	s21 =	sor.u32 $0x200, s13  }
0x350: {  	[hbm4b:s22+s3] =	stream.linear.scatter [tilespmem:s21], [sflag:$0x1], $0x80, $0x38;
	[tilespmem:$0x1400] =	vst v63  }
0x351: {  	s24 =	sadd.s32 $0x1980, s12;
	s23 =	sor.u32 $0x300, s13  }
0x352: {  	[hbm4b:s24+s3] =	stream.linear.scatter [tilespmem:s23], [sflag:$0x1], $0x80, $0x38;
	[tilespmem:$0x1400] =	vst v63  }
0x353: {  	s26 =	sadd.s32 $0x1A00, s12;
	s25 =	sor.u32 $0x400, s13  }
0x354: {  	[hbm4b:s26+s3] =	stream.linear.scatter [tilespmem:s25], [sflag:$0x1], $0x80, $0x38;
	[tilespmem:$0x1400] =	vst v63  }
0x355: {  	s29 =	sadd.s32 $0x1A80, s12;
	s28 =	sor.u32 $0x500, s13  }
0x356: {  	[hbm4b:s29+s3] =	stream.linear.scatter [tilespmem:s28], [sflag:$0x1], $0x80, $0x38;
	[tilespmem:$0x1400] =	vst v63  }
0x357: {  	s31 =	sadd.s32 $0x1B00, s12;
	s30 =	sor.u32 $0x600, s13  }
0x358: {  	[hbm4b:s31+s3] =	stream.linear.scatter [tilespmem:s30], [sflag:$0x1], $0x80, $0x38;
	[tilespmem:$0x1400] =	vst v63  }
0x359: {  	s16 =	sadd.s32 $0x1B80, s12;
	s15 =	sor.u32 $0x700, s13  }
0x35a: {  	(v2sf) =	vpush v0, $0x9;
	[hbm4b:s16+s3] =	stream.linear.scatter [tilespmem:s15], [sflag:$0x1], $0x80, $0x38;
	[tilespmem:$0x1400] =	vst v63  }
0x35b: {  	s17 =	sor.u32 $0x800, s13;
	s18 =	sadd.s32 $0x1C00, s12  }
0x35c: {  	[hbm4b:s18+s3] =	stream.linear.scatter [tilespmem:s17], [sflag:$0x1], $0x80, $0x38;
	[tilespmem:$0x1400] =	vst v63  }
0x35d: {  	s19 =	sor.u32 $0x900, s13;
	s20 =	sadd.s32 $0x1C80, s12  }
0x35e: {  	[hbm4b:s20+s3] =	stream.linear.scatter [tilespmem:s19], [sflag:$0x1], $0x80, $0x38;
	[tilespmem:$0x1400] =	vst v63  }
0x35f: {  	s21 =	sor.u32 $0xA00, s13;
	s22 =	sadd.s32 $0x1D00, s12  }
0x360: {  	[hbm4b:s22+s3] =	stream.linear.scatter [tilespmem:s21], [sflag:$0x1], $0x80, $0x38;
	[tilespmem:$0x1400] =	vst v63  }
0x361: {  	s23 =	sor.u32 $0xB00, s13;
	s24 =	sadd.s32 $0x1D80, s12  }
0x362: {  	[hbm4b:s24+s3] =	stream.linear.scatter [tilespmem:s23], [sflag:$0x1], $0x80, $0x38;
	[tilespmem:$0x1400] =	vst v63  }
0x363: {  	s25 =	sor.u32 $0xC00, s13;
	s26 =	sadd.s32 $0x1E00, s12  }
0x364: {  	[hbm4b:s26+s3] =	stream.linear.scatter [tilespmem:s25], [sflag:$0x1], $0x80, $0x38;
	[tilespmem:$0x1400] =	vst v63  }
0x365: {  	s28 =	sor.u32 $0xD00, s13;
	s29 =	sadd.s32 $0x1E80, s12  }
0x366: {  	[hbm4b:s29+s3] =	stream.linear.scatter [tilespmem:s28], [sflag:$0x1], $0x80, $0x38;
	[tilespmem:$0x1400] =	vst v63  }
0x367: {  	s30 =	sor.u32 $0xE00, s13;
	s31 =	sadd.s32 $0x1F00, s12  }
0x368: {  	[hbm4b:s31+s3] =	stream.linear.scatter [tilespmem:s30], [sflag:$0x1], $0x80, $0x38;
	[tilespmem:$0x1400] =	vst v63  }
0x369: {  	s13 =	sor.u32 $0xF00, s13;
	s15 =	sadd.s32 $0x1F80, s12;
	s16 =	spop (v2sf)  }
0x36a: {  	[hbm4b:s15+s3] =	stream.linear.scatter [tilespmem:s13], [sflag:$0x1], $0x80, $0x38;
	[tilespmem:$0x1400] =	vst v63  }
0x36b: {  	s17 =	sshll.u32 s16, $0xB;
	s13 =	sshll.u32 s16, $0x7  }
0x36c: {  	s14 =	sand.u32 $0xFFFFF000, s17;
	s13 =	sand.u32 $0x80, s13  }
0x36d: {  	s18 =	sadd.s32 $0x1810, s12;
	s13 =	sor.u32 s13, s14  }
0x36e: {  	[hbm4b:s18+s3] =	stream.linear.scatter [tilespmem:s13], [sflag:$0x1], $0x80, $0x38;
	[tilespmem:$0x1400] =	vst v63  }
0x36f: {  	s20 =	sadd.s32 $0x1890, s12;
	s19 =	sor.u32 $0x100, s13  }
0x370: {  	[hbm4b:s20+s3] =	stream.linear.scatter [tilespmem:s19], [sflag:$0x1], $0x80, $0x38;
	[tilespmem:$0x1400] =	vst v63  }
0x371: {  	s22 =	sadd.s32 $0x1910, s12;
	s21 =	sor.u32 $0x200, s13  }
0x372: {  	[hbm4b:s22+s3] =	stream.linear.scatter [tilespmem:s21], [sflag:$0x1], $0x80, $0x38;
	[tilespmem:$0x1400] =	vst v63  }
0x373: {  	s24 =	sadd.s32 $0x1990, s12;
	s23 =	sor.u32 $0x300, s13  }
0x374: {  	[hbm4b:s24+s3] =	stream.linear.scatter [tilespmem:s23], [sflag:$0x1], $0x80, $0x38;
	[tilespmem:$0x1400] =	vst v63  }
0x375: {  	s26 =	sadd.s32 $0x1A10, s12;
	s25 =	sor.u32 $0x400, s13  }
0x376: {  	[hbm4b:s26+s3] =	stream.linear.scatter [tilespmem:s25], [sflag:$0x1], $0x80, $0x38;
	[tilespmem:$0x1400] =	vst v63  }
0x377: {  	s29 =	sadd.s32 $0x1A90, s12;
	s28 =	sor.u32 $0x500, s13  }
0x378: {  	[hbm4b:s29+s3] =	stream.linear.scatter [tilespmem:s28], [sflag:$0x1], $0x80, $0x38;
	[tilespmem:$0x1400] =	vst v63  }
0x379: {  	s31 =	sadd.s32 $0x1B10, s12;
	s30 =	sor.u32 $0x600, s13  }
0x37a: {  	[hbm4b:s31+s3] =	stream.linear.scatter [tilespmem:s30], [sflag:$0x1], $0x80, $0x38;
	[tilespmem:$0x1400] =	vst v63  }
0x37b: {  	s16 =	sadd.s32 $0x1B90, s12;
	s15 =	sor.u32 $0x700, s13  }
0x37c: {  	(v2sf) =	vpush v0, $0xA;
	[hbm4b:s16+s3] =	stream.linear.scatter [tilespmem:s15], [sflag:$0x1], $0x80, $0x38;
	[tilespmem:$0x1400] =	vst v63  }
0x37d: {  	s17 =	sor.u32 $0x800, s13;
	s18 =	sadd.s32 $0x1C10, s12  }
0x37e: {  	[hbm4b:s18+s3] =	stream.linear.scatter [tilespmem:s17], [sflag:$0x1], $0x80, $0x38;
	[tilespmem:$0x1400] =	vst v63  }
0x37f: {  	s19 =	sor.u32 $0x900, s13;
	s20 =	sadd.s32 $0x1C90, s12  }
0x380: {  	[hbm4b:s20+s3] =	stream.linear.scatter [tilespmem:s19], [sflag:$0x1], $0x80, $0x38;
	[tilespmem:$0x1400] =	vst v63  }
0x381: {  	s21 =	sor.u32 $0xA00, s13;
	s22 =	sadd.s32 $0x1D10, s12  }
0x382: {  	[hbm4b:s22+s3] =	stream.linear.scatter [tilespmem:s21], [sflag:$0x1], $0x80, $0x38;
	[tilespmem:$0x1400] =	vst v63  }
0x383: {  	s23 =	sor.u32 $0xB00, s13;
	s24 =	sadd.s32 $0x1D90, s12  }
0x384: {  	[hbm4b:s24+s3] =	stream.linear.scatter [tilespmem:s23], [sflag:$0x1], $0x80, $0x38;
	[tilespmem:$0x1400] =	vst v63  }
0x385: {  	s25 =	sor.u32 $0xC00, s13;
	s26 =	sadd.s32 $0x1E10, s12  }
0x386: {  	[hbm4b:s26+s3] =	stream.linear.scatter [tilespmem:s25], [sflag:$0x1], $0x80, $0x38;
	[tilespmem:$0x1400] =	vst v63  }
0x387: {  	s28 =	sor.u32 $0xD00, s13;
	s29 =	sadd.s32 $0x1E90, s12  }
0x388: {  	[hbm4b:s29+s3] =	stream.linear.scatter [tilespmem:s28], [sflag:$0x1], $0x80, $0x38;
	[tilespmem:$0x1400] =	vst v63  }
0x389: {  	s30 =	sor.u32 $0xE00, s13;
	s31 =	sadd.s32 $0x1F10, s12  }
0x38a: {  	[hbm4b:s31+s3] =	stream.linear.scatter [tilespmem:s30], [sflag:$0x1], $0x80, $0x38;
	[tilespmem:$0x1400] =	vst v63  }
0x38b: {  	s13 =	sor.u32 $0xF00, s13;
	s15 =	sadd.s32 $0x1F90, s12;
	s16 =	spop (v2sf)  }
0x38c: {  	[hbm4b:s15+s3] =	stream.linear.scatter [tilespmem:s13], [sflag:$0x1], $0x80, $0x38;
	[tilespmem:$0x1400] =	vst v63  }
0x38d: {  	s17 =	sshll.u32 s16, $0xB;
	s13 =	sshll.u32 s16, $0x7  }
0x38e: {  	s14 =	sand.u32 $0xFFFFF000, s17;
	s13 =	sand.u32 $0x80, s13  }
0x38f: {  	s18 =	sadd.s32 $0x1820, s12;
	s13 =	sor.u32 s13, s14  }
0x390: {  	[hbm4b:s18+s3] =	stream.linear.scatter [tilespmem:s13], [sflag:$0x1], $0x80, $0x38;
	[tilespmem:$0x1400] =	vst v63  }
0x391: {  	s20 =	sadd.s32 $0x18A0, s12;
	s19 =	sor.u32 $0x100, s13  }
0x392: {  	[hbm4b:s20+s3] =	stream.linear.scatter [tilespmem:s19], [sflag:$0x1], $0x80, $0x38;
	[tilespmem:$0x1400] =	vst v63  }
0x393: {  	s22 =	sadd.s32 $0x1920, s12;
	s21 =	sor.u32 $0x200, s13  }
0x394: {  	[hbm4b:s22+s3] =	stream.linear.scatter [tilespmem:s21], [sflag:$0x1], $0x80, $0x38;
	[tilespmem:$0x1400] =	vst v63  }
0x395: {  	s24 =	sadd.s32 $0x19A0, s12;
	s23 =	sor.u32 $0x300, s13  }
0x396: {  	[hbm4b:s24+s3] =	stream.linear.scatter [tilespmem:s23], [sflag:$0x1], $0x80, $0x38;
	[tilespmem:$0x1400] =	vst v63  }
0x397: {  	s26 =	sadd.s32 $0x1A20, s12;
	s25 =	sor.u32 $0x400, s13  }
0x398: {  	[hbm4b:s26+s3] =	stream.linear.scatter [tilespmem:s25], [sflag:$0x1], $0x80, $0x38;
	[tilespmem:$0x1400] =	vst v63  }
0x399: {  	s29 =	sadd.s32 $0x1AA0, s12;
	s28 =	sor.u32 $0x500, s13  }
0x39a: {  	[hbm4b:s29+s3] =	stream.linear.scatter [tilespmem:s28], [sflag:$0x1], $0x80, $0x38;
	[tilespmem:$0x1400] =	vst v63  }
0x39b: {  	s31 =	sadd.s32 $0x1B20, s12;
	s30 =	sor.u32 $0x600, s13  }
0x39c: {  	[hbm4b:s31+s3] =	stream.linear.scatter [tilespmem:s30], [sflag:$0x1], $0x80, $0x38;
	[tilespmem:$0x1400] =	vst v63  }
0x39d: {  	s16 =	sadd.s32 $0x1BA0, s12;
	s15 =	sor.u32 $0x700, s13  }
0x39e: {  	(v2sf) =	vpush v0, $0xB;
	[hbm4b:s16+s3] =	stream.linear.scatter [tilespmem:s15], [sflag:$0x1], $0x80, $0x38;
	[tilespmem:$0x1400] =	vst v63  }
0x39f: {  	s17 =	sor.u32 $0x800, s13;
	s18 =	sadd.s32 $0x1C20, s12  }
0x3a0: {  	[hbm4b:s18+s3] =	stream.linear.scatter [tilespmem:s17], [sflag:$0x1], $0x80, $0x38;
	[tilespmem:$0x1400] =	vst v63  }
0x3a1: {  	s19 =	sor.u32 $0x900, s13;
	s20 =	sadd.s32 $0x1CA0, s12  }
0x3a2: {  	[hbm4b:s20+s3] =	stream.linear.scatter [tilespmem:s19], [sflag:$0x1], $0x80, $0x38;
	[tilespmem:$0x1400] =	vst v63  }
0x3a3: {  	s21 =	sor.u32 $0xA00, s13;
	s22 =	sadd.s32 $0x1D20, s12  }
0x3a4: {  	[hbm4b:s22+s3] =	stream.linear.scatter [tilespmem:s21], [sflag:$0x1], $0x80, $0x38;
	[tilespmem:$0x1400] =	vst v63  }
0x3a5: {  	s23 =	sor.u32 $0xB00, s13;
	s24 =	sadd.s32 $0x1DA0, s12  }
0x3a6: {  	[hbm4b:s24+s3] =	stream.linear.scatter [tilespmem:s23], [sflag:$0x1], $0x80, $0x38;
	[tilespmem:$0x1400] =	vst v63  }
0x3a7: {  	s25 =	sor.u32 $0xC00, s13;
	s26 =	sadd.s32 $0x1E20, s12  }
0x3a8: {  	[hbm4b:s26+s3] =	stream.linear.scatter [tilespmem:s25], [sflag:$0x1], $0x80, $0x38;
	[tilespmem:$0x1400] =	vst v63  }
0x3a9: {  	s28 =	sor.u32 $0xD00, s13;
	s29 =	sadd.s32 $0x1EA0, s12  }
0x3aa: {  	[hbm4b:s29+s3] =	stream.linear.scatter [tilespmem:s28], [sflag:$0x1], $0x80, $0x38;
	[tilespmem:$0x1400] =	vst v63  }
0x3ab: {  	s30 =	sor.u32 $0xE00, s13;
	s31 =	sadd.s32 $0x1F20, s12  }
0x3ac: {  	[hbm4b:s31+s3] =	stream.linear.scatter [tilespmem:s30], [sflag:$0x1], $0x80, $0x38;
	[tilespmem:$0x1400] =	vst v63  }
0x3ad: {  	s13 =	sor.u32 $0xF00, s13;
	s15 =	sadd.s32 $0x1FA0, s12;
	s16 =	spop (v2sf)  }
0x3ae: {  	[hbm4b:s15+s3] =	stream.linear.scatter [tilespmem:s13], [sflag:$0x1], $0x80, $0x38;
	[tilespmem:$0x1400] =	vst v63  }
0x3af: {  	s17 =	sshll.u32 s16, $0xB;
	s13 =	sshll.u32 s16, $0x7  }
0x3b0: {  	s14 =	sand.u32 $0xFFFFF000, s17;
	s13 =	sand.u32 $0x80, s13  }
0x3b1: {  	s18 =	sadd.s32 $0x1830, s12;
	s13 =	sor.u32 s13, s14  }
0x3b2: {  	[hbm4b:s18+s3] =	stream.linear.scatter [tilespmem:s13], [sflag:$0x1], $0x80, $0x38;
	[tilespmem:$0x1400] =	vst v63  }
0x3b3: {  	s20 =	sadd.s32 $0x18B0, s12;
	s19 =	sor.u32 $0x100, s13  }
0x3b4: {  	[hbm4b:s20+s3] =	stream.linear.scatter [tilespmem:s19], [sflag:$0x1], $0x80, $0x38;
	[tilespmem:$0x1400] =	vst v63  }
0x3b5: {  	s22 =	sadd.s32 $0x1930, s12;
	s21 =	sor.u32 $0x200, s13  }
0x3b6: {  	[hbm4b:s22+s3] =	stream.linear.scatter [tilespmem:s21], [sflag:$0x1], $0x80, $0x38;
	[tilespmem:$0x1400] =	vst v63  }
0x3b7: {  	s24 =	sadd.s32 $0x19B0, s12;
	s23 =	sor.u32 $0x300, s13  }
0x3b8: {  	[hbm4b:s24+s3] =	stream.linear.scatter [tilespmem:s23], [sflag:$0x1], $0x80, $0x38;
	[tilespmem:$0x1400] =	vst v63  }
0x3b9: {  	s26 =	sadd.s32 $0x1A30, s12;
	s25 =	sor.u32 $0x400, s13  }
0x3ba: {  	[hbm4b:s26+s3] =	stream.linear.scatter [tilespmem:s25], [sflag:$0x1], $0x80, $0x38;
	[tilespmem:$0x1400] =	vst v63  }
0x3bb: {  	s29 =	sadd.s32 $0x1AB0, s12;
	s28 =	sor.u32 $0x500, s13  }
0x3bc: {  	[hbm4b:s29+s3] =	stream.linear.scatter [tilespmem:s28], [sflag:$0x1], $0x80, $0x38;
	[tilespmem:$0x1400] =	vst v63  }
0x3bd: {  	s31 =	sadd.s32 $0x1B30, s12;
	s30 =	sor.u32 $0x600, s13  }
0x3be: {  	[hbm4b:s31+s3] =	stream.linear.scatter [tilespmem:s30], [sflag:$0x1], $0x80, $0x38;
	[tilespmem:$0x1400] =	vst v63  }
0x3bf: {  	s16 =	sadd.s32 $0x1BB0, s12;
	s15 =	sor.u32 $0x700, s13  }
0x3c0: {  	(v2sf) =	vpush v0, $0xC;
	[hbm4b:s16+s3] =	stream.linear.scatter [tilespmem:s15], [sflag:$0x1], $0x80, $0x38;
	[tilespmem:$0x1400] =	vst v63  }
0x3c1: {  	s17 =	sor.u32 $0x800, s13;
	s18 =	sadd.s32 $0x1C30, s12  }
0x3c2: {  	[hbm4b:s18+s3] =	stream.linear.scatter [tilespmem:s17], [sflag:$0x1], $0x80, $0x38;
	[tilespmem:$0x1400] =	vst v63  }
0x3c3: {  	s19 =	sor.u32 $0x900, s13;
	s20 =	sadd.s32 $0x1CB0, s12  }
0x3c4: {  	[hbm4b:s20+s3] =	stream.linear.scatter [tilespmem:s19], [sflag:$0x1], $0x80, $0x38;
	[tilespmem:$0x1400] =	vst v63  }
0x3c5: {  	s21 =	sor.u32 $0xA00, s13;
	s22 =	sadd.s32 $0x1D30, s12  }
0x3c6: {  	[hbm4b:s22+s3] =	stream.linear.scatter [tilespmem:s21], [sflag:$0x1], $0x80, $0x38;
	[tilespmem:$0x1400] =	vst v63  }
0x3c7: {  	s23 =	sor.u32 $0xB00, s13;
	s24 =	sadd.s32 $0x1DB0, s12  }
0x3c8: {  	[hbm4b:s24+s3] =	stream.linear.scatter [tilespmem:s23], [sflag:$0x1], $0x80, $0x38;
	[tilespmem:$0x1400] =	vst v63  }
0x3c9: {  	s25 =	sor.u32 $0xC00, s13;
	s26 =	sadd.s32 $0x1E30, s12  }
0x3ca: {  	[hbm4b:s26+s3] =	stream.linear.scatter [tilespmem:s25], [sflag:$0x1], $0x80, $0x38;
	[tilespmem:$0x1400] =	vst v63  }
0x3cb: {  	s28 =	sor.u32 $0xD00, s13;
	s29 =	sadd.s32 $0x1EB0, s12  }
0x3cc: {  	[hbm4b:s29+s3] =	stream.linear.scatter [tilespmem:s28], [sflag:$0x1], $0x80, $0x38;
	[tilespmem:$0x1400] =	vst v63  }
0x3cd: {  	s30 =	sor.u32 $0xE00, s13;
	s31 =	sadd.s32 $0x1F30, s12  }
0x3ce: {  	[hbm4b:s31+s3] =	stream.linear.scatter [tilespmem:s30], [sflag:$0x1], $0x80, $0x38;
	[tilespmem:$0x1400] =	vst v63  }
0x3cf: {  	s13 =	sor.u32 $0xF00, s13;
	s15 =	sadd.s32 $0x1FB0, s12;
	s16 =	spop (v2sf)  }
0x3d0: {  	[hbm4b:s15+s3] =	stream.linear.scatter [tilespmem:s13], [sflag:$0x1], $0x80, $0x38;
	[tilespmem:$0x1400] =	vst v63  }
0x3d1: {  	s17 =	sshll.u32 s16, $0xB;
	s13 =	sshll.u32 s16, $0x7  }
0x3d2: {  	s14 =	sand.u32 $0xFFFFF000, s17;
	s13 =	sand.u32 $0x80, s13  }
0x3d3: {  	s18 =	sadd.s32 $0x1840, s12;
	s13 =	sor.u32 s13, s14  }
0x3d4: {  	[hbm4b:s18+s3] =	stream.linear.scatter [tilespmem:s13], [sflag:$0x1], $0x80, $0x38;
	[tilespmem:$0x1400] =	vst v63  }
0x3d5: {  	s20 =	sadd.s32 $0x18C0, s12;
	s19 =	sor.u32 $0x100, s13  }
0x3d6: {  	[hbm4b:s20+s3] =	stream.linear.scatter [tilespmem:s19], [sflag:$0x1], $0x80, $0x38;
	[tilespmem:$0x1400] =	vst v63  }
0x3d7: {  	s22 =	sadd.s32 $0x1940, s12;
	s21 =	sor.u32 $0x200, s13  }
0x3d8: {  	[hbm4b:s22+s3] =	stream.linear.scatter [tilespmem:s21], [sflag:$0x1], $0x80, $0x38;
	[tilespmem:$0x1400] =	vst v63  }
0x3d9: {  	s24 =	sadd.s32 $0x19C0, s12;
	s23 =	sor.u32 $0x300, s13  }
0x3da: {  	[hbm4b:s24+s3] =	stream.linear.scatter [tilespmem:s23], [sflag:$0x1], $0x80, $0x38;
	[tilespmem:$0x1400] =	vst v63  }
0x3db: {  	s26 =	sadd.s32 $0x1A40, s12;
	s25 =	sor.u32 $0x400, s13  }
0x3dc: {  	[hbm4b:s26+s3] =	stream.linear.scatter [tilespmem:s25], [sflag:$0x1], $0x80, $0x38;
	[tilespmem:$0x1400] =	vst v63  }
0x3dd: {  	s29 =	sadd.s32 $0x1AC0, s12;
	s28 =	sor.u32 $0x500, s13  }
0x3de: {  	[hbm4b:s29+s3] =	stream.linear.scatter [tilespmem:s28], [sflag:$0x1], $0x80, $0x38;
	[tilespmem:$0x1400] =	vst v63  }
0x3df: {  	s31 =	sadd.s32 $0x1B40, s12;
	s30 =	sor.u32 $0x600, s13  }
0x3e0: {  	[hbm4b:s31+s3] =	stream.linear.scatter [tilespmem:s30], [sflag:$0x1], $0x80, $0x38;
	[tilespmem:$0x1400] =	vst v63  }
0x3e1: {  	s16 =	sadd.s32 $0x1BC0, s12;
	s15 =	sor.u32 $0x700, s13  }
0x3e2: {  	(v2sf) =	vpush v0, $0xD;
	[hbm4b:s16+s3] =	stream.linear.scatter [tilespmem:s15], [sflag:$0x1], $0x80, $0x38;
	[tilespmem:$0x1400] =	vst v63  }
0x3e3: {  	s17 =	sor.u32 $0x800, s13;
	s18 =	sadd.s32 $0x1C40, s12  }
0x3e4: {  	[hbm4b:s18+s3] =	stream.linear.scatter [tilespmem:s17], [sflag:$0x1], $0x80, $0x38;
	[tilespmem:$0x1400] =	vst v63  }
0x3e5: {  	s19 =	sor.u32 $0x900, s13;
	s20 =	sadd.s32 $0x1CC0, s12  }
0x3e6: {  	[hbm4b:s20+s3] =	stream.linear.scatter [tilespmem:s19], [sflag:$0x1], $0x80, $0x38;
	[tilespmem:$0x1400] =	vst v63  }
0x3e7: {  	s21 =	sor.u32 $0xA00, s13;
	s22 =	sadd.s32 $0x1D40, s12  }
0x3e8: {  	[hbm4b:s22+s3] =	stream.linear.scatter [tilespmem:s21], [sflag:$0x1], $0x80, $0x38;
	[tilespmem:$0x1400] =	vst v63  }
0x3e9: {  	s23 =	sor.u32 $0xB00, s13;
	s24 =	sadd.s32 $0x1DC0, s12  }
0x3ea: {  	[hbm4b:s24+s3] =	stream.linear.scatter [tilespmem:s23], [sflag:$0x1], $0x80, $0x38;
	[tilespmem:$0x1400] =	vst v63  }
0x3eb: {  	s25 =	sor.u32 $0xC00, s13;
	s26 =	sadd.s32 $0x1E40, s12  }
0x3ec: {  	[hbm4b:s26+s3] =	stream.linear.scatter [tilespmem:s25], [sflag:$0x1], $0x80, $0x38;
	[tilespmem:$0x1400] =	vst v63  }
0x3ed: {  	s28 =	sor.u32 $0xD00, s13;
	s29 =	sadd.s32 $0x1EC0, s12  }
0x3ee: {  	[hbm4b:s29+s3] =	stream.linear.scatter [tilespmem:s28], [sflag:$0x1], $0x80, $0x38;
	[tilespmem:$0x1400] =	vst v63  }
0x3ef: {  	s30 =	sor.u32 $0xE00, s13;
	s31 =	sadd.s32 $0x1F40, s12  }
0x3f0: {  	[hbm4b:s31+s3] =	stream.linear.scatter [tilespmem:s30], [sflag:$0x1], $0x80, $0x38;
	[tilespmem:$0x1400] =	vst v63  }
0x3f1: {  	s13 =	sor.u32 $0xF00, s13;
	s15 =	sadd.s32 $0x1FC0, s12;
	s16 =	spop (v2sf)  }
0x3f2: {  	[hbm4b:s15+s3] =	stream.linear.scatter [tilespmem:s13], [sflag:$0x1], $0x80, $0x38;
	[tilespmem:$0x1400] =	vst v63  }
0x3f3: {  	s17 =	sshll.u32 s16, $0xB;
	s13 =	sshll.u32 s16, $0x7  }
0x3f4: {  	s14 =	sand.u32 $0xFFFFF000, s17;
	s13 =	sand.u32 $0x80, s13  }
0x3f5: {  	s18 =	sadd.s32 $0x1850, s12;
	s13 =	sor.u32 s13, s14  }
0x3f6: {  	[hbm4b:s18+s3] =	stream.linear.scatter [tilespmem:s13], [sflag:$0x1], $0x80, $0x38;
	[tilespmem:$0x1400] =	vst v63  }
0x3f7: {  	s20 =	sadd.s32 $0x18D0, s12;
	s19 =	sor.u32 $0x100, s13  }
0x3f8: {  	[hbm4b:s20+s3] =	stream.linear.scatter [tilespmem:s19], [sflag:$0x1], $0x80, $0x38;
	[tilespmem:$0x1400] =	vst v63  }
0x3f9: {  	s22 =	sadd.s32 $0x1950, s12;
	s21 =	sor.u32 $0x200, s13  }
0x3fa: {  	[hbm4b:s22+s3] =	stream.linear.scatter [tilespmem:s21], [sflag:$0x1], $0x80, $0x38;
	[tilespmem:$0x1400] =	vst v63  }
0x3fb: {  	s24 =	sadd.s32 $0x19D0, s12;
	s23 =	sor.u32 $0x300, s13  }
0x3fc: {  	[hbm4b:s24+s3] =	stream.linear.scatter [tilespmem:s23], [sflag:$0x1], $0x80, $0x38;
	[tilespmem:$0x1400] =	vst v63  }
0x3fd: {  	s26 =	sadd.s32 $0x1A50, s12;
	s25 =	sor.u32 $0x400, s13  }
0x3fe: {  	[hbm4b:s26+s3] =	stream.linear.scatter [tilespmem:s25], [sflag:$0x1], $0x80, $0x38;
	[tilespmem:$0x1400] =	vst v63  }
0x3ff: {  	s29 =	sadd.s32 $0x1AD0, s12;
	s28 =	sor.u32 $0x500, s13  }
0x400: {  	[hbm4b:s29+s3] =	stream.linear.scatter [tilespmem:s28], [sflag:$0x1], $0x80, $0x38;
	[tilespmem:$0x1400] =	vst v63  }
0x401: {  	s31 =	sadd.s32 $0x1B50, s12;
	s30 =	sor.u32 $0x600, s13  }
0x402: {  	[hbm4b:s31+s3] =	stream.linear.scatter [tilespmem:s30], [sflag:$0x1], $0x80, $0x38;
	[tilespmem:$0x1400] =	vst v63  }
0x403: {  	s16 =	sadd.s32 $0x1BD0, s12;
	s15 =	sor.u32 $0x700, s13  }
0x404: {  	(v2sf) =	vpush v0, $0xE;
	[hbm4b:s16+s3] =	stream.linear.scatter [tilespmem:s15], [sflag:$0x1], $0x80, $0x38;
	[tilespmem:$0x1400] =	vst v63  }
0x405: {  	s17 =	sor.u32 $0x800, s13;
	s18 =	sadd.s32 $0x1C50, s12  }
0x406: {  	[hbm4b:s18+s3] =	stream.linear.scatter [tilespmem:s17], [sflag:$0x1], $0x80, $0x38;
	[tilespmem:$0x1400] =	vst v63  }
0x407: {  	s19 =	sor.u32 $0x900, s13;
	s20 =	sadd.s32 $0x1CD0, s12  }
0x408: {  	[hbm4b:s20+s3] =	stream.linear.scatter [tilespmem:s19], [sflag:$0x1], $0x80, $0x38;
	[tilespmem:$0x1400] =	vst v63  }
0x409: {  	s21 =	sor.u32 $0xA00, s13;
	s22 =	sadd.s32 $0x1D50, s12  }
0x40a: {  	[hbm4b:s22+s3] =	stream.linear.scatter [tilespmem:s21], [sflag:$0x1], $0x80, $0x38;
	[tilespmem:$0x1400] =	vst v63  }
0x40b: {  	s23 =	sor.u32 $0xB00, s13;
	s24 =	sadd.s32 $0x1DD0, s12  }
0x40c: {  	[hbm4b:s24+s3] =	stream.linear.scatter [tilespmem:s23], [sflag:$0x1], $0x80, $0x38;
	[tilespmem:$0x1400] =	vst v63  }
0x40d: {  	s25 =	sor.u32 $0xC00, s13;
	s26 =	sadd.s32 $0x1E50, s12  }
0x40e: {  	[hbm4b:s26+s3] =	stream.linear.scatter [tilespmem:s25], [sflag:$0x1], $0x80, $0x38;
	[tilespmem:$0x1400] =	vst v63  }
0x40f: {  	s28 =	sor.u32 $0xD00, s13;
	s29 =	sadd.s32 $0x1ED0, s12  }
0x410: {  	[hbm4b:s29+s3] =	stream.linear.scatter [tilespmem:s28], [sflag:$0x1], $0x80, $0x38;
	[tilespmem:$0x1400] =	vst v63  }
0x411: {  	s30 =	sor.u32 $0xE00, s13;
	s31 =	sadd.s32 $0x1F50, s12  }
0x412: {  	[hbm4b:s31+s3] =	stream.linear.scatter [tilespmem:s30], [sflag:$0x1], $0x80, $0x38;
	[tilespmem:$0x1400] =	vst v63  }
0x413: {  	s13 =	sor.u32 $0xF00, s13;
	s15 =	sadd.s32 $0x1FD0, s12;
	s16 =	spop (v2sf)  }
0x414: {  	[hbm4b:s15+s3] =	stream.linear.scatter [tilespmem:s13], [sflag:$0x1], $0x80, $0x38;
	[tilespmem:$0x1400] =	vst v63  }
0x415: {  	s17 =	sshll.u32 s16, $0xB;
	s13 =	sshll.u32 s16, $0x7  }
0x416: {  	s14 =	sand.u32 $0xFFFFF000, s17;
	s13 =	sand.u32 $0x80, s13  }
0x417: {  	s18 =	sadd.s32 $0x1860, s12;
	s13 =	sor.u32 s13, s14  }
0x418: {  	[hbm4b:s18+s3] =	stream.linear.scatter [tilespmem:s13], [sflag:$0x1], $0x80, $0x38;
	[tilespmem:$0x1400] =	vst v63  }
0x419: {  	s20 =	sadd.s32 $0x18E0, s12;
	s19 =	sor.u32 $0x100, s13  }
0x41a: {  	[hbm4b:s20+s3] =	stream.linear.scatter [tilespmem:s19], [sflag:$0x1], $0x80, $0x38;
	[tilespmem:$0x1400] =	vst v63  }
0x41b: {  	s22 =	sadd.s32 $0x1960, s12;
	s21 =	sor.u32 $0x200, s13  }
0x41c: {  	[hbm4b:s22+s3] =	stream.linear.scatter [tilespmem:s21], [sflag:$0x1], $0x80, $0x38;
	[tilespmem:$0x1400] =	vst v63  }
0x41d: {  	s24 =	sadd.s32 $0x19E0, s12;
	s23 =	sor.u32 $0x300, s13  }
0x41e: {  	[hbm4b:s24+s3] =	stream.linear.scatter [tilespmem:s23], [sflag:$0x1], $0x80, $0x38;
	[tilespmem:$0x1400] =	vst v63  }
0x41f: {  	s26 =	sadd.s32 $0x1A60, s12;
	s25 =	sor.u32 $0x400, s13  }
0x420: {  	[hbm4b:s26+s3] =	stream.linear.scatter [tilespmem:s25], [sflag:$0x1], $0x80, $0x38;
	[tilespmem:$0x1400] =	vst v63  }
0x421: {  	s29 =	sadd.s32 $0x1AE0, s12;
	s28 =	sor.u32 $0x500, s13  }
0x422: {  	[hbm4b:s29+s3] =	stream.linear.scatter [tilespmem:s28], [sflag:$0x1], $0x80, $0x38;
	[tilespmem:$0x1400] =	vst v63  }
0x423: {  	s31 =	sadd.s32 $0x1B60, s12;
	s30 =	sor.u32 $0x600, s13  }
0x424: {  	[hbm4b:s31+s3] =	stream.linear.scatter [tilespmem:s30], [sflag:$0x1], $0x80, $0x38;
	[tilespmem:$0x1400] =	vst v63  }
0x425: {  	s16 =	sadd.s32 $0x1BE0, s12;
	s15 =	sor.u32 $0x700, s13  }
0x426: {  	(v2sf) =	vpush v0, $0xF;
	[hbm4b:s16+s3] =	stream.linear.scatter [tilespmem:s15], [sflag:$0x1], $0x80, $0x38;
	[tilespmem:$0x1400] =	vst v63  }
0x427: {  	s17 =	sor.u32 $0x800, s13;
	s18 =	sadd.s32 $0x1C60, s12  }
0x428: {  	[hbm4b:s18+s3] =	stream.linear.scatter [tilespmem:s17], [sflag:$0x1], $0x80, $0x38;
	[tilespmem:$0x1400] =	vst v63  }
0x429: {  	s19 =	sor.u32 $0x900, s13;
	s20 =	sadd.s32 $0x1CE0, s12  }
0x42a: {  	[hbm4b:s20+s3] =	stream.linear.scatter [tilespmem:s19], [sflag:$0x1], $0x80, $0x38;
	[tilespmem:$0x1400] =	vst v63  }
0x42b: {  	s21 =	sor.u32 $0xA00, s13;
	s22 =	sadd.s32 $0x1D60, s12  }
0x42c: {  	[hbm4b:s22+s3] =	stream.linear.scatter [tilespmem:s21], [sflag:$0x1], $0x80, $0x38;
	[tilespmem:$0x1400] =	vst v63  }
0x42d: {  	s23 =	sor.u32 $0xB00, s13;
	s24 =	sadd.s32 $0x1DE0, s12  }
0x42e: {  	[hbm4b:s24+s3] =	stream.linear.scatter [tilespmem:s23], [sflag:$0x1], $0x80, $0x38;
	[tilespmem:$0x1400] =	vst v63  }
0x42f: {  	s25 =	sor.u32 $0xC00, s13;
	s26 =	sadd.s32 $0x1E60, s12  }
0x430: {  	[hbm4b:s26+s3] =	stream.linear.scatter [tilespmem:s25], [sflag:$0x1], $0x80, $0x38;
	[tilespmem:$0x1400] =	vst v63  }
0x431: {  	s28 =	sor.u32 $0xD00, s13;
	s29 =	sadd.s32 $0x1EE0, s12  }
0x432: {  	[hbm4b:s29+s3] =	stream.linear.scatter [tilespmem:s28], [sflag:$0x1], $0x80, $0x38;
	[tilespmem:$0x1400] =	vst v63  }
0x433: {  	s30 =	sor.u32 $0xE00, s13;
	s31 =	sadd.s32 $0x1F60, s12  }
0x434: {  	[hbm4b:s31+s3] =	stream.linear.scatter [tilespmem:s30], [sflag:$0x1], $0x80, $0x38;
	[tilespmem:$0x1400] =	vst v63  }
0x435: {  	s13 =	sor.u32 $0xF00, s13;
	s15 =	sadd.s32 $0x1FE0, s12;
	s16 =	spop (v2sf)  }
0x436: {  	[hbm4b:s15+s3] =	stream.linear.scatter [tilespmem:s13], [sflag:$0x1], $0x80, $0x38;
	[tilespmem:$0x1400] =	vst v63  }
0x437: {  	s17 =	sshll.u32 s16, $0xB;
	s13 =	sshll.u32 s16, $0x7  }
0x438: {  	s14 =	sand.u32 $0xFFFFF000, s17;
	s13 =	sand.u32 $0x80, s13  }
0x439: {  	s18 =	sadd.s32 $0x1870, s12;
	s13 =	sor.u32 s13, s14  }
0x43a: {  	[hbm4b:s18+s3] =	stream.linear.scatter [tilespmem:s13], [sflag:$0x1], $0x80, $0x38;
	[tilespmem:$0x1400] =	vst v63  }
0x43b: {  	s20 =	sadd.s32 $0x18F0, s12;
	s19 =	sor.u32 $0x100, s13  }
0x43c: {  	[hbm4b:s20+s3] =	stream.linear.scatter [tilespmem:s19], [sflag:$0x1], $0x80, $0x38;
	[tilespmem:$0x1400] =	vst v63  }
0x43d: {  	s22 =	sadd.s32 $0x1970, s12;
	s21 =	sor.u32 $0x200, s13  }
0x43e: {  	[hbm4b:s22+s3] =	stream.linear.scatter [tilespmem:s21], [sflag:$0x1], $0x80, $0x38;
	[tilespmem:$0x1400] =	vst v63  }
0x43f: {  	s24 =	sadd.s32 $0x19F0, s12;
	s23 =	sor.u32 $0x300, s13  }
0x440: {  	[hbm4b:s24+s3] =	stream.linear.scatter [tilespmem:s23], [sflag:$0x1], $0x80, $0x38;
	[tilespmem:$0x1400] =	vst v63  }
0x441: {  	s26 =	sadd.s32 $0x1A70, s12;
	s25 =	sor.u32 $0x400, s13  }
0x442: {  	[hbm4b:s26+s3] =	stream.linear.scatter [tilespmem:s25], [sflag:$0x1], $0x80, $0x38;
	[tilespmem:$0x1400] =	vst v63  }
0x443: {  	s29 =	sadd.s32 $0x1AF0, s12;
	s28 =	sor.u32 $0x500, s13  }
0x444: {  	[hbm4b:s29+s3] =	stream.linear.scatter [tilespmem:s28], [sflag:$0x1], $0x80, $0x38;
	[tilespmem:$0x1400] =	vst v63  }
0x445: {  	s31 =	sadd.s32 $0x1B70, s12;
	s30 =	sor.u32 $0x600, s13  }
0x446: {  	[hbm4b:s31+s3] =	stream.linear.scatter [tilespmem:s30], [sflag:$0x1], $0x80, $0x38;
	[tilespmem:$0x1400] =	vst v63  }
0x447: {  	s16 =	sadd.s32 $0x1BF0, s12;
	s15 =	sor.u32 $0x700, s13  }
0x448: {  	[hbm4b:s16+s3] =	stream.linear.scatter [tilespmem:s15], [sflag:$0x1], $0x80, $0x38;
	[tilespmem:$0x1400] =	vst v63  }
0x449: {  	s17 =	sor.u32 $0x800, s13;
	s18 =	sadd.s32 $0x1C70, s12  }
0x44a: {  	[hbm4b:s18+s3] =	stream.linear.scatter [tilespmem:s17], [sflag:$0x1], $0x80, $0x38;
	[tilespmem:$0x1400] =	vst v63  }
0x44b: {  	s19 =	sor.u32 $0x900, s13;
	s20 =	sadd.s32 $0x1CF0, s12  }
0x44c: {  	[hbm4b:s20+s3] =	stream.linear.scatter [tilespmem:s19], [sflag:$0x1], $0x80, $0x38;
	[tilespmem:$0x1400] =	vst v63  }
0x44d: {  	s21 =	sor.u32 $0xA00, s13;
	s22 =	sadd.s32 $0x1D70, s12  }
0x44e: {  	[hbm4b:s22+s3] =	stream.linear.scatter [tilespmem:s21], [sflag:$0x1], $0x80, $0x38;
	[tilespmem:$0x1400] =	vst v63  }
0x44f: {  	s23 =	sor.u32 $0xB00, s13;
	s24 =	sadd.s32 $0x1DF0, s12  }
0x450: {  	[hbm4b:s24+s3] =	stream.linear.scatter [tilespmem:s23], [sflag:$0x1], $0x80, $0x38;
	[tilespmem:$0x1400] =	vst v63  }
0x451: {  	s25 =	sor.u32 $0xC00, s13;
	s26 =	sadd.s32 $0x1E70, s12  }
0x452: {  	[hbm4b:s26+s3] =	stream.linear.scatter [tilespmem:s25], [sflag:$0x1], $0x80, $0x38;
	[tilespmem:$0x1400] =	vst v63  }
0x453: {  	s28 =	sor.u32 $0xD00, s13;
	s29 =	sadd.s32 $0x1EF0, s12  }
0x454: {  	[hbm4b:s29+s3] =	stream.linear.scatter [tilespmem:s28], [sflag:$0x1], $0x80, $0x38;
	[tilespmem:$0x1400] =	vst v63  }
0x455: {  	s30 =	sor.u32 $0xE00, s13;
	s31 =	sadd.s32 $0x1F70, s12  }
0x456: {  	[hbm4b:s31+s3] =	stream.linear.scatter [tilespmem:s30], [sflag:$0x1], $0x80, $0x38;
	[tilespmem:$0x1400] =	vst v63  }
0x457: {  	s13 =	sor.u32 $0xF00, s13;
	s12 =	sadd.s32 $0x1FF0, s12  }
0x458: {  	[hbm4b:s12+s3] =	stream.linear.scatter [tilespmem:s13], [sflag:$0x1], $0x80, $0x38;
	[tilespmem:$0x1400] =	vst v63  }
0x459: {  	_ =	swait.ge [sflag:s8], $0x800  }
0x45a: {  	[sflag:s8] =	ssyncset.done $0x0  }
0x45b: {  	[sflag:s8] =	ssyncadd.s32 $0xFFFFF800  }
0x45c: {  	_ =	swait.ge [sflag:s8], $0x800  }
0x45d: {  	[sflag:s8] =	ssyncset.done $0x0  }
0x45e: {  	[sflag:s8] =	ssyncadd.s32 $0xFFFFF800  }
0x45f: {  	_ =	swait.ge [sflag:s8], $0x800  }
0x460: {  	[sflag:s8] =	ssyncset.done $0x0  }
0x461: {  	[sflag:s8] =	ssyncadd.s32 $0xFFFFF800  }
0x462: {  	_ =	swait.ge [sflag:s8], $0x800  }
0x463: {  	[sflag:s8] =	ssyncset.done $0x0  }
0x464: {  	[sflag:s8] =	ssyncadd.s32 $0xFFFFF800  }
0x465: {  	_ =	swait.ge [sflag:s8], $0x800  }
0x466: {  	[sflag:s8] =	ssyncset.done $0x0  }
0x467: {  	[sflag:s8] =	ssyncadd.s32 $0xFFFFF800  }
0x468: {  	_ =	swait.ge [sflag:s8], $0x800  }
0x469: {  	[sflag:s8] =	ssyncset.done $0x0  }
0x46a: {  	[sflag:s8] =	ssyncadd.s32 $0xFFFFF800  }
0x46b: {  	_ =	swait.ge [sflag:s8], $0x800  }
0x46c: {  	[sflag:s8] =	ssyncset.done $0x0  }
0x46d: {  	[sflag:s8] =	ssyncadd.s32 $0xFFFFF800  }
0x46e: {  	_ =	swait.ge [sflag:s8], $0x800  }
0x46f: {  	[sflag:s8] =	ssyncset.done $0x0  }
0x470: {  	[sflag:s8] =	ssyncadd.s32 $0xFFFFF800  }
0x471: {  	_ =	swait.ge [sflag:s8], $0x800  }
0x472: {  	[sflag:s8] =	ssyncset.done $0x0  }
0x473: {  	[sflag:s8] =	ssyncadd.s32 $0xFFFFF800  }
0x474: {  	_ =	swait.ge [sflag:s8], $0x800  }
0x475: {  	[sflag:s8] =	ssyncset.done $0x0  }
0x476: {  	[sflag:s8] =	ssyncadd.s32 $0xFFFFF800  }
0x477: {  	_ =	swait.ge [sflag:s8], $0x800  }
0x478: {  	[sflag:s8] =	ssyncset.done $0x0  }
0x479: {  	[sflag:s8] =	ssyncadd.s32 $0xFFFFF800  }
0x47a: {  	_ =	swait.ge [sflag:s8], $0x800  }
0x47b: {  	[sflag:s8] =	ssyncset.done $0x0  }
0x47c: {  	[sflag:s8] =	ssyncadd.s32 $0xFFFFF800  }
0x47d: {  	_ =	swait.ge [sflag:s8], $0x800  }
0x47e: {  	[sflag:s8] =	ssyncset.done $0x0  }
0x47f: {  	[sflag:s8] =	ssyncadd.s32 $0xFFFFF800  }
0x480: {  	_ =	swait.ge [sflag:s8], $0x800  }
0x481: {  	[sflag:s8] =	ssyncset.done $0x0  }
0x482: {  	[sflag:s8] =	ssyncadd.s32 $0xFFFFF800  }
0x483: {  	_ =	swait.ge [sflag:s8], $0x800  }
0x484: {  	[sflag:s8] =	ssyncset.done $0x0  }
0x485: {  	[sflag:s8] =	ssyncadd.s32 $0xFFFFF800  }
0x486: {  	_ =	swait.ge [sflag:s8], $0x800  }
0x487: {  	[sflag:s8] =	ssyncset.done $0x0  }
0x488: {  	[sflag:s8] =	ssyncadd.s32 $0xFFFFF800  }
0x489: {  	_ =	swait.ge [sflag:s8], $0x800  }
0x48a: {  	[sflag:s8] =	ssyncset.done $0x0  }
0x48b: {  	[sflag:s8] =	ssyncadd.s32 $0xFFFFF800  }
0x48c: {  	_ =	swait.ge [sflag:s8], $0x800  }
0x48d: {  	[sflag:s8] =	ssyncset.done $0x0  }
0x48e: {  	[sflag:s8] =	ssyncadd.s32 $0xFFFFF800  }
0x48f: {  	_ =	swait.ge [sflag:s8], $0x800  }
0x490: {  	[sflag:s8] =	ssyncset.done $0x0  }
0x491: {  	[sflag:s8] =	ssyncadd.s32 $0xFFFFF800  }
0x492: {  	_ =	swait.ge [sflag:s8], $0x800  }
0x493: {  	[sflag:s8] =	ssyncset.done $0x0  }
0x494: {  	[sflag:s8] =	ssyncadd.s32 $0xFFFFF800  }
0x495: {  	_ =	swait.ge [sflag:s8], $0x800  }
0x496: {  	[sflag:s8] =	ssyncset.done $0x0  }
0x497: {  	[sflag:s8] =	ssyncadd.s32 $0xFFFFF800  }
0x498: {  	_ =	swait.ge [sflag:s8], $0x800  }
0x499: {  	[sflag:s8] =	ssyncset.done $0x0  }
0x49a: {  	[sflag:s8] =	ssyncadd.s32 $0xFFFFF800  }
0x49b: {  	_ =	swait.ge [sflag:s8], $0x800  }
0x49c: {  	[sflag:s8] =	ssyncset.done $0x0  }
0x49d: {  	[sflag:s8] =	ssyncadd.s32 $0xFFFFF800  }
0x49e: {  	_ =	swait.ge [sflag:s8], $0x800  }
0x49f: {  	[sflag:s8] =	ssyncset.done $0x0  }
0x4a0: {  	[sflag:s8] =	ssyncadd.s32 $0xFFFFF800  }
0x4a1: {  	_ =	swait.ge [sflag:s8], $0x800  }
0x4a2: {  	[sflag:s8] =	ssyncset.done $0x0  }
0x4a3: {  	[sflag:s8] =	ssyncadd.s32 $0xFFFFF800  }
0x4a4: {  	_ =	swait.ge [sflag:s8], $0x800  }
0x4a5: {  	[sflag:s8] =	ssyncset.done $0x0  }
0x4a6: {  	[sflag:s8] =	ssyncadd.s32 $0xFFFFF800  }
0x4a7: {  	_ =	swait.ge [sflag:s8], $0x800  }
0x4a8: {  	[sflag:s8] =	ssyncset.done $0x0  }
0x4a9: {  	[sflag:s8] =	ssyncadd.s32 $0xFFFFF800  }
0x4aa: {  	_ =	swait.ge [sflag:s8], $0x800  }
0x4ab: {  	[sflag:s8] =	ssyncset.done $0x0  }
0x4ac: {  	[sflag:s8] =	ssyncadd.s32 $0xFFFFF800  }
0x4ad: {  	_ =	swait.ge [sflag:s8], $0x800  }
0x4ae: {  	[sflag:s8] =	ssyncset.done $0x0  }
0x4af: {  	[sflag:s8] =	ssyncadd.s32 $0xFFFFF800  }
0x4b0: {  	_ =	swait.ge [sflag:s8], $0x800  }
0x4b1: {  	[sflag:s8] =	ssyncset.done $0x0  }
0x4b2: {  	[sflag:s8] =	ssyncadd.s32 $0xFFFFF800  }
0x4b3: {  	p0 =	sne.s32 s11, $0x3E000;
	_ =	swait.ge [sflag:s8], $0x800  }
.Ltmp0:
0x4b4: {  	[sflag:s8] =	ssyncset.done $0x0;
	(pc) =	sbr.rel @p0 .LBB2_2-.Ltmp0, $4  }
0x4b5: {  	[sflag:s8] =	ssyncadd.s32 $0xFFFFF800  }
0x4b6: {  	_ =	swait.ge [sflag:s8], $0x800  }
0x4b7: {  	[sflag:s8] =	ssyncset.done $0x0  }
0x4b8: {  	s10 =	sadd.s32 $0x20, s10;
	s11 =	sadd.s32 $0x2000, s11;
	[sflag:s8] =	ssyncadd.s32 $0xFFFFF800  }
0x4b9: {  	s9 =	sadd.s32 $0x1, s9  }
0x4ba: {  	p0 =	sne.s32 s9, s5  }
.Ltmp1:
0x4bb: {  	_ = 	snop;
	(pc) =	sbr.rel @p0 .LBB2_1-.Ltmp1, $1  }
0x4bc: {  	_ =	sdelay $0x3  }
0x4bd: {  	_ =	sfence.sel $0x180000  }
0x4be: {  	[bflag:$0x0] =	sbarrier.arrive $0xFFFF  }
0x4bf: {  	p0 =	sne.s32 s2, $0x0;
	_ =	strace $0x90000047  }
0x4c0: {  	s0 =	sadd.s32 @!p0 $0x100000, s0;
	[bflag:$0x2] =	sbarrier.arrive $0xFFFF  }
0x4c1: {  	[sflag:s0] =	ssyncadd.tile.s32 @!p0 $0x1;
	_ =	shalt  }
.Lfunc_end2:
_tile_overlayer_lowered:
.L_overlay_start_2:
0x4c2: {  	(tag) =	ssettag $0x2  }
0x4c3: {  	s0 =	rddreg [dreg:$0x0];
	s2 =	stileid.u32  }
0x4c4: {  	s1 =	rddreg [dreg:$0x1];
	p0 =	sne.s32 s2, $0x0  }
0x4c5: {  	s3 =	rddreg [dreg:$0x2];
	[bflag:$0x3] =	sbarrier.arrive $0xFFFF;
	s2 =	simm.s32 @!p0 $0x1C02  }
0x4c6: {  	[timem:s3], [sflag:s2] =	dma.local @!p0 [hbm:s0], s1  }
0x4c7: {  	s0 =	simm.s32 @!p0 $0x2  }
0x4c8: {  	_ =	swait.ge @!p0 [sflag:s0], s1  }
0x4c9: {  	s1 =	ssub.s32 @!p0 $0x0, s1;
	[sflag:s0] =	ssyncset.done @!p0 $0x0  }
0x4ca: {  	[sflag:s0] =	ssyncadd.s32 @!p0 s1  }
0x4cb: {  	[bflag:$0x3] =	sbarrier.arrive $0xFFFF  }
0x4cc: {  	_ =	shalt  }

</sc_bundles>
